<compile_context>
chip_gen: v7x
topology: tpu7x:2x2x1
jax: 0.10.2.dev20260603
libtpu: 0.0.44.dev20260713+nightly
codegen_flags: <defaults>
</compile_context>

<pallas_src>
import functools

import jax
import jax.numpy as jnp
from jax import lax
from jax.experimental import pallas as pl
from jax.experimental.pallas import tpu as pltpu
from jax.experimental.pallas import tpu_sc as plsc

N = 10000
E = 320000
F = 128
NPH = 4
FQ = F // NPH

NC = 2
NS = 16
NW = NC * NS
CHUNK = 128
NCHUNK = 80
EPW = NCHUNK * CHUNK
EPAD = EPW * NW
TCHUNK = EPAD // CHUNK
NPAD = 10240
STRIPE = NPAD // NS

RB = 1280
GRID = NPAD // RB

DEGW = 16


@functools.cache
def _mesh():
    return plsc.VectorSubcoreMesh(
        core_axis_name="c", subcore_axis_name="s", num_cores=NC, num_subcores=NS
    )



def _agg_body(g_hbm, srci, dsti, out_hbm,
              srcv, dstv, rows0, rows1, gtab, acc, sem0, sem1):
    c = lax.axis_index("c")
    s = lax.axis_index("s")
    w = s * NC + c
    pltpu.sync_copy(srci.at[pl.ds(w * NCHUNK, NCHUNK)], srcv)
    pltpu.sync_copy(dsti.at[pl.ds(w * NCHUNK, NCHUNK)], dstv)
    stripe = pl.ds(s * STRIPE, STRIPE)

    for p in range(NPH):
        cols = pl.ds(p * FQ, FQ)
        pltpu.sync_copy(g_hbm.at[stripe, cols], gtab.at[stripe])
        pltpu.sync_copy(g_hbm.at[stripe, cols], acc.at[stripe])
        plsc.subcore_barrier()

        pltpu.async_copy(gtab.at[srcv.at[0]], rows0, sem0)

        def pair(j, carry):
            pltpu.make_async_copy(gtab.at[srcv.at[j]], rows0, sem0).wait()
            pltpu.async_copy(gtab.at[srcv.at[j + 1]], rows1, sem1)
            pltpu.sync_copy(rows0, acc.at[dstv.at[j]], add=True)
            pltpu.make_async_copy(gtab.at[srcv.at[j + 1]], rows1, sem1).wait()
            nxt = lax.rem(j + 2, NCHUNK)
            pltpu.async_copy(gtab.at[srcv.at[nxt]], rows0, sem0)
            pltpu.sync_copy(rows1, acc.at[dstv.at[j + 1]], add=True)
            return carry

        lax.fori_loop(0, NCHUNK // 2, lambda i, v: pair(2 * i, v), 0)
        pltpu.make_async_copy(gtab.at[srcv.at[0]], rows0, sem0).wait()

        plsc.subcore_barrier()
        pltpu.sync_copy(acc.at[stripe], out_hbm.at[c, stripe, cols])


@functools.cache
def _agg_call():
    return pl.kernel(
        _agg_body,
        out_type=jax.ShapeDtypeStruct((NC, NPAD, F), jnp.float32),
        name="sc_edge_agg",
        mesh=_mesh(),
        compiler_params=pltpu.CompilerParams(use_tc_tiling_on_sc=False),
        scratch_types=[
            pltpu.VMEM((NCHUNK, CHUNK), jnp.int32),
            pltpu.VMEM((NCHUNK, CHUNK), jnp.int32),
            pltpu.VMEM((CHUNK, FQ), jnp.float32),
            pltpu.VMEM((CHUNK, FQ), jnp.float32),
            pltpu.VMEM_SHARED((NPAD, FQ), jnp.float32),
            pltpu.VMEM_SHARED((NPAD, FQ), jnp.float32),
            pltpu.SemaphoreType.DMA,
            pltpu.SemaphoreType.DMA,
        ],
    )


def _deg_body(dsti, ones_hbm, zero_hbm, out_hbm, dstv, onesv, acc):
    c = lax.axis_index("c")
    s = lax.axis_index("s")
    w = s * NC + c
    pltpu.sync_copy(dsti.at[pl.ds(w * NCHUNK, NCHUNK)], dstv)
    pltpu.sync_copy(ones_hbm.at[w], onesv)
    stripe = pl.ds(s * STRIPE, STRIPE)
    pltpu.sync_copy(zero_hbm.at[w], acc.at[stripe])
    plsc.subcore_barrier()

    def body(j, carry):
        pltpu.sync_copy(onesv, acc.at[dstv.at[j]], add=True)
        return carry

    lax.fori_loop(0, NCHUNK, body, 0)
    plsc.subcore_barrier()
    pltpu.sync_copy(acc.at[stripe], out_hbm.at[c, stripe])


@functools.cache
def _deg_call():
    return pl.kernel(
        _deg_body,
        out_type=jax.ShapeDtypeStruct((NC, NPAD, DEGW), jnp.float32),
        name="sc_degree",
        mesh=_mesh(),
        compiler_params=pltpu.CompilerParams(use_tc_tiling_on_sc=False),
        scratch_types=[
            pltpu.VMEM((NCHUNK, CHUNK), jnp.int32),
            pltpu.VMEM((CHUNK, DEGW), jnp.float32),
            pltpu.VMEM_SHARED((NPAD, DEGW), jnp.float32),
        ],
    )



def _tc_g1_body(degp_ref, x_ref, w_ref, g_ref, dinv_ref):
    deg = degp_ref[0, :, 0:1] + degp_ref[1, :, 0:1] + 1.0
    dinv = lax.rsqrt(deg)
    h = jnp.dot(x_ref[...], w_ref[...], preferred_element_type=jnp.float32)
    g_ref[...] = h * dinv
    dinv_ref[...] = dinv


def _tc_mid_body(p_ref, gin_ref, dinv_ref, b_ref, w_ref, g_ref):
    dinv = dinv_ref[...]
    agg = p_ref[0] + p_ref[1] - gin_ref[...]
    t = jnp.maximum(dinv * agg + b_ref[...], 0.0)
    g_ref[...] = jnp.dot(t, w_ref[...], preferred_element_type=jnp.float32) * dinv


def _tc_out_body(p_ref, gin_ref, dinv_ref, b_ref, w_ref, bout_ref, y_ref):
    dinv = dinv_ref[...]
    agg = p_ref[0] + p_ref[1] - gin_ref[...]
    t = jnp.maximum(dinv * agg + b_ref[...], 0.0)
    logits = jnp.dot(t, w_ref[...], preferred_element_type=jnp.float32)
    logits = logits + bout_ref[...]
    m = jnp.max(logits, axis=1, keepdims=True)
    e = jnp.exp(logits - m)
    y_ref[...] = e / jnp.sum(e, axis=1, keepdims=True)


def _tc_g1(degp, xp, W1):
    return pl.pallas_call(
        _tc_g1_body,
        grid=(GRID,),
        in_specs=[
            pl.BlockSpec((NC, RB, DEGW), lambda i: (0, i, 0)),
            pl.BlockSpec((RB, F), lambda i: (i, 0)),
            pl.BlockSpec((F, F), lambda i: (0, 0)),
        ],
        out_specs=[
            pl.BlockSpec((RB, F), lambda i: (i, 0)),
            pl.BlockSpec((RB, 1), lambda i: (i, 0)),
        ],
        out_shape=[
            jax.ShapeDtypeStruct((NPAD, F), jnp.float32),
            jax.ShapeDtypeStruct((NPAD, 1), jnp.float32),
        ],
    )(degp, xp, W1)


def _tc_mid(p, gin, dinv, b, W):
    return pl.pallas_call(
        _tc_mid_body,
        grid=(GRID,),
        in_specs=[
            pl.BlockSpec((NC, RB, F), lambda i: (0, i, 0)),
            pl.BlockSpec((RB, F), lambda i: (i, 0)),
            pl.BlockSpec((RB, 1), lambda i: (i, 0)),
            pl.BlockSpec((1, F), lambda i: (0, 0)),
            pl.BlockSpec((F, F), lambda i: (0, 0)),
        ],
        out_specs=pl.BlockSpec((RB, F), lambda i: (i, 0)),
        out_shape=jax.ShapeDtypeStruct((NPAD, F), jnp.float32),
    )(p, gin, dinv, b, W)


def _tc_out(p, gin, dinv, b, W, bout):
    return pl.pallas_call(
        _tc_out_body,
        grid=(GRID,),
        in_specs=[
            pl.BlockSpec((NC, RB, F), lambda i: (0, i, 0)),
            pl.BlockSpec((RB, F), lambda i: (i, 0)),
            pl.BlockSpec((RB, 1), lambda i: (i, 0)),
            pl.BlockSpec((1, F), lambda i: (0, 0)),
            pl.BlockSpec((F, F), lambda i: (0, 0)),
            pl.BlockSpec((1, F), lambda i: (0, 0)),
        ],
        out_specs=pl.BlockSpec((RB, F), lambda i: (i, 0)),
        out_shape=jax.ShapeDtypeStruct((NPAD, F), jnp.float32),
    )(p, gin, dinv, b, W, bout)



def kernel(x, edge_index, batch, W1, b1, W2, b2, Wout, bout):
    f32 = jnp.float32
    src = edge_index[0]
    dst = edge_index[1]
    padlen = EPAD - E
    pad_idx = jnp.full((padlen,), N, jnp.int32)
    srcp = jnp.concatenate([src, pad_idx]).reshape(TCHUNK, CHUNK)
    dstp = jnp.concatenate([dst, pad_idx]).reshape(TCHUNK, CHUNK)
    xp = jnp.zeros((NPAD, F), f32).at[:N].set(x)
    zero_col = jnp.zeros((NW, STRIPE, DEGW), f32)
    ones_col = jnp.ones((NW, CHUNK, DEGW), f32)
    b1r = b1.reshape(1, F)
    b2r = b2.reshape(1, F)
    boutr = bout.reshape(1, F)

    degp = _deg_call()(dstp, ones_col, zero_col)
    g1, dinv = _tc_g1(degp, xp, W1)
    p1 = _agg_call()(g1, srcp, dstp)
    g2 = _tc_mid(p1, g1, dinv, b1r, W2)
    p2 = _agg_call()(g2, srcp, dstp)
    y = _tc_out(p2, g2, dinv, b2r, Wout, boutr)
    return y[:N]

# --- scband reference (transcript-rebuilt; emitter-appended) ---
"""Pipeline reference for scband-gcn-73203422593430 (READ-ONLY COPY).

The authoritative reference and input builder live on the scoring server;
editing this copy changes nothing except your own understanding.
"""

import jax, jax.numpy as jnp
import numpy as np

N = 10000
E = 320000
F_IN = 128
H = 128


def gcn_conv(x, edge_index, W, b):
    # PyG GCNConv: x' = D^{-1/2} (A + I) D^{-1/2} (x W) + b
    src = edge_index[0]
    dst = edge_index[1]
    loop = jnp.arange(N, dtype=src.dtype)
    src = jnp.concatenate([src, loop])
    dst = jnp.concatenate([dst, loop])
    deg = jnp.zeros((N,), dtype=jnp.float32).at[dst].add(1.0)
    dinv = jnp.where(deg > 0, 1.0 / jnp.sqrt(deg), 0.0)
    norm = dinv[src] * dinv[dst]
    h = x @ W
    msg = h[src] * norm[:, None]
    out = jnp.zeros((N, h.shape[1]), dtype=h.dtype).at[dst].add(msg)
    return out + b


def setup_inputs(seed: int = 0) -> dict:
    key = jax.random.key(seed)
    ks = jax.random.split(key, 10)
    x = jax.random.normal(ks[0], (N, F_IN), dtype=jnp.float32)
    edge_index = jax.random.randint(ks[1], (2, E), 0, N, dtype=jnp.int32)
    batch = jnp.zeros((N,), dtype=jnp.int32)
    s1 = 1.0 / np.sqrt(F_IN)
    s2 = 1.0 / np.sqrt(H)
    W1 = jax.random.uniform(ks[2], (F_IN, H), jnp.float32, -s1, s1)
    b1 = jnp.zeros((H,), dtype=jnp.float32)
    W2 = jax.random.uniform(ks[3], (H, H), jnp.float32, -s2, s2)
    b2 = jnp.zeros((H,), dtype=jnp.float32)
    Wout = jax.random.uniform(ks[4], (H, F_IN), jnp.float32, -s2, s2)
    bout = jax.random.uniform(ks[5], (F_IN,), jnp.float32, -s2, s2)
    return {"x": x, "edge_index": edge_index, "batch": batch,
            "W1": W1, "b1": b1, "W2": W2, "b2": b2,
            "Wout": Wout, "bout": bout}


def reference(x, edge_index, batch, W1, b1, W2, b2, Wout, bout):
    h = gcn_conv(x, edge_index, W1, b1)
    h = jax.nn.relu(h)
    # dropout p=0.0 -> identity
    h = gcn_conv(h, edge_index, W2, b2)
    h = jax.nn.relu(h)
    logits = h @ Wout + bout
    return jax.nn.softmax(logits, axis=1)

if __name__ == "__main__":
    import jax
    _d = setup_inputs()
    print(jax.jit(kernel)(*tuple(_d.values())))

</pallas_src>

<mosaic_0001>
#map = affine_map<(d0, d1) -> (0, 0)>
#map1 = affine_map<(d0, d1) -> (0, 0, 0)>
module attributes {stable_mosaic.version = 14 : i64} {
  func.func @sc_edge_agg(%arg0: i32, %arg1: i32, %arg2: memref<10240x128xf32, #tpu.memory_space<hbm>>, %arg3: memref<2560x128xi32, #tpu.memory_space<hbm>>, %arg4: memref<2560x128xi32, #tpu.memory_space<hbm>>, %arg5: memref<2x10240x128xf32, #tpu.memory_space<hbm>>, %arg6: memref<80x128xi32, #tpu.memory_space<vmem>>, %arg7: memref<80x128xi32, #tpu.memory_space<vmem>>, %arg8: memref<128x32xf32, #tpu.memory_space<vmem>>, %arg9: memref<128x32xf32, #tpu.memory_space<vmem>>, %arg10: memref<10240x32xf32, #tpu.memory_space<vmem_shared>>, %arg11: memref<10240x32xf32, #tpu.memory_space<vmem_shared>>, %arg12: memref<!tpu.dma_semaphore, #tpu.memory_space<semaphore_mem>>, %arg13: memref<!tpu.dma_semaphore, #tpu.memory_space<semaphore_mem>>) attributes {dimension_semantics = [#tpu.dimension_semantics<core_parallel>, #tpu.dimension_semantics<subcore_parallel>], iteration_bounds = array<i64: 2, 16>, scalar_prefetch = 0 : i64, scratch_operands = 8 : i64, tpu.core_type = #tpu.core_type<sc_vector_subcore>, window_params = [{transform_indices = #map}, {transform_indices = #map}, {transform_indices = #map}, {transform_indices = #map1}]} {
    %mul3A = arith.constant 2 : i32
    %mul3A_0 = arith.muli %arg1, %mul3A : i32
    %add3A = arith.addi %mul3A_0, %arg0 : i32
    %mul3A_1 = arith.constant 80 : i32
    %mul3A_2 = arith.muli %add3A, %mul3A_1 : i32
    "tpu.region"() ({
      %run_scoped3A = tpu.sem_alloc : memref<!tpu.dma_semaphore, #tpu.memory_space<semaphore_mem>>
      %dma_start3A_91 = arith.constant 0 : i32
      %dma_start3A_92 = tpu.memref_slice %arg3[%mul3A_2, %dma_start3A_91] : memref<2560x128xi32, #tpu.memory_space<hbm>> -> memref<80x128xi32, #tpu.memory_space<hbm>>
      %dma_start3A_93 = arith.constant 0 : i32
      %dma_start3A_94 = tpu.memref_slice %arg3[%mul3A_2, %dma_start3A_93] : memref<2560x128xi32, #tpu.memory_space<hbm>> -> memref<80x128xi32, #tpu.memory_space<hbm>>
      tpu.enqueue_dma source(%dma_start3A_94 : memref<80x128xi32, #tpu.memory_space<hbm>>) target(%arg6 : memref<80x128xi32, #tpu.memory_space<vmem>>) target_semaphore(%run_scoped3A : memref<!tpu.dma_semaphore, #tpu.memory_space<semaphore_mem>>)
      %dma_wait3A_95 = arith.constant 0 : i32
      %dma_wait3A_96 = tpu.memref_slice %arg3[%mul3A_2, %dma_wait3A_95] : memref<2560x128xi32, #tpu.memory_space<hbm>> -> memref<80x128xi32, #tpu.memory_space<hbm>>
      %dma_wait3A_97 = arith.constant 0 : i32
      %dma_wait3A_98 = tpu.memref_slice %arg3[%mul3A_2, %dma_wait3A_97] : memref<2560x128xi32, #tpu.memory_space<hbm>> -> memref<80x128xi32, #tpu.memory_space<hbm>>
      tpu.wait_dma2 semaphore(%run_scoped3A : memref<!tpu.dma_semaphore, #tpu.memory_space<semaphore_mem>>) src(%dma_wait3A_98 : memref<80x128xi32, #tpu.memory_space<hbm>>) dst(%arg6 : memref<80x128xi32, #tpu.memory_space<vmem>>)
      tpu.yield
    }) : () -> ()
    %mul3A_3 = arith.constant 80 : i32
    %mul3A_4 = arith.muli %add3A, %mul3A_3 : i32
    "tpu.region"() ({
      %run_scoped3A = tpu.sem_alloc : memref<!tpu.dma_semaphore, #tpu.memory_space<semaphore_mem>>
      %dma_start3A_91 = arith.constant 0 : i32
      %dma_start3A_92 = tpu.memref_slice %arg4[%mul3A_4, %dma_start3A_91] : memref<2560x128xi32, #tpu.memory_space<hbm>> -> memref<80x128xi32, #tpu.memory_space<hbm>>
      %dma_start3A_93 = arith.constant 0 : i32
      %dma_start3A_94 = tpu.memref_slice %arg4[%mul3A_4, %dma_start3A_93] : memref<2560x128xi32, #tpu.memory_space<hbm>> -> memref<80x128xi32, #tpu.memory_space<hbm>>
      tpu.enqueue_dma source(%dma_start3A_94 : memref<80x128xi32, #tpu.memory_space<hbm>>) target(%arg7 : memref<80x128xi32, #tpu.memory_space<vmem>>) target_semaphore(%run_scoped3A : memref<!tpu.dma_semaphore, #tpu.memory_space<semaphore_mem>>)
      %dma_wait3A_95 = arith.constant 0 : i32
      %dma_wait3A_96 = tpu.memref_slice %arg4[%mul3A_4, %dma_wait3A_95] : memref<2560x128xi32, #tpu.memory_space<hbm>> -> memref<80x128xi32, #tpu.memory_space<hbm>>
      %dma_wait3A_97 = arith.constant 0 : i32
      %dma_wait3A_98 = tpu.memref_slice %arg4[%mul3A_4, %dma_wait3A_97] : memref<2560x128xi32, #tpu.memory_space<hbm>> -> memref<80x128xi32, #tpu.memory_space<hbm>>
      tpu.wait_dma2 semaphore(%run_scoped3A : memref<!tpu.dma_semaphore, #tpu.memory_space<semaphore_mem>>) src(%dma_wait3A_98 : memref<80x128xi32, #tpu.memory_space<hbm>>) dst(%arg7 : memref<80x128xi32, #tpu.memory_space<vmem>>)
      tpu.yield
    }) : () -> ()
    %mul3A_5 = arith.constant 640 : i32
    %mul3A_6 = arith.muli %arg1, %mul3A_5 : i32
    "tpu.region"() ({
      %run_scoped3A = tpu.sem_alloc : memref<!tpu.dma_semaphore, #tpu.memory_space<semaphore_mem>>
      %dma_start3A_91 = arith.constant 0 : i32
      %dma_start3A_92 = tpu.memref_slice %arg10[%mul3A_6, %dma_start3A_91] : memref<10240x32xf32, #tpu.memory_space<vmem_shared>> -> memref<640x32xf32, #tpu.memory_space<vmem_shared>>
      %dma_start3A_93 = arith.constant 0 : i32
      %dma_start3A_94 = tpu.memref_slice %arg2[%mul3A_6, %dma_start3A_93] : memref<10240x128xf32, #tpu.memory_space<hbm>> -> memref<640x32xf32, #tpu.memory_space<hbm>>
      tpu.enqueue_dma source(%dma_start3A_94 : memref<640x32xf32, #tpu.memory_space<hbm>>) target(%dma_start3A_92 : memref<640x32xf32, #tpu.memory_space<vmem_shared>>) target_semaphore(%run_scoped3A : memref<!tpu.dma_semaphore, #tpu.memory_space<semaphore_mem>>)
      %dma_wait3A_95 = arith.constant 0 : i32
      %dma_wait3A_96 = tpu.memref_slice %arg10[%mul3A_6, %dma_wait3A_95] : memref<10240x32xf32, #tpu.memory_space<vmem_shared>> -> memref<640x32xf32, #tpu.memory_space<vmem_shared>>
      %dma_wait3A_97 = arith.constant 0 : i32
      %dma_wait3A_98 = tpu.memref_slice %arg2[%mul3A_6, %dma_wait3A_97] : memref<10240x128xf32, #tpu.memory_space<hbm>> -> memref<640x32xf32, #tpu.memory_space<hbm>>
      tpu.wait_dma2 semaphore(%run_scoped3A : memref<!tpu.dma_semaphore, #tpu.memory_space<semaphore_mem>>) src(%dma_wait3A_98 : memref<640x32xf32, #tpu.memory_space<hbm>>) dst(%dma_wait3A_96 : memref<640x32xf32, #tpu.memory_space<vmem_shared>>)
      tpu.yield
    }) : () -> ()
    "tpu.region"() ({
      %run_scoped3A = tpu.sem_alloc : memref<!tpu.dma_semaphore, #tpu.memory_space<semaphore_mem>>
      %dma_start3A_91 = arith.constant 0 : i32
      %dma_start3A_92 = tpu.memref_slice %arg11[%mul3A_6, %dma_start3A_91] : memref<10240x32xf32, #tpu.memory_space<vmem_shared>> -> memref<640x32xf32, #tpu.memory_space<vmem_shared>>
      %dma_start3A_93 = arith.constant 0 : i32
      %dma_start3A_94 = tpu.memref_slice %arg2[%mul3A_6, %dma_start3A_93] : memref<10240x128xf32, #tpu.memory_space<hbm>> -> memref<640x32xf32, #tpu.memory_space<hbm>>
      tpu.enqueue_dma source(%dma_start3A_94 : memref<640x32xf32, #tpu.memory_space<hbm>>) target(%dma_start3A_92 : memref<640x32xf32, #tpu.memory_space<vmem_shared>>) target_semaphore(%run_scoped3A : memref<!tpu.dma_semaphore, #tpu.memory_space<semaphore_mem>>)
      %dma_wait3A_95 = arith.constant 0 : i32
      %dma_wait3A_96 = tpu.memref_slice %arg11[%mul3A_6, %dma_wait3A_95] : memref<10240x32xf32, #tpu.memory_space<vmem_shared>> -> memref<640x32xf32, #tpu.memory_space<vmem_shared>>
      %dma_wait3A_97 = arith.constant 0 : i32
      %dma_wait3A_98 = tpu.memref_slice %arg2[%mul3A_6, %dma_wait3A_97] : memref<10240x128xf32, #tpu.memory_space<hbm>> -> memref<640x32xf32, #tpu.memory_space<hbm>>
      tpu.wait_dma2 semaphore(%run_scoped3A : memref<!tpu.dma_semaphore, #tpu.memory_space<semaphore_mem>>) src(%dma_wait3A_98 : memref<640x32xf32, #tpu.memory_space<hbm>>) dst(%dma_wait3A_96 : memref<640x32xf32, #tpu.memory_space<vmem_shared>>)
      tpu.yield
    }) : () -> ()
    %barrier3A = arith.constant 0 : index
    tpu.barrier barrier_id(%barrier3A)
    %dma_start3A = arith.constant 0 : i32
    %dma_start3A_7 = arith.constant 0 : i32
    %dma_start3A_8 = tpu.memref_slice %arg6[%dma_start3A, %dma_start3A_7] : memref<80x128xi32, #tpu.memory_space<vmem>> -> memref<1x128xi32, #tpu.memory_space<vmem>>
    %dma_start3A_9 = tpu.memref_squeeze %dma_start3A_8 : memref<1x128xi32, #tpu.memory_space<vmem>> -> memref<128xi32, #tpu.memory_space<vmem>>
    %dma_start3A_10 = arith.constant 0 : i32
    %dma_start3A_11 = arith.constant 0 : i32
    %dma_start3A_12 = tpu.memref_slice %arg10[%dma_start3A_10, %dma_start3A_11] : memref<10240x32xf32, #tpu.memory_space<vmem_shared>> -> memref<10240x32xf32, #tpu.memory_space<vmem_shared>>
    tpu.enqueue_indirect_dma source(%dma_start3A_12 : memref<10240x32xf32, #tpu.memory_space<vmem_shared>>) target(%arg8 : memref<128x32xf32, #tpu.memory_space<vmem>>) offsets(%dma_start3A_9 : memref<128xi32, #tpu.memory_space<vmem>>) semaphore(%arg12 : memref<!tpu.dma_semaphore, #tpu.memory_space<semaphore_mem>>)
    %scan3A = arith.constant 0 : i32
    %scan3A_13 = arith.constant 0 : i32
    %scan3A_14 = arith.constant 40 : i32
    %scan3A_15 = arith.addi %scan3A_13, %scan3A_14 : i32
    %scan3A_16 = arith.constant 1 : i32
    scf.for %scan3A_91 = %scan3A_13 to %scan3A_15 step %scan3A_16  : i32 {
      %mul3A_92 = arith.constant 2 : i32
      %mul3A_93 = arith.muli %mul3A_92, %scan3A_91 : i32
      %dma_wait3A_94 = arith.constant 0 : i32
      %dma_wait3A_95 = tpu.memref_slice %arg6[%mul3A_93, %dma_wait3A_94] : memref<80x128xi32, #tpu.memory_space<vmem>> -> memref<1x128xi32, #tpu.memory_space<vmem>>
      %dma_wait3A_96 = tpu.memref_squeeze %dma_wait3A_95 : memref<1x128xi32, #tpu.memory_space<vmem>> -> memref<128xi32, #tpu.memory_space<vmem>>
      %dma_wait3A_97 = arith.constant 0 : i32
      %dma_wait3A_98 = arith.constant 0 : i32
      %dma_wait3A_99 = tpu.memref_slice %arg10[%dma_wait3A_97, %dma_wait3A_98] : memref<10240x32xf32, #tpu.memory_space<vmem_shared>> -> memref<10240x32xf32, #tpu.memory_space<vmem_shared>>
      tpu.wait_indirect_dma semaphore(%arg12 : memref<!tpu.dma_semaphore, #tpu.memory_space<semaphore_mem>>) src(%dma_wait3A_99 : memref<10240x32xf32, #tpu.memory_space<vmem_shared>>) dst(%arg8 : memref<128x32xf32, #tpu.memory_space<vmem>>)
      %add3A_100 = arith.constant 1 : i32
      %add3A_101 = arith.addi %mul3A_93, %add3A_100 : i32
      %dma_start3A_102 = arith.constant 0 : i32
      %dma_start3A_103 = tpu.memref_slice %arg6[%add3A_101, %dma_start3A_102] : memref<80x128xi32, #tpu.memory_space<vmem>> -> memref<1x128xi32, #tpu.memory_space<vmem>>
      %dma_start3A_104 = tpu.memref_squeeze %dma_start3A_103 : memref<1x128xi32, #tpu.memory_space<vmem>> -> memref<128xi32, #tpu.memory_space<vmem>>
      %dma_start3A_105 = arith.constant 0 : i32
      %dma_start3A_106 = arith.constant 0 : i32
      %dma_start3A_107 = tpu.memref_slice %arg10[%dma_start3A_105, %dma_start3A_106] : memref<10240x32xf32, #tpu.memory_space<vmem_shared>> -> memref<10240x32xf32, #tpu.memory_space<vmem_shared>>
      tpu.enqueue_indirect_dma source(%dma_start3A_107 : memref<10240x32xf32, #tpu.memory_space<vmem_shared>>) target(%arg9 : memref<128x32xf32, #tpu.memory_space<vmem>>) offsets(%dma_start3A_104 : memref<128xi32, #tpu.memory_space<vmem>>) semaphore(%arg13 : memref<!tpu.dma_semaphore, #tpu.memory_space<semaphore_mem>>)
      "tpu.region"() ({
        %run_scoped3A = tpu.sem_alloc : memref<!tpu.dma_semaphore, #tpu.memory_space<semaphore_mem>>
        %dma_start3A_127 = arith.constant 0 : i32
        %dma_start3A_128 = tpu.memref_slice %arg7[%mul3A_93, %dma_start3A_127] : memref<80x128xi32, #tpu.memory_space<vmem>> -> memref<1x128xi32, #tpu.memory_space<vmem>>
        %dma_start3A_129 = tpu.memref_squeeze %dma_start3A_128 : memref<1x128xi32, #tpu.memory_space<vmem>> -> memref<128xi32, #tpu.memory_space<vmem>>
        %dma_start3A_130 = arith.constant 0 : i32
        %dma_start3A_131 = arith.constant 0 : i32
        %dma_start3A_132 = tpu.memref_slice %arg11[%dma_start3A_130, %dma_start3A_131] : memref<10240x32xf32, #tpu.memory_space<vmem_shared>> -> memref<10240x32xf32, #tpu.memory_space<vmem_shared>>
        tpu.enqueue_indirect_dma source(%arg8 : memref<128x32xf32, #tpu.memory_space<vmem>>) target(%dma_start3A_132 : memref<10240x32xf32, #tpu.memory_space<vmem_shared>>) offsets(%dma_start3A_129 : memref<128xi32, #tpu.memory_space<vmem>>) semaphore(%run_scoped3A : memref<!tpu.dma_semaphore, #tpu.memory_space<semaphore_mem>>) {add = true}
        %dma_wait3A_133 = arith.constant 0 : i32
        %dma_wait3A_134 = tpu.memref_slice %arg7[%mul3A_93, %dma_wait3A_133] : memref<80x128xi32, #tpu.memory_space<vmem>> -> memref<1x128xi32, #tpu.memory_space<vmem>>
        %dma_wait3A_135 = tpu.memref_squeeze %dma_wait3A_134 : memref<1x128xi32, #tpu.memory_space<vmem>> -> memref<128xi32, #tpu.memory_space<vmem>>
        %dma_wait3A_136 = arith.constant 0 : i32
        %dma_wait3A_137 = arith.constant 0 : i32
        %dma_wait3A_138 = tpu.memref_slice %arg11[%dma_wait3A_136, %dma_wait3A_137] : memref<10240x32xf32, #tpu.memory_space<vmem_shared>> -> memref<10240x32xf32, #tpu.memory_space<vmem_shared>>
        tpu.wait_indirect_dma semaphore(%run_scoped3A : memref<!tpu.dma_semaphore, #tpu.memory_space<semaphore_mem>>) src(%arg8 : memref<128x32xf32, #tpu.memory_space<vmem>>) dst(%dma_wait3A_138 : memref<10240x32xf32, #tpu.memory_space<vmem_shared>>)
        tpu.yield
      }) : () -> ()
      %add3A_108 = arith.constant 1 : i32
      %add3A_109 = arith.addi %mul3A_93, %add3A_108 : i32
      %dma_wait3A_110 = arith.constant 0 : i32
      %dma_wait3A_111 = tpu.memref_slice %arg6[%add3A_109, %dma_wait3A_110] : memref<80x128xi32, #tpu.memory_space<vmem>> -> memref<1x128xi32, #tpu.memory_space<vmem>>
      %dma_wait3A_112 = tpu.memref_squeeze %dma_wait3A_111 : memref<1x128xi32, #tpu.memory_space<vmem>> -> memref<128xi32, #tpu.memory_space<vmem>>
      %dma_wait3A_113 = arith.constant 0 : i32
      %dma_wait3A_114 = arith.constant 0 : i32
      %dma_wait3A_115 = tpu.memref_slice %arg10[%dma_wait3A_113, %dma_wait3A_114] : memref<10240x32xf32, #tpu.memory_space<vmem_shared>> -> memref<10240x32xf32, #tpu.memory_space<vmem_shared>>
      tpu.wait_indirect_dma semaphore(%arg13 : memref<!tpu.dma_semaphore, #tpu.memory_space<semaphore_mem>>) src(%dma_wait3A_115 : memref<10240x32xf32, #tpu.memory_space<vmem_shared>>) dst(%arg9 : memref<128x32xf32, #tpu.memory_space<vmem>>)
      %add3A_116 = arith.constant 2 : i32
      %add3A_117 = arith.addi %mul3A_93, %add3A_116 : i32
      %rem3A = arith.constant 80 : i32
      %rem3A_118 = arith.remsi %add3A_117, %rem3A : i32
      %dma_start3A_119 = arith.constant 0 : i32
      %dma_start3A_120 = tpu.memref_slice %arg6[%rem3A_118, %dma_start3A_119] : memref<80x128xi32, #tpu.memory_space<vmem>> -> memref<1x128xi32, #tpu.memory_space<vmem>>
      %dma_start3A_121 = tpu.memref_squeeze %dma_start3A_120 : memref<1x128xi32, #tpu.memory_space<vmem>> -> memref<128xi32, #tpu.memory_space<vmem>>
      %dma_start3A_122 = arith.constant 0 : i32
      %dma_start3A_123 = arith.constant 0 : i32
      %dma_start3A_124 = tpu.memref_slice %arg10[%dma_start3A_122, %dma_start3A_123] : memref<10240x32xf32, #tpu.memory_space<vmem_shared>> -> memref<10240x32xf32, #tpu.memory_space<vmem_shared>>
      tpu.enqueue_indirect_dma source(%dma_start3A_124 : memref<10240x32xf32, #tpu.memory_space<vmem_shared>>) target(%arg8 : memref<128x32xf32, #tpu.memory_space<vmem>>) offsets(%dma_start3A_121 : memref<128xi32, #tpu.memory_space<vmem>>) semaphore(%arg12 : memref<!tpu.dma_semaphore, #tpu.memory_space<semaphore_mem>>)
      %add3A_125 = arith.constant 1 : i32
      %add3A_126 = arith.addi %mul3A_93, %add3A_125 : i32
      "tpu.region"() ({
        %run_scoped3A = tpu.sem_alloc : memref<!tpu.dma_semaphore, #tpu.memory_space<semaphore_mem>>
        %dma_start3A_127 = arith.constant 0 : i32
        %dma_start3A_128 = tpu.memref_slice %arg7[%add3A_126, %dma_start3A_127] : memref<80x128xi32, #tpu.memory_space<vmem>> -> memref<1x128xi32, #tpu.memory_space<vmem>>
        %dma_start3A_129 = tpu.memref_squeeze %dma_start3A_128 : memref<1x128xi32, #tpu.memory_space<vmem>> -> memref<128xi32, #tpu.memory_space<vmem>>
        %dma_start3A_130 = arith.constant 0 : i32
        %dma_start3A_131 = arith.constant 0 : i32
        %dma_start3A_132 = tpu.memref_slice %arg11[%dma_start3A_130, %dma_start3A_131] : memref<10240x32xf32, #tpu.memory_space<vmem_shared>> -> memref<10240x32xf32, #tpu.memory_space<vmem_shared>>
        tpu.enqueue_indirect_dma source(%arg9 : memref<128x32xf32, #tpu.memory_space<vmem>>) target(%dma_start3A_132 : memref<10240x32xf32, #tpu.memory_space<vmem_shared>>) offsets(%dma_start3A_129 : memref<128xi32, #tpu.memory_space<vmem>>) semaphore(%run_scoped3A : memref<!tpu.dma_semaphore, #tpu.memory_space<semaphore_mem>>) {add = true}
        %dma_wait3A_133 = arith.constant 0 : i32
        %dma_wait3A_134 = tpu.memref_slice %arg7[%add3A_126, %dma_wait3A_133] : memref<80x128xi32, #tpu.memory_space<vmem>> -> memref<1x128xi32, #tpu.memory_space<vmem>>
        %dma_wait3A_135 = tpu.memref_squeeze %dma_wait3A_134 : memref<1x128xi32, #tpu.memory_space<vmem>> -> memref<128xi32, #tpu.memory_space<vmem>>
        %dma_wait3A_136 = arith.constant 0 : i32
        %dma_wait3A_137 = arith.constant 0 : i32
        %dma_wait3A_138 = tpu.memref_slice %arg11[%dma_wait3A_136, %dma_wait3A_137] : memref<10240x32xf32, #tpu.memory_space<vmem_shared>> -> memref<10240x32xf32, #tpu.memory_space<vmem_shared>>
        tpu.wait_indirect_dma semaphore(%run_scoped3A : memref<!tpu.dma_semaphore, #tpu.memory_space<semaphore_mem>>) src(%arg9 : memref<128x32xf32, #tpu.memory_space<vmem>>) dst(%dma_wait3A_138 : memref<10240x32xf32, #tpu.memory_space<vmem_shared>>)
        tpu.yield
      }) : () -> ()
    }
    %scan3A_17 = arith.constant 40 : i32
    %dma_wait3A = arith.constant 0 : i32
    %dma_wait3A_18 = arith.constant 0 : i32
    %dma_wait3A_19 = tpu.memref_slice %arg6[%dma_wait3A, %dma_wait3A_18] : memref<80x128xi32, #tpu.memory_space<vmem>> -> memref<1x128xi32, #tpu.memory_space<vmem>>
    %dma_wait3A_20 = tpu.memref_squeeze %dma_wait3A_19 : memref<1x128xi32, #tpu.memory_space<vmem>> -> memref<128xi32, #tpu.memory_space<vmem>>
    %dma_wait3A_21 = arith.constant 0 : i32
    %dma_wait3A_22 = arith.constant 0 : i32
    %dma_wait3A_23 = tpu.memref_slice %arg10[%dma_wait3A_21, %dma_wait3A_22] : memref<10240x32xf32, #tpu.memory_space<vmem_shared>> -> memref<10240x32xf32, #tpu.memory_space<vmem_shared>>
    tpu.wait_indirect_dma semaphore(%arg12 : memref<!tpu.dma_semaphore, #tpu.memory_space<semaphore_mem>>) src(%dma_wait3A_23 : memref<10240x32xf32, #tpu.memory_space<vmem_shared>>) dst(%arg8 : memref<128x32xf32, #tpu.memory_space<vmem>>)
    %barrier3A_24 = arith.constant 0 : index
    tpu.barrier barrier_id(%barrier3A_24)
    "tpu.region"() ({
      %run_scoped3A = tpu.sem_alloc : memref<!tpu.dma_semaphore, #tpu.memory_space<semaphore_mem>>
      %dma_start3A_91 = arith.constant 0 : i32
      %dma_start3A_92 = tpu.memref_slice %arg5[%arg0, %mul3A_6, %dma_start3A_91] : memref<2x10240x128xf32, #tpu.memory_space<hbm>> -> memref<1x640x32xf32, #tpu.memory_space<hbm>>
      %dma_start3A_93 = tpu.memref_squeeze %dma_start3A_92 : memref<1x640x32xf32, #tpu.memory_space<hbm>> -> memref<640x32xf32, #tpu.memory_space<hbm>>
      %dma_start3A_94 = arith.constant 0 : i32
      %dma_start3A_95 = tpu.memref_slice %arg11[%mul3A_6, %dma_start3A_94] : memref<10240x32xf32, #tpu.memory_space<vmem_shared>> -> memref<640x32xf32, #tpu.memory_space<vmem_shared>>
      tpu.enqueue_dma source(%dma_start3A_95 : memref<640x32xf32, #tpu.memory_space<vmem_shared>>) target(%dma_start3A_93 : memref<640x32xf32, #tpu.memory_space<hbm>>) target_semaphore(%run_scoped3A : memref<!tpu.dma_semaphore, #tpu.memory_space<semaphore_mem>>)
      %dma_wait3A_96 = arith.constant 0 : i32
      %dma_wait3A_97 = tpu.memref_slice %arg5[%arg0, %mul3A_6, %dma_wait3A_96] : memref<2x10240x128xf32, #tpu.memory_space<hbm>> -> memref<1x640x32xf32, #tpu.memory_space<hbm>>
      %dma_wait3A_98 = tpu.memref_squeeze %dma_wait3A_97 : memref<1x640x32xf32, #tpu.memory_space<hbm>> -> memref<640x32xf32, #tpu.memory_space<hbm>>
      %dma_wait3A_99 = arith.constant 0 : i32
      %dma_wait3A_100 = tpu.memref_slice %arg11[%mul3A_6, %dma_wait3A_99] : memref<10240x32xf32, #tpu.memory_space<vmem_shared>> -> memref<640x32xf32, #tpu.memory_space<vmem_shared>>
      tpu.wait_dma2 semaphore(%run_scoped3A : memref<!tpu.dma_semaphore, #tpu.memory_space<semaphore_mem>>) src(%dma_wait3A_100 : memref<640x32xf32, #tpu.memory_space<vmem_shared>>) dst(%dma_wait3A_98 : memref<640x32xf32, #tpu.memory_space<hbm>>)
      tpu.yield
    }) : () -> ()
    "tpu.region"() ({
      %run_scoped3A = tpu.sem_alloc : memref<!tpu.dma_semaphore, #tpu.memory_space<semaphore_mem>>
      %dma_start3A_91 = arith.constant 0 : i32
      %dma_start3A_92 = tpu.memref_slice %arg10[%mul3A_6, %dma_start3A_91] : memref<10240x32xf32, #tpu.memory_space<vmem_shared>> -> memref<640x32xf32, #tpu.memory_space<vmem_shared>>
      %dma_start3A_93 = arith.constant 32 : i32
      %dma_start3A_94 = tpu.memref_slice %arg2[%mul3A_6, %dma_start3A_93] : memref<10240x128xf32, #tpu.memory_space<hbm>> -> memref<640x32xf32, #tpu.memory_space<hbm>>
      tpu.enqueue_dma source(%dma_start3A_94 : memref<640x32xf32, #tpu.memory_space<hbm>>) target(%dma_start3A_92 : memref<640x32xf32, #tpu.memory_space<vmem_shared>>) target_semaphore(%run_scoped3A : memref<!tpu.dma_semaphore, #tpu.memory_space<semaphore_mem>>)
      %dma_wait3A_95 = arith.constant 0 : i32
      %dma_wait3A_96 = tpu.memref_slice %arg10[%mul3A_6, %dma_wait3A_95] : memref<10240x32xf32, #tpu.memory_space<vmem_shared>> -> memref<640x32xf32, #tpu.memory_space<vmem_shared>>
      %dma_wait3A_97 = arith.constant 32 : i32
      %dma_wait3A_98 = tpu.memref_slice %arg2[%mul3A_6, %dma_wait3A_97] : memref<10240x128xf32, #tpu.memory_space<hbm>> -> memref<640x32xf32, #tpu.memory_space<hbm>>
      tpu.wait_dma2 semaphore(%run_scoped3A : memref<!tpu.dma_semaphore, #tpu.memory_space<semaphore_mem>>) src(%dma_wait3A_98 : memref<640x32xf32, #tpu.memory_space<hbm>>) dst(%dma_wait3A_96 : memref<640x32xf32, #tpu.memory_space<vmem_shared>>)
      tpu.yield
    }) : () -> ()
    "tpu.region"() ({
      %run_scoped3A = tpu.sem_alloc : memref<!tpu.dma_semaphore, #tpu.memory_space<semaphore_mem>>
      %dma_start3A_91 = arith.constant 0 : i32
      %dma_start3A_92 = tpu.memref_slice %arg11[%mul3A_6, %dma_start3A_91] : memref<10240x32xf32, #tpu.memory_space<vmem_shared>> -> memref<640x32xf32, #tpu.memory_space<vmem_shared>>
      %dma_start3A_93 = arith.constant 32 : i32
      %dma_start3A_94 = tpu.memref_slice %arg2[%mul3A_6, %dma_start3A_93] : memref<10240x128xf32, #tpu.memory_space<hbm>> -> memref<640x32xf32, #tpu.memory_space<hbm>>
      tpu.enqueue_dma source(%dma_start3A_94 : memref<640x32xf32, #tpu.memory_space<hbm>>) target(%dma_start3A_92 : memref<640x32xf32, #tpu.memory_space<vmem_shared>>) target_semaphore(%run_scoped3A : memref<!tpu.dma_semaphore, #tpu.memory_space<semaphore_mem>>)
      %dma_wait3A_95 = arith.constant 0 : i32
      %dma_wait3A_96 = tpu.memref_slice %arg11[%mul3A_6, %dma_wait3A_95] : memref<10240x32xf32, #tpu.memory_space<vmem_shared>> -> memref<640x32xf32, #tpu.memory_space<vmem_shared>>
      %dma_wait3A_97 = arith.constant 32 : i32
      %dma_wait3A_98 = tpu.memref_slice %arg2[%mul3A_6, %dma_wait3A_97] : memref<10240x128xf32, #tpu.memory_space<hbm>> -> memref<640x32xf32, #tpu.memory_space<hbm>>
      tpu.wait_dma2 semaphore(%run_scoped3A : memref<!tpu.dma_semaphore, #tpu.memory_space<semaphore_mem>>) src(%dma_wait3A_98 : memref<640x32xf32, #tpu.memory_space<hbm>>) dst(%dma_wait3A_96 : memref<640x32xf32, #tpu.memory_space<vmem_shared>>)
      tpu.yield
    }) : () -> ()
    %barrier3A_25 = arith.constant 0 : index
    tpu.barrier barrier_id(%barrier3A_25)
    %dma_start3A_26 = arith.constant 0 : i32
    %dma_start3A_27 = arith.constant 0 : i32
    %dma_start3A_28 = tpu.memref_slice %arg6[%dma_start3A_26, %dma_start3A_27] : memref<80x128xi32, #tpu.memory_space<vmem>> -> memref<1x128xi32, #tpu.memory_space<vmem>>
    %dma_start3A_29 = tpu.memref_squeeze %dma_start3A_28 : memref<1x128xi32, #tpu.memory_space<vmem>> -> memref<128xi32, #tpu.memory_space<vmem>>
    %dma_start3A_30 = arith.constant 0 : i32
    %dma_start3A_31 = arith.constant 0 : i32
    %dma_start3A_32 = tpu.memref_slice %arg10[%dma_start3A_30, %dma_start3A_31] : memref<10240x32xf32, #tpu.memory_space<vmem_shared>> -> memref<10240x32xf32, #tpu.memory_space<vmem_shared>>
    tpu.enqueue_indirect_dma source(%dma_start3A_32 : memref<10240x32xf32, #tpu.memory_space<vmem_shared>>) target(%arg8 : memref<128x32xf32, #tpu.memory_space<vmem>>) offsets(%dma_start3A_29 : memref<128xi32, #tpu.memory_space<vmem>>) semaphore(%arg12 : memref<!tpu.dma_semaphore, #tpu.memory_space<semaphore_mem>>)
    %scan3A_33 = arith.constant 0 : i32
    %scan3A_34 = arith.constant 0 : i32
    %scan3A_35 = arith.constant 40 : i32
    %scan3A_36 = arith.addi %scan3A_34, %scan3A_35 : i32
    %scan3A_37 = arith.constant 1 : i32
    scf.for %scan3A_91 = %scan3A_34 to %scan3A_36 step %scan3A_37  : i32 {
      %mul3A_92 = arith.constant 2 : i32
      %mul3A_93 = arith.muli %mul3A_92, %scan3A_91 : i32
      %dma_wait3A_94 = arith.constant 0 : i32
      %dma_wait3A_95 = tpu.memref_slice %arg6[%mul3A_93, %dma_wait3A_94] : memref<80x128xi32, #tpu.memory_space<vmem>> -> memref<1x128xi32, #tpu.memory_space<vmem>>
      %dma_wait3A_96 = tpu.memref_squeeze %dma_wait3A_95 : memref<1x128xi32, #tpu.memory_space<vmem>> -> memref<128xi32, #tpu.memory_space<vmem>>
      %dma_wait3A_97 = arith.constant 0 : i32
      %dma_wait3A_98 = arith.constant 0 : i32
      %dma_wait3A_99 = tpu.memref_slice %arg10[%dma_wait3A_97, %dma_wait3A_98] : memref<10240x32xf32, #tpu.memory_space<vmem_shared>> -> memref<10240x32xf32, #tpu.memory_space<vmem_shared>>
      tpu.wait_indirect_dma semaphore(%arg12 : memref<!tpu.dma_semaphore, #tpu.memory_space<semaphore_mem>>) src(%dma_wait3A_99 : memref<10240x32xf32, #tpu.memory_space<vmem_shared>>) dst(%arg8 : memref<128x32xf32, #tpu.memory_space<vmem>>)
      %add3A_100 = arith.constant 1 : i32
      %add3A_101 = arith.addi %mul3A_93, %add3A_100 : i32
      %dma_start3A_102 = arith.constant 0 : i32
      %dma_start3A_103 = tpu.memref_slice %arg6[%add3A_101, %dma_start3A_102] : memref<80x128xi32, #tpu.memory_space<vmem>> -> memref<1x128xi32, #tpu.memory_space<vmem>>
      %dma_start3A_104 = tpu.memref_squeeze %dma_start3A_103 : memref<1x128xi32, #tpu.memory_space<vmem>> -> memref<128xi32, #tpu.memory_space<vmem>>
      %dma_start3A_105 = arith.constant 0 : i32
      %dma_start3A_106 = arith.constant 0 : i32
      %dma_start3A_107 = tpu.memref_slice %arg10[%dma_start3A_105, %dma_start3A_106] : memref<10240x32xf32, #tpu.memory_space<vmem_shared>> -> memref<10240x32xf32, #tpu.memory_space<vmem_shared>>
      tpu.enqueue_indirect_dma source(%dma_start3A_107 : memref<10240x32xf32, #tpu.memory_space<vmem_shared>>) target(%arg9 : memref<128x32xf32, #tpu.memory_space<vmem>>) offsets(%dma_start3A_104 : memref<128xi32, #tpu.memory_space<vmem>>) semaphore(%arg13 : memref<!tpu.dma_semaphore, #tpu.memory_space<semaphore_mem>>)
      "tpu.region"() ({
        %run_scoped3A = tpu.sem_alloc : memref<!tpu.dma_semaphore, #tpu.memory_space<semaphore_mem>>
        %dma_start3A_127 = arith.constant 0 : i32
        %dma_start3A_128 = tpu.memref_slice %arg7[%mul3A_93, %dma_start3A_127] : memref<80x128xi32, #tpu.memory_space<vmem>> -> memref<1x128xi32, #tpu.memory_space<vmem>>
        %dma_start3A_129 = tpu.memref_squeeze %dma_start3A_128 : memref<1x128xi32, #tpu.memory_space<vmem>> -> memref<128xi32, #tpu.memory_space<vmem>>
        %dma_start3A_130 = arith.constant 0 : i32
        %dma_start3A_131 = arith.constant 0 : i32
        %dma_start3A_132 = tpu.memref_slice %arg11[%dma_start3A_130, %dma_start3A_131] : memref<10240x32xf32, #tpu.memory_space<vmem_shared>> -> memref<10240x32xf32, #tpu.memory_space<vmem_shared>>
        tpu.enqueue_indirect_dma source(%arg8 : memref<128x32xf32, #tpu.memory_space<vmem>>) target(%dma_start3A_132 : memref<10240x32xf32, #tpu.memory_space<vmem_shared>>) offsets(%dma_start3A_129 : memref<128xi32, #tpu.memory_space<vmem>>) semaphore(%run_scoped3A : memref<!tpu.dma_semaphore, #tpu.memory_space<semaphore_mem>>) {add = true}
        %dma_wait3A_133 = arith.constant 0 : i32
        %dma_wait3A_134 = tpu.memref_slice %arg7[%mul3A_93, %dma_wait3A_133] : memref<80x128xi32, #tpu.memory_space<vmem>> -> memref<1x128xi32, #tpu.memory_space<vmem>>
        %dma_wait3A_135 = tpu.memref_squeeze %dma_wait3A_134 : memref<1x128xi32, #tpu.memory_space<vmem>> -> memref<128xi32, #tpu.memory_space<vmem>>
        %dma_wait3A_136 = arith.constant 0 : i32
        %dma_wait3A_137 = arith.constant 0 : i32
        %dma_wait3A_138 = tpu.memref_slice %arg11[%dma_wait3A_136, %dma_wait3A_137] : memref<10240x32xf32, #tpu.memory_space<vmem_shared>> -> memref<10240x32xf32, #tpu.memory_space<vmem_shared>>
        tpu.wait_indirect_dma semaphore(%run_scoped3A : memref<!tpu.dma_semaphore, #tpu.memory_space<semaphore_mem>>) src(%arg8 : memref<128x32xf32, #tpu.memory_space<vmem>>) dst(%dma_wait3A_138 : memref<10240x32xf32, #tpu.memory_space<vmem_shared>>)
        tpu.yield
      }) : () -> ()
      %add3A_108 = arith.constant 1 : i32
      %add3A_109 = arith.addi %mul3A_93, %add3A_108 : i32
      %dma_wait3A_110 = arith.constant 0 : i32
      %dma_wait3A_111 = tpu.memref_slice %arg6[%add3A_109, %dma_wait3A_110] : memref<80x128xi32, #tpu.memory_space<vmem>> -> memref<1x128xi32, #tpu.memory_space<vmem>>
      %dma_wait3A_112 = tpu.memref_squeeze %dma_wait3A_111 : memref<1x128xi32, #tpu.memory_space<vmem>> -> memref<128xi32, #tpu.memory_space<vmem>>
      %dma_wait3A_113 = arith.constant 0 : i32
      %dma_wait3A_114 = arith.constant 0 : i32
      %dma_wait3A_115 = tpu.memref_slice %arg10[%dma_wait3A_113, %dma_wait3A_114] : memref<10240x32xf32, #tpu.memory_space<vmem_shared>> -> memref<10240x32xf32, #tpu.memory_space<vmem_shared>>
      tpu.wait_indirect_dma semaphore(%arg13 : memref<!tpu.dma_semaphore, #tpu.memory_space<semaphore_mem>>) src(%dma_wait3A_115 : memref<10240x32xf32, #tpu.memory_space<vmem_shared>>) dst(%arg9 : memref<128x32xf32, #tpu.memory_space<vmem>>)
      %add3A_116 = arith.constant 2 : i32
      %add3A_117 = arith.addi %mul3A_93, %add3A_116 : i32
      %rem3A = arith.constant 80 : i32
      %rem3A_118 = arith.remsi %add3A_117, %rem3A : i32
      %dma_start3A_119 = arith.constant 0 : i32
      %dma_start3A_120 = tpu.memref_slice %arg6[%rem3A_118, %dma_start3A_119] : memref<80x128xi32, #tpu.memory_space<vmem>> -> memref<1x128xi32, #tpu.memory_space<vmem>>
      %dma_start3A_121 = tpu.memref_squeeze %dma_start3A_120 : memref<1x128xi32, #tpu.memory_space<vmem>> -> memref<128xi32, #tpu.memory_space<vmem>>
      %dma_start3A_122 = arith.constant 0 : i32
      %dma_start3A_123 = arith.constant 0 : i32
      %dma_start3A_124 = tpu.memref_slice %arg10[%dma_start3A_122, %dma_start3A_123] : memref<10240x32xf32, #tpu.memory_space<vmem_shared>> -> memref<10240x32xf32, #tpu.memory_space<vmem_shared>>
      tpu.enqueue_indirect_dma source(%dma_start3A_124 : memref<10240x32xf32, #tpu.memory_space<vmem_shared>>) target(%arg8 : memref<128x32xf32, #tpu.memory_space<vmem>>) offsets(%dma_start3A_121 : memref<128xi32, #tpu.memory_space<vmem>>) semaphore(%arg12 : memref<!tpu.dma_semaphore, #tpu.memory_space<semaphore_mem>>)
      %add3A_125 = arith.constant 1 : i32
      %add3A_126 = arith.addi %mul3A_93, %add3A_125 : i32
      "tpu.region"() ({
        %run_scoped3A = tpu.sem_alloc : memref<!tpu.dma_semaphore, #tpu.memory_space<semaphore_mem>>
        %dma_start3A_127 = arith.constant 0 : i32
        %dma_start3A_128 = tpu.memref_slice %arg7[%add3A_126, %dma_start3A_127] : memref<80x128xi32, #tpu.memory_space<vmem>> -> memref<1x128xi32, #tpu.memory_space<vmem>>
        %dma_start3A_129 = tpu.memref_squeeze %dma_start3A_128 : memref<1x128xi32, #tpu.memory_space<vmem>> -> memref<128xi32, #tpu.memory_space<vmem>>
        %dma_start3A_130 = arith.constant 0 : i32
        %dma_start3A_131 = arith.constant 0 : i32
        %dma_start3A_132 = tpu.memref_slice %arg11[%dma_start3A_130, %dma_start3A_131] : memref<10240x32xf32, #tpu.memory_space<vmem_shared>> -> memref<10240x32xf32, #tpu.memory_space<vmem_shared>>
        tpu.enqueue_indirect_dma source(%arg9 : memref<128x32xf32, #tpu.memory_space<vmem>>) target(%dma_start3A_132 : memref<10240x32xf32, #tpu.memory_space<vmem_shared>>) offsets(%dma_start3A_129 : memref<128xi32, #tpu.memory_space<vmem>>) semaphore(%run_scoped3A : memref<!tpu.dma_semaphore, #tpu.memory_space<semaphore_mem>>) {add = true}
        %dma_wait3A_133 = arith.constant 0 : i32
        %dma_wait3A_134 = tpu.memref_slice %arg7[%add3A_126, %dma_wait3A_133] : memref<80x128xi32, #tpu.memory_space<vmem>> -> memref<1x128xi32, #tpu.memory_space<vmem>>
        %dma_wait3A_135 = tpu.memref_squeeze %dma_wait3A_134 : memref<1x128xi32, #tpu.memory_space<vmem>> -> memref<128xi32, #tpu.memory_space<vmem>>
        %dma_wait3A_136 = arith.constant 0 : i32
        %dma_wait3A_137 = arith.constant 0 : i32
        %dma_wait3A_138 = tpu.memref_slice %arg11[%dma_wait3A_136, %dma_wait3A_137] : memref<10240x32xf32, #tpu.memory_space<vmem_shared>> -> memref<10240x32xf32, #tpu.memory_space<vmem_shared>>
        tpu.wait_indirect_dma semaphore(%run_scoped3A : memref<!tpu.dma_semaphore, #tpu.memory_space<semaphore_mem>>) src(%arg9 : memref<128x32xf32, #tpu.memory_space<vmem>>) dst(%dma_wait3A_138 : memref<10240x32xf32, #tpu.memory_space<vmem_shared>>)
        tpu.yield
      }) : () -> ()
    }
    %scan3A_38 = arith.constant 40 : i32
    %dma_wait3A_39 = arith.constant 0 : i32
    %dma_wait3A_40 = arith.constant 0 : i32
    %dma_wait3A_41 = tpu.memref_slice %arg6[%dma_wait3A_39, %dma_wait3A_40] : memref<80x128xi32, #tpu.memory_space<vmem>> -> memref<1x128xi32, #tpu.memory_space<vmem>>
    %dma_wait3A_42 = tpu.memref_squeeze %dma_wait3A_41 : memref<1x128xi32, #tpu.memory_space<vmem>> -> memref<128xi32, #tpu.memory_space<vmem>>
    %dma_wait3A_43 = arith.constant 0 : i32
    %dma_wait3A_44 = arith.constant 0 : i32
    %dma_wait3A_45 = tpu.memref_slice %arg10[%dma_wait3A_43, %dma_wait3A_44] : memref<10240x32xf32, #tpu.memory_space<vmem_shared>> -> memref<10240x32xf32, #tpu.memory_space<vmem_shared>>
    tpu.wait_indirect_dma semaphore(%arg12 : memref<!tpu.dma_semaphore, #tpu.memory_space<semaphore_mem>>) src(%dma_wait3A_45 : memref<10240x32xf32, #tpu.memory_space<vmem_shared>>) dst(%arg8 : memref<128x32xf32, #tpu.memory_space<vmem>>)
    %barrier3A_46 = arith.constant 0 : index
    tpu.barrier barrier_id(%barrier3A_46)
    "tpu.region"() ({
      %run_scoped3A = tpu.sem_alloc : memref<!tpu.dma_semaphore, #tpu.memory_space<semaphore_mem>>
      %dma_start3A_91 = arith.constant 32 : i32
      %dma_start3A_92 = tpu.memref_slice %arg5[%arg0, %mul3A_6, %dma_start3A_91] : memref<2x10240x128xf32, #tpu.memory_space<hbm>> -> memref<1x640x32xf32, #tpu.memory_space<hbm>>
      %dma_start3A_93 = tpu.memref_squeeze %dma_start3A_92 : memref<1x640x32xf32, #tpu.memory_space<hbm>> -> memref<640x32xf32, #tpu.memory_space<hbm>>
      %dma_start3A_94 = arith.constant 0 : i32
      %dma_start3A_95 = tpu.memref_slice %arg11[%mul3A_6, %dma_start3A_94] : memref<10240x32xf32, #tpu.memory_space<vmem_shared>> -> memref<640x32xf32, #tpu.memory_space<vmem_shared>>
      tpu.enqueue_dma source(%dma_start3A_95 : memref<640x32xf32, #tpu.memory_space<vmem_shared>>) target(%dma_start3A_93 : memref<640x32xf32, #tpu.memory_space<hbm>>) target_semaphore(%run_scoped3A : memref<!tpu.dma_semaphore, #tpu.memory_space<semaphore_mem>>)
      %dma_wait3A_96 = arith.constant 32 : i32
      %dma_wait3A_97 = tpu.memref_slice %arg5[%arg0, %mul3A_6, %dma_wait3A_96] : memref<2x10240x128xf32, #tpu.memory_space<hbm>> -> memref<1x640x32xf32, #tpu.memory_space<hbm>>
      %dma_wait3A_98 = tpu.memref_squeeze %dma_wait3A_97 : memref<1x640x32xf32, #tpu.memory_space<hbm>> -> memref<640x32xf32, #tpu.memory_space<hbm>>
      %dma_wait3A_99 = arith.constant 0 : i32
      %dma_wait3A_100 = tpu.memref_slice %arg11[%mul3A_6, %dma_wait3A_99] : memref<10240x32xf32, #tpu.memory_space<vmem_shared>> -> memref<640x32xf32, #tpu.memory_space<vmem_shared>>
      tpu.wait_dma2 semaphore(%run_scoped3A : memref<!tpu.dma_semaphore, #tpu.memory_space<semaphore_mem>>) src(%dma_wait3A_100 : memref<640x32xf32, #tpu.memory_space<vmem_shared>>) dst(%dma_wait3A_98 : memref<640x32xf32, #tpu.memory_space<hbm>>)
      tpu.yield
    }) : () -> ()
    "tpu.region"() ({
      %run_scoped3A = tpu.sem_alloc : memref<!tpu.dma_semaphore, #tpu.memory_space<semaphore_mem>>
      %dma_start3A_91 = arith.constant 0 : i32
      %dma_start3A_92 = tpu.memref_slice %arg10[%mul3A_6, %dma_start3A_91] : memref<10240x32xf32, #tpu.memory_space<vmem_shared>> -> memref<640x32xf32, #tpu.memory_space<vmem_shared>>
      %dma_start3A_93 = arith.constant 64 : i32
      %dma_start3A_94 = tpu.memref_slice %arg2[%mul3A_6, %dma_start3A_93] : memref<10240x128xf32, #tpu.memory_space<hbm>> -> memref<640x32xf32, #tpu.memory_space<hbm>>
      tpu.enqueue_dma source(%dma_start3A_94 : memref<640x32xf32, #tpu.memory_space<hbm>>) target(%dma_start3A_92 : memref<640x32xf32, #tpu.memory_space<vmem_shared>>) target_semaphore(%run_scoped3A : memref<!tpu.dma_semaphore, #tpu.memory_space<semaphore_mem>>)
      %dma_wait3A_95 = arith.constant 0 : i32
      %dma_wait3A_96 = tpu.memref_slice %arg10[%mul3A_6, %dma_wait3A_95] : memref<10240x32xf32, #tpu.memory_space<vmem_shared>> -> memref<640x32xf32, #tpu.memory_space<vmem_shared>>
      %dma_wait3A_97 = arith.constant 64 : i32
      %dma_wait3A_98 = tpu.memref_slice %arg2[%mul3A_6, %dma_wait3A_97] : memref<10240x128xf32, #tpu.memory_space<hbm>> -> memref<640x32xf32, #tpu.memory_space<hbm>>
      tpu.wait_dma2 semaphore(%run_scoped3A : memref<!tpu.dma_semaphore, #tpu.memory_space<semaphore_mem>>) src(%dma_wait3A_98 : memref<640x32xf32, #tpu.memory_space<hbm>>) dst(%dma_wait3A_96 : memref<640x32xf32, #tpu.memory_space<vmem_shared>>)
      tpu.yield
    }) : () -> ()
    "tpu.region"() ({
      %run_scoped3A = tpu.sem_alloc : memref<!tpu.dma_semaphore, #tpu.memory_space<semaphore_mem>>
      %dma_start3A_91 = arith.constant 0 : i32
      %dma_start3A_92 = tpu.memref_slice %arg11[%mul3A_6, %dma_start3A_91] : memref<10240x32xf32, #tpu.memory_space<vmem_shared>> -> memref<640x32xf32, #tpu.memory_space<vmem_shared>>
      %dma_start3A_93 = arith.constant 64 : i32
      %dma_start3A_94 = tpu.memref_slice %arg2[%mul3A_6, %dma_start3A_93] : memref<10240x128xf32, #tpu.memory_space<hbm>> -> memref<640x32xf32, #tpu.memory_space<hbm>>
      tpu.enqueue_dma source(%dma_start3A_94 : memref<640x32xf32, #tpu.memory_space<hbm>>) target(%dma_start3A_92 : memref<640x32xf32, #tpu.memory_space<vmem_shared>>) target_semaphore(%run_scoped3A : memref<!tpu.dma_semaphore, #tpu.memory_space<semaphore_mem>>)
      %dma_wait3A_95 = arith.constant 0 : i32
      %dma_wait3A_96 = tpu.memref_slice %arg11[%mul3A_6, %dma_wait3A_95] : memref<10240x32xf32, #tpu.memory_space<vmem_shared>> -> memref<640x32xf32, #tpu.memory_space<vmem_shared>>
      %dma_wait3A_97 = arith.constant 64 : i32
      %dma_wait3A_98 = tpu.memref_slice %arg2[%mul3A_6, %dma_wait3A_97] : memref<10240x128xf32, #tpu.memory_space<hbm>> -> memref<640x32xf32, #tpu.memory_space<hbm>>
      tpu.wait_dma2 semaphore(%run_scoped3A : memref<!tpu.dma_semaphore, #tpu.memory_space<semaphore_mem>>) src(%dma_wait3A_98 : memref<640x32xf32, #tpu.memory_space<hbm>>) dst(%dma_wait3A_96 : memref<640x32xf32, #tpu.memory_space<vmem_shared>>)
      tpu.yield
    }) : () -> ()
    %barrier3A_47 = arith.constant 0 : index
    tpu.barrier barrier_id(%barrier3A_47)
    %dma_start3A_48 = arith.constant 0 : i32
    %dma_start3A_49 = arith.constant 0 : i32
    %dma_start3A_50 = tpu.memref_slice %arg6[%dma_start3A_48, %dma_start3A_49] : memref<80x128xi32, #tpu.memory_space<vmem>> -> memref<1x128xi32, #tpu.memory_space<vmem>>
    %dma_start3A_51 = tpu.memref_squeeze %dma_start3A_50 : memref<1x128xi32, #tpu.memory_space<vmem>> -> memref<128xi32, #tpu.memory_space<vmem>>
    %dma_start3A_52 = arith.constant 0 : i32
    %dma_start3A_53 = arith.constant 0 : i32
    %dma_start3A_54 = tpu.memref_slice %arg10[%dma_start3A_52, %dma_start3A_53] : memref<10240x32xf32, #tpu.memory_space<vmem_shared>> -> memref<10240x32xf32, #tpu.memory_space<vmem_shared>>
    tpu.enqueue_indirect_dma source(%dma_start3A_54 : memref<10240x32xf32, #tpu.memory_space<vmem_shared>>) target(%arg8 : memref<128x32xf32, #tpu.memory_space<vmem>>) offsets(%dma_start3A_51 : memref<128xi32, #tpu.memory_space<vmem>>) semaphore(%arg12 : memref<!tpu.dma_semaphore, #tpu.memory_space<semaphore_mem>>)
    %scan3A_55 = arith.constant 0 : i32
    %scan3A_56 = arith.constant 0 : i32
    %scan3A_57 = arith.constant 40 : i32
    %scan3A_58 = arith.addi %scan3A_56, %scan3A_57 : i32
    %scan3A_59 = arith.constant 1 : i32
    scf.for %scan3A_91 = %scan3A_56 to %scan3A_58 step %scan3A_59  : i32 {
      %mul3A_92 = arith.constant 2 : i32
      %mul3A_93 = arith.muli %mul3A_92, %scan3A_91 : i32
      %dma_wait3A_94 = arith.constant 0 : i32
      %dma_wait3A_95 = tpu.memref_slice %arg6[%mul3A_93, %dma_wait3A_94] : memref<80x128xi32, #tpu.memory_space<vmem>> -> memref<1x128xi32, #tpu.memory_space<vmem>>
      %dma_wait3A_96 = tpu.memref_squeeze %dma_wait3A_95 : memref<1x128xi32, #tpu.memory_space<vmem>> -> memref<128xi32, #tpu.memory_space<vmem>>
      %dma_wait3A_97 = arith.constant 0 : i32
      %dma_wait3A_98 = arith.constant 0 : i32
      %dma_wait3A_99 = tpu.memref_slice %arg10[%dma_wait3A_97, %dma_wait3A_98] : memref<10240x32xf32, #tpu.memory_space<vmem_shared>> -> memref<10240x32xf32, #tpu.memory_space<vmem_shared>>
      tpu.wait_indirect_dma semaphore(%arg12 : memref<!tpu.dma_semaphore, #tpu.memory_space<semaphore_mem>>) src(%dma_wait3A_99 : memref<10240x32xf32, #tpu.memory_space<vmem_shared>>) dst(%arg8 : memref<128x32xf32, #tpu.memory_space<vmem>>)
      %add3A_100 = arith.constant 1 : i32
      %add3A_101 = arith.addi %mul3A_93, %add3A_100 : i32
      %dma_start3A_102 = arith.constant 0 : i32
      %dma_start3A_103 = tpu.memref_slice %arg6[%add3A_101, %dma_start3A_102] : memref<80x128xi32, #tpu.memory_space<vmem>> -> memref<1x128xi32, #tpu.memory_space<vmem>>
      %dma_start3A_104 = tpu.memref_squeeze %dma_start3A_103 : memref<1x128xi32, #tpu.memory_space<vmem>> -> memref<128xi32, #tpu.memory_space<vmem>>
      %dma_start3A_105 = arith.constant 0 : i32
      %dma_start3A_106 = arith.constant 0 : i32
      %dma_start3A_107 = tpu.memref_slice %arg10[%dma_start3A_105, %dma_start3A_106] : memref<10240x32xf32, #tpu.memory_space<vmem_shared>> -> memref<10240x32xf32, #tpu.memory_space<vmem_shared>>
      tpu.enqueue_indirect_dma source(%dma_start3A_107 : memref<10240x32xf32, #tpu.memory_space<vmem_shared>>) target(%arg9 : memref<128x32xf32, #tpu.memory_space<vmem>>) offsets(%dma_start3A_104 : memref<128xi32, #tpu.memory_space<vmem>>) semaphore(%arg13 : memref<!tpu.dma_semaphore, #tpu.memory_space<semaphore_mem>>)
      "tpu.region"() ({
        %run_scoped3A = tpu.sem_alloc : memref<!tpu.dma_semaphore, #tpu.memory_space<semaphore_mem>>
        %dma_start3A_127 = arith.constant 0 : i32
        %dma_start3A_128 = tpu.memref_slice %arg7[%mul3A_93, %dma_start3A_127] : memref<80x128xi32, #tpu.memory_space<vmem>> -> memref<1x128xi32, #tpu.memory_space<vmem>>
        %dma_start3A_129 = tpu.memref_squeeze %dma_start3A_128 : memref<1x128xi32, #tpu.memory_space<vmem>> -> memref<128xi32, #tpu.memory_space<vmem>>
        %dma_start3A_130 = arith.constant 0 : i32
        %dma_start3A_131 = arith.constant 0 : i32
        %dma_start3A_132 = tpu.memref_slice %arg11[%dma_start3A_130, %dma_start3A_131] : memref<10240x32xf32, #tpu.memory_space<vmem_shared>> -> memref<10240x32xf32, #tpu.memory_space<vmem_shared>>
        tpu.enqueue_indirect_dma source(%arg8 : memref<128x32xf32, #tpu.memory_space<vmem>>) target(%dma_start3A_132 : memref<10240x32xf32, #tpu.memory_space<vmem_shared>>) offsets(%dma_start3A_129 : memref<128xi32, #tpu.memory_space<vmem>>) semaphore(%run_scoped3A : memref<!tpu.dma_semaphore, #tpu.memory_space<semaphore_mem>>) {add = true}
        %dma_wait3A_133 = arith.constant 0 : i32
        %dma_wait3A_134 = tpu.memref_slice %arg7[%mul3A_93, %dma_wait3A_133] : memref<80x128xi32, #tpu.memory_space<vmem>> -> memref<1x128xi32, #tpu.memory_space<vmem>>
        %dma_wait3A_135 = tpu.memref_squeeze %dma_wait3A_134 : memref<1x128xi32, #tpu.memory_space<vmem>> -> memref<128xi32, #tpu.memory_space<vmem>>
        %dma_wait3A_136 = arith.constant 0 : i32
        %dma_wait3A_137 = arith.constant 0 : i32
        %dma_wait3A_138 = tpu.memref_slice %arg11[%dma_wait3A_136, %dma_wait3A_137] : memref<10240x32xf32, #tpu.memory_space<vmem_shared>> -> memref<10240x32xf32, #tpu.memory_space<vmem_shared>>
        tpu.wait_indirect_dma semaphore(%run_scoped3A : memref<!tpu.dma_semaphore, #tpu.memory_space<semaphore_mem>>) src(%arg8 : memref<128x32xf32, #tpu.memory_space<vmem>>) dst(%dma_wait3A_138 : memref<10240x32xf32, #tpu.memory_space<vmem_shared>>)
        tpu.yield
      }) : () -> ()
      %add3A_108 = arith.constant 1 : i32
      %add3A_109 = arith.addi %mul3A_93, %add3A_108 : i32
      %dma_wait3A_110 = arith.constant 0 : i32
      %dma_wait3A_111 = tpu.memref_slice %arg6[%add3A_109, %dma_wait3A_110] : memref<80x128xi32, #tpu.memory_space<vmem>> -> memref<1x128xi32, #tpu.memory_space<vmem>>
      %dma_wait3A_112 = tpu.memref_squeeze %dma_wait3A_111 : memref<1x128xi32, #tpu.memory_space<vmem>> -> memref<128xi32, #tpu.memory_space<vmem>>
      %dma_wait3A_113 = arith.constant 0 : i32
      %dma_wait3A_114 = arith.constant 0 : i32
      %dma_wait3A_115 = tpu.memref_slice %arg10[%dma_wait3A_113, %dma_wait3A_114] : memref<10240x32xf32, #tpu.memory_space<vmem_shared>> -> memref<10240x32xf32, #tpu.memory_space<vmem_shared>>
      tpu.wait_indirect_dma semaphore(%arg13 : memref<!tpu.dma_semaphore, #tpu.memory_space<semaphore_mem>>) src(%dma_wait3A_115 : memref<10240x32xf32, #tpu.memory_space<vmem_shared>>) dst(%arg9 : memref<128x32xf32, #tpu.memory_space<vmem>>)
      %add3A_116 = arith.constant 2 : i32
      %add3A_117 = arith.addi %mul3A_93, %add3A_116 : i32
      %rem3A = arith.constant 80 : i32
      %rem3A_118 = arith.remsi %add3A_117, %rem3A : i32
      %dma_start3A_119 = arith.constant 0 : i32
      %dma_start3A_120 = tpu.memref_slice %arg6[%rem3A_118, %dma_start3A_119] : memref<80x128xi32, #tpu.memory_space<vmem>> -> memref<1x128xi32, #tpu.memory_space<vmem>>
      %dma_start3A_121 = tpu.memref_squeeze %dma_start3A_120 : memref<1x128xi32, #tpu.memory_space<vmem>> -> memref<128xi32, #tpu.memory_space<vmem>>
      %dma_start3A_122 = arith.constant 0 : i32
      %dma_start3A_123 = arith.constant 0 : i32
      %dma_start3A_124 = tpu.memref_slice %arg10[%dma_start3A_122, %dma_start3A_123] : memref<10240x32xf32, #tpu.memory_space<vmem_shared>> -> memref<10240x32xf32, #tpu.memory_space<vmem_shared>>
      tpu.enqueue_indirect_dma source(%dma_start3A_124 : memref<10240x32xf32, #tpu.memory_space<vmem_shared>>) target(%arg8 : memref<128x32xf32, #tpu.memory_space<vmem>>) offsets(%dma_start3A_121 : memref<128xi32, #tpu.memory_space<vmem>>) semaphore(%arg12 : memref<!tpu.dma_semaphore, #tpu.memory_space<semaphore_mem>>)
      %add3A_125 = arith.constant 1 : i32
      %add3A_126 = arith.addi %mul3A_93, %add3A_125 : i32
      "tpu.region"() ({
        %run_scoped3A = tpu.sem_alloc : memref<!tpu.dma_semaphore, #tpu.memory_space<semaphore_mem>>
        %dma_start3A_127 = arith.constant 0 : i32
        %dma_start3A_128 = tpu.memref_slice %arg7[%add3A_126, %dma_start3A_127] : memref<80x128xi32, #tpu.memory_space<vmem>> -> memref<1x128xi32, #tpu.memory_space<vmem>>
        %dma_start3A_129 = tpu.memref_squeeze %dma_start3A_128 : memref<1x128xi32, #tpu.memory_space<vmem>> -> memref<128xi32, #tpu.memory_space<vmem>>
        %dma_start3A_130 = arith.constant 0 : i32
        %dma_start3A_131 = arith.constant 0 : i32
        %dma_start3A_132 = tpu.memref_slice %arg11[%dma_start3A_130, %dma_start3A_131] : memref<10240x32xf32, #tpu.memory_space<vmem_shared>> -> memref<10240x32xf32, #tpu.memory_space<vmem_shared>>
        tpu.enqueue_indirect_dma source(%arg9 : memref<128x32xf32, #tpu.memory_space<vmem>>) target(%dma_start3A_132 : memref<10240x32xf32, #tpu.memory_space<vmem_shared>>) offsets(%dma_start3A_129 : memref<128xi32, #tpu.memory_space<vmem>>) semaphore(%run_scoped3A : memref<!tpu.dma_semaphore, #tpu.memory_space<semaphore_mem>>) {add = true}
        %dma_wait3A_133 = arith.constant 0 : i32
        %dma_wait3A_134 = tpu.memref_slice %arg7[%add3A_126, %dma_wait3A_133] : memref<80x128xi32, #tpu.memory_space<vmem>> -> memref<1x128xi32, #tpu.memory_space<vmem>>
        %dma_wait3A_135 = tpu.memref_squeeze %dma_wait3A_134 : memref<1x128xi32, #tpu.memory_space<vmem>> -> memref<128xi32, #tpu.memory_space<vmem>>
        %dma_wait3A_136 = arith.constant 0 : i32
        %dma_wait3A_137 = arith.constant 0 : i32
        %dma_wait3A_138 = tpu.memref_slice %arg11[%dma_wait3A_136, %dma_wait3A_137] : memref<10240x32xf32, #tpu.memory_space<vmem_shared>> -> memref<10240x32xf32, #tpu.memory_space<vmem_shared>>
        tpu.wait_indirect_dma semaphore(%run_scoped3A : memref<!tpu.dma_semaphore, #tpu.memory_space<semaphore_mem>>) src(%arg9 : memref<128x32xf32, #tpu.memory_space<vmem>>) dst(%dma_wait3A_138 : memref<10240x32xf32, #tpu.memory_space<vmem_shared>>)
        tpu.yield
      }) : () -> ()
    }
    %scan3A_60 = arith.constant 40 : i32
    %dma_wait3A_61 = arith.constant 0 : i32
    %dma_wait3A_62 = arith.constant 0 : i32
    %dma_wait3A_63 = tpu.memref_slice %arg6[%dma_wait3A_61, %dma_wait3A_62] : memref<80x128xi32, #tpu.memory_space<vmem>> -> memref<1x128xi32, #tpu.memory_space<vmem>>
    %dma_wait3A_64 = tpu.memref_squeeze %dma_wait3A_63 : memref<1x128xi32, #tpu.memory_space<vmem>> -> memref<128xi32, #tpu.memory_space<vmem>>
    %dma_wait3A_65 = arith.constant 0 : i32
    %dma_wait3A_66 = arith.constant 0 : i32
    %dma_wait3A_67 = tpu.memref_slice %arg10[%dma_wait3A_65, %dma_wait3A_66] : memref<10240x32xf32, #tpu.memory_space<vmem_shared>> -> memref<10240x32xf32, #tpu.memory_space<vmem_shared>>
    tpu.wait_indirect_dma semaphore(%arg12 : memref<!tpu.dma_semaphore, #tpu.memory_space<semaphore_mem>>) src(%dma_wait3A_67 : memref<10240x32xf32, #tpu.memory_space<vmem_shared>>) dst(%arg8 : memref<128x32xf32, #tpu.memory_space<vmem>>)
    %barrier3A_68 = arith.constant 0 : index
    tpu.barrier barrier_id(%barrier3A_68)
    "tpu.region"() ({
      %run_scoped3A = tpu.sem_alloc : memref<!tpu.dma_semaphore, #tpu.memory_space<semaphore_mem>>
      %dma_start3A_91 = arith.constant 64 : i32
      %dma_start3A_92 = tpu.memref_slice %arg5[%arg0, %mul3A_6, %dma_start3A_91] : memref<2x10240x128xf32, #tpu.memory_space<hbm>> -> memref<1x640x32xf32, #tpu.memory_space<hbm>>
      %dma_start3A_93 = tpu.memref_squeeze %dma_start3A_92 : memref<1x640x32xf32, #tpu.memory_space<hbm>> -> memref<640x32xf32, #tpu.memory_space<hbm>>
      %dma_start3A_94 = arith.constant 0 : i32
      %dma_start3A_95 = tpu.memref_slice %arg11[%mul3A_6, %dma_start3A_94] : memref<10240x32xf32, #tpu.memory_space<vmem_shared>> -> memref<640x32xf32, #tpu.memory_space<vmem_shared>>
      tpu.enqueue_dma source(%dma_start3A_95 : memref<640x32xf32, #tpu.memory_space<vmem_shared>>) target(%dma_start3A_93 : memref<640x32xf32, #tpu.memory_space<hbm>>) target_semaphore(%run_scoped3A : memref<!tpu.dma_semaphore, #tpu.memory_space<semaphore_mem>>)
      %dma_wait3A_96 = arith.constant 64 : i32
      %dma_wait3A_97 = tpu.memref_slice %arg5[%arg0, %mul3A_6, %dma_wait3A_96] : memref<2x10240x128xf32, #tpu.memory_space<hbm>> -> memref<1x640x32xf32, #tpu.memory_space<hbm>>
      %dma_wait3A_98 = tpu.memref_squeeze %dma_wait3A_97 : memref<1x640x32xf32, #tpu.memory_space<hbm>> -> memref<640x32xf32, #tpu.memory_space<hbm>>
      %dma_wait3A_99 = arith.constant 0 : i32
      %dma_wait3A_100 = tpu.memref_slice %arg11[%mul3A_6, %dma_wait3A_99] : memref<10240x32xf32, #tpu.memory_space<vmem_shared>> -> memref<640x32xf32, #tpu.memory_space<vmem_shared>>
      tpu.wait_dma2 semaphore(%run_scoped3A : memref<!tpu.dma_semaphore, #tpu.memory_space<semaphore_mem>>) src(%dma_wait3A_100 : memref<640x32xf32, #tpu.memory_space<vmem_shared>>) dst(%dma_wait3A_98 : memref<640x32xf32, #tpu.memory_space<hbm>>)
      tpu.yield
    }) : () -> ()
    "tpu.region"() ({
      %run_scoped3A = tpu.sem_alloc : memref<!tpu.dma_semaphore, #tpu.memory_space<semaphore_mem>>
      %dma_start3A_91 = arith.constant 0 : i32
      %dma_start3A_92 = tpu.memref_slice %arg10[%mul3A_6, %dma_start3A_91] : memref<10240x32xf32, #tpu.memory_space<vmem_shared>> -> memref<640x32xf32, #tpu.memory_space<vmem_shared>>
      %dma_start3A_93 = arith.constant 96 : i32
      %dma_start3A_94 = tpu.memref_slice %arg2[%mul3A_6, %dma_start3A_93] : memref<10240x128xf32, #tpu.memory_space<hbm>> -> memref<640x32xf32, #tpu.memory_space<hbm>>
      tpu.enqueue_dma source(%dma_start3A_94 : memref<640x32xf32, #tpu.memory_space<hbm>>) target(%dma_start3A_92 : memref<640x32xf32, #tpu.memory_space<vmem_shared>>) target_semaphore(%run_scoped3A : memref<!tpu.dma_semaphore, #tpu.memory_space<semaphore_mem>>)
      %dma_wait3A_95 = arith.constant 0 : i32
      %dma_wait3A_96 = tpu.memref_slice %arg10[%mul3A_6, %dma_wait3A_95] : memref<10240x32xf32, #tpu.memory_space<vmem_shared>> -> memref<640x32xf32, #tpu.memory_space<vmem_shared>>
      %dma_wait3A_97 = arith.constant 96 : i32
      %dma_wait3A_98 = tpu.memref_slice %arg2[%mul3A_6, %dma_wait3A_97] : memref<10240x128xf32, #tpu.memory_space<hbm>> -> memref<640x32xf32, #tpu.memory_space<hbm>>
      tpu.wait_dma2 semaphore(%run_scoped3A : memref<!tpu.dma_semaphore, #tpu.memory_space<semaphore_mem>>) src(%dma_wait3A_98 : memref<640x32xf32, #tpu.memory_space<hbm>>) dst(%dma_wait3A_96 : memref<640x32xf32, #tpu.memory_space<vmem_shared>>)
      tpu.yield
    }) : () -> ()
    "tpu.region"() ({
      %run_scoped3A = tpu.sem_alloc : memref<!tpu.dma_semaphore, #tpu.memory_space<semaphore_mem>>
      %dma_start3A_91 = arith.constant 0 : i32
      %dma_start3A_92 = tpu.memref_slice %arg11[%mul3A_6, %dma_start3A_91] : memref<10240x32xf32, #tpu.memory_space<vmem_shared>> -> memref<640x32xf32, #tpu.memory_space<vmem_shared>>
      %dma_start3A_93 = arith.constant 96 : i32
      %dma_start3A_94 = tpu.memref_slice %arg2[%mul3A_6, %dma_start3A_93] : memref<10240x128xf32, #tpu.memory_space<hbm>> -> memref<640x32xf32, #tpu.memory_space<hbm>>
      tpu.enqueue_dma source(%dma_start3A_94 : memref<640x32xf32, #tpu.memory_space<hbm>>) target(%dma_start3A_92 : memref<640x32xf32, #tpu.memory_space<vmem_shared>>) target_semaphore(%run_scoped3A : memref<!tpu.dma_semaphore, #tpu.memory_space<semaphore_mem>>)
      %dma_wait3A_95 = arith.constant 0 : i32
      %dma_wait3A_96 = tpu.memref_slice %arg11[%mul3A_6, %dma_wait3A_95] : memref<10240x32xf32, #tpu.memory_space<vmem_shared>> -> memref<640x32xf32, #tpu.memory_space<vmem_shared>>
      %dma_wait3A_97 = arith.constant 96 : i32
      %dma_wait3A_98 = tpu.memref_slice %arg2[%mul3A_6, %dma_wait3A_97] : memref<10240x128xf32, #tpu.memory_space<hbm>> -> memref<640x32xf32, #tpu.memory_space<hbm>>
      tpu.wait_dma2 semaphore(%run_scoped3A : memref<!tpu.dma_semaphore, #tpu.memory_space<semaphore_mem>>) src(%dma_wait3A_98 : memref<640x32xf32, #tpu.memory_space<hbm>>) dst(%dma_wait3A_96 : memref<640x32xf32, #tpu.memory_space<vmem_shared>>)
      tpu.yield
    }) : () -> ()
    %barrier3A_69 = arith.constant 0 : index
    tpu.barrier barrier_id(%barrier3A_69)
    %dma_start3A_70 = arith.constant 0 : i32
    %dma_start3A_71 = arith.constant 0 : i32
    %dma_start3A_72 = tpu.memref_slice %arg6[%dma_start3A_70, %dma_start3A_71] : memref<80x128xi32, #tpu.memory_space<vmem>> -> memref<1x128xi32, #tpu.memory_space<vmem>>
    %dma_start3A_73 = tpu.memref_squeeze %dma_start3A_72 : memref<1x128xi32, #tpu.memory_space<vmem>> -> memref<128xi32, #tpu.memory_space<vmem>>
    %dma_start3A_74 = arith.constant 0 : i32
    %dma_start3A_75 = arith.constant 0 : i32
    %dma_start3A_76 = tpu.memref_slice %arg10[%dma_start3A_74, %dma_start3A_75] : memref<10240x32xf32, #tpu.memory_space<vmem_shared>> -> memref<10240x32xf32, #tpu.memory_space<vmem_shared>>
    tpu.enqueue_indirect_dma source(%dma_start3A_76 : memref<10240x32xf32, #tpu.memory_space<vmem_shared>>) target(%arg8 : memref<128x32xf32, #tpu.memory_space<vmem>>) offsets(%dma_start3A_73 : memref<128xi32, #tpu.memory_space<vmem>>) semaphore(%arg12 : memref<!tpu.dma_semaphore, #tpu.memory_space<semaphore_mem>>)
    %scan3A_77 = arith.constant 0 : i32
    %scan3A_78 = arith.constant 0 : i32
    %scan3A_79 = arith.constant 40 : i32
    %scan3A_80 = arith.addi %scan3A_78, %scan3A_79 : i32
    %scan3A_81 = arith.constant 1 : i32
    scf.for %scan3A_91 = %scan3A_78 to %scan3A_80 step %scan3A_81  : i32 {
      %mul3A_92 = arith.constant 2 : i32
      %mul3A_93 = arith.muli %mul3A_92, %scan3A_91 : i32
      %dma_wait3A_94 = arith.constant 0 : i32
      %dma_wait3A_95 = tpu.memref_slice %arg6[%mul3A_93, %dma_wait3A_94] : memref<80x128xi32, #tpu.memory_space<vmem>> -> memref<1x128xi32, #tpu.memory_space<vmem>>
      %dma_wait3A_96 = tpu.memref_squeeze %dma_wait3A_95 : memref<1x128xi32, #tpu.memory_space<vmem>> -> memref<128xi32, #tpu.memory_space<vmem>>
      %dma_wait3A_97 = arith.constant 0 : i32
      %dma_wait3A_98 = arith.constant 0 : i32
      %dma_wait3A_99 = tpu.memref_slice %arg10[%dma_wait3A_97, %dma_wait3A_98] : memref<10240x32xf32, #tpu.memory_space<vmem_shared>> -> memref<10240x32xf32, #tpu.memory_space<vmem_shared>>
      tpu.wait_indirect_dma semaphore(%arg12 : memref<!tpu.dma_semaphore, #tpu.memory_space<semaphore_mem>>) src(%dma_wait3A_99 : memref<10240x32xf32, #tpu.memory_space<vmem_shared>>) dst(%arg8 : memref<128x32xf32, #tpu.memory_space<vmem>>)
      %add3A_100 = arith.constant 1 : i32
      %add3A_101 = arith.addi %mul3A_93, %add3A_100 : i32
      %dma_start3A_102 = arith.constant 0 : i32
      %dma_start3A_103 = tpu.memref_slice %arg6[%add3A_101, %dma_start3A_102] : memref<80x128xi32, #tpu.memory_space<vmem>> -> memref<1x128xi32, #tpu.memory_space<vmem>>
      %dma_start3A_104 = tpu.memref_squeeze %dma_start3A_103 : memref<1x128xi32, #tpu.memory_space<vmem>> -> memref<128xi32, #tpu.memory_space<vmem>>
      %dma_start3A_105 = arith.constant 0 : i32
      %dma_start3A_106 = arith.constant 0 : i32
      %dma_start3A_107 = tpu.memref_slice %arg10[%dma_start3A_105, %dma_start3A_106] : memref<10240x32xf32, #tpu.memory_space<vmem_shared>> -> memref<10240x32xf32, #tpu.memory_space<vmem_shared>>
      tpu.enqueue_indirect_dma source(%dma_start3A_107 : memref<10240x32xf32, #tpu.memory_space<vmem_shared>>) target(%arg9 : memref<128x32xf32, #tpu.memory_space<vmem>>) offsets(%dma_start3A_104 : memref<128xi32, #tpu.memory_space<vmem>>) semaphore(%arg13 : memref<!tpu.dma_semaphore, #tpu.memory_space<semaphore_mem>>)
      "tpu.region"() ({
        %run_scoped3A = tpu.sem_alloc : memref<!tpu.dma_semaphore, #tpu.memory_space<semaphore_mem>>
        %dma_start3A_127 = arith.constant 0 : i32
        %dma_start3A_128 = tpu.memref_slice %arg7[%mul3A_93, %dma_start3A_127] : memref<80x128xi32, #tpu.memory_space<vmem>> -> memref<1x128xi32, #tpu.memory_space<vmem>>
        %dma_start3A_129 = tpu.memref_squeeze %dma_start3A_128 : memref<1x128xi32, #tpu.memory_space<vmem>> -> memref<128xi32, #tpu.memory_space<vmem>>
        %dma_start3A_130 = arith.constant 0 : i32
        %dma_start3A_131 = arith.constant 0 : i32
        %dma_start3A_132 = tpu.memref_slice %arg11[%dma_start3A_130, %dma_start3A_131] : memref<10240x32xf32, #tpu.memory_space<vmem_shared>> -> memref<10240x32xf32, #tpu.memory_space<vmem_shared>>
        tpu.enqueue_indirect_dma source(%arg8 : memref<128x32xf32, #tpu.memory_space<vmem>>) target(%dma_start3A_132 : memref<10240x32xf32, #tpu.memory_space<vmem_shared>>) offsets(%dma_start3A_129 : memref<128xi32, #tpu.memory_space<vmem>>) semaphore(%run_scoped3A : memref<!tpu.dma_semaphore, #tpu.memory_space<semaphore_mem>>) {add = true}
        %dma_wait3A_133 = arith.constant 0 : i32
        %dma_wait3A_134 = tpu.memref_slice %arg7[%mul3A_93, %dma_wait3A_133] : memref<80x128xi32, #tpu.memory_space<vmem>> -> memref<1x128xi32, #tpu.memory_space<vmem>>
        %dma_wait3A_135 = tpu.memref_squeeze %dma_wait3A_134 : memref<1x128xi32, #tpu.memory_space<vmem>> -> memref<128xi32, #tpu.memory_space<vmem>>
        %dma_wait3A_136 = arith.constant 0 : i32
        %dma_wait3A_137 = arith.constant 0 : i32
        %dma_wait3A_138 = tpu.memref_slice %arg11[%dma_wait3A_136, %dma_wait3A_137] : memref<10240x32xf32, #tpu.memory_space<vmem_shared>> -> memref<10240x32xf32, #tpu.memory_space<vmem_shared>>
        tpu.wait_indirect_dma semaphore(%run_scoped3A : memref<!tpu.dma_semaphore, #tpu.memory_space<semaphore_mem>>) src(%arg8 : memref<128x32xf32, #tpu.memory_space<vmem>>) dst(%dma_wait3A_138 : memref<10240x32xf32, #tpu.memory_space<vmem_shared>>)
        tpu.yield
      }) : () -> ()
      %add3A_108 = arith.constant 1 : i32
      %add3A_109 = arith.addi %mul3A_93, %add3A_108 : i32
      %dma_wait3A_110 = arith.constant 0 : i32
      %dma_wait3A_111 = tpu.memref_slice %arg6[%add3A_109, %dma_wait3A_110] : memref<80x128xi32, #tpu.memory_space<vmem>> -> memref<1x128xi32, #tpu.memory_space<vmem>>
      %dma_wait3A_112 = tpu.memref_squeeze %dma_wait3A_111 : memref<1x128xi32, #tpu.memory_space<vmem>> -> memref<128xi32, #tpu.memory_space<vmem>>
      %dma_wait3A_113 = arith.constant 0 : i32
      %dma_wait3A_114 = arith.constant 0 : i32
      %dma_wait3A_115 = tpu.memref_slice %arg10[%dma_wait3A_113, %dma_wait3A_114] : memref<10240x32xf32, #tpu.memory_space<vmem_shared>> -> memref<10240x32xf32, #tpu.memory_space<vmem_shared>>
      tpu.wait_indirect_dma semaphore(%arg13 : memref<!tpu.dma_semaphore, #tpu.memory_space<semaphore_mem>>) src(%dma_wait3A_115 : memref<10240x32xf32, #tpu.memory_space<vmem_shared>>) dst(%arg9 : memref<128x32xf32, #tpu.memory_space<vmem>>)
      %add3A_116 = arith.constant 2 : i32
      %add3A_117 = arith.addi %mul3A_93, %add3A_116 : i32
      %rem3A = arith.constant 80 : i32
      %rem3A_118 = arith.remsi %add3A_117, %rem3A : i32
      %dma_start3A_119 = arith.constant 0 : i32
      %dma_start3A_120 = tpu.memref_slice %arg6[%rem3A_118, %dma_start3A_119] : memref<80x128xi32, #tpu.memory_space<vmem>> -> memref<1x128xi32, #tpu.memory_space<vmem>>
      %dma_start3A_121 = tpu.memref_squeeze %dma_start3A_120 : memref<1x128xi32, #tpu.memory_space<vmem>> -> memref<128xi32, #tpu.memory_space<vmem>>
      %dma_start3A_122 = arith.constant 0 : i32
      %dma_start3A_123 = arith.constant 0 : i32
      %dma_start3A_124 = tpu.memref_slice %arg10[%dma_start3A_122, %dma_start3A_123] : memref<10240x32xf32, #tpu.memory_space<vmem_shared>> -> memref<10240x32xf32, #tpu.memory_space<vmem_shared>>
      tpu.enqueue_indirect_dma source(%dma_start3A_124 : memref<10240x32xf32, #tpu.memory_space<vmem_shared>>) target(%arg8 : memref<128x32xf32, #tpu.memory_space<vmem>>) offsets(%dma_start3A_121 : memref<128xi32, #tpu.memory_space<vmem>>) semaphore(%arg12 : memref<!tpu.dma_semaphore, #tpu.memory_space<semaphore_mem>>)
      %add3A_125 = arith.constant 1 : i32
      %add3A_126 = arith.addi %mul3A_93, %add3A_125 : i32
      "tpu.region"() ({
        %run_scoped3A = tpu.sem_alloc : memref<!tpu.dma_semaphore, #tpu.memory_space<semaphore_mem>>
        %dma_start3A_127 = arith.constant 0 : i32
        %dma_start3A_128 = tpu.memref_slice %arg7[%add3A_126, %dma_start3A_127] : memref<80x128xi32, #tpu.memory_space<vmem>> -> memref<1x128xi32, #tpu.memory_space<vmem>>
        %dma_start3A_129 = tpu.memref_squeeze %dma_start3A_128 : memref<1x128xi32, #tpu.memory_space<vmem>> -> memref<128xi32, #tpu.memory_space<vmem>>
        %dma_start3A_130 = arith.constant 0 : i32
        %dma_start3A_131 = arith.constant 0 : i32
        %dma_start3A_132 = tpu.memref_slice %arg11[%dma_start3A_130, %dma_start3A_131] : memref<10240x32xf32, #tpu.memory_space<vmem_shared>> -> memref<10240x32xf32, #tpu.memory_space<vmem_shared>>
        tpu.enqueue_indirect_dma source(%arg9 : memref<128x32xf32, #tpu.memory_space<vmem>>) target(%dma_start3A_132 : memref<10240x32xf32, #tpu.memory_space<vmem_shared>>) offsets(%dma_start3A_129 : memref<128xi32, #tpu.memory_space<vmem>>) semaphore(%run_scoped3A : memref<!tpu.dma_semaphore, #tpu.memory_space<semaphore_mem>>) {add = true}
        %dma_wait3A_133 = arith.constant 0 : i32
        %dma_wait3A_134 = tpu.memref_slice %arg7[%add3A_126, %dma_wait3A_133] : memref<80x128xi32, #tpu.memory_space<vmem>> -> memref<1x128xi32, #tpu.memory_space<vmem>>
        %dma_wait3A_135 = tpu.memref_squeeze %dma_wait3A_134 : memref<1x128xi32, #tpu.memory_space<vmem>> -> memref<128xi32, #tpu.memory_space<vmem>>
        %dma_wait3A_136 = arith.constant 0 : i32
        %dma_wait3A_137 = arith.constant 0 : i32
        %dma_wait3A_138 = tpu.memref_slice %arg11[%dma_wait3A_136, %dma_wait3A_137] : memref<10240x32xf32, #tpu.memory_space<vmem_shared>> -> memref<10240x32xf32, #tpu.memory_space<vmem_shared>>
        tpu.wait_indirect_dma semaphore(%run_scoped3A : memref<!tpu.dma_semaphore, #tpu.memory_space<semaphore_mem>>) src(%arg9 : memref<128x32xf32, #tpu.memory_space<vmem>>) dst(%dma_wait3A_138 : memref<10240x32xf32, #tpu.memory_space<vmem_shared>>)
        tpu.yield
      }) : () -> ()
    }
    %scan3A_82 = arith.constant 40 : i32
    %dma_wait3A_83 = arith.constant 0 : i32
    %dma_wait3A_84 = arith.constant 0 : i32
    %dma_wait3A_85 = tpu.memref_slice %arg6[%dma_wait3A_83, %dma_wait3A_84] : memref<80x128xi32, #tpu.memory_space<vmem>> -> memref<1x128xi32, #tpu.memory_space<vmem>>
    %dma_wait3A_86 = tpu.memref_squeeze %dma_wait3A_85 : memref<1x128xi32, #tpu.memory_space<vmem>> -> memref<128xi32, #tpu.memory_space<vmem>>
    %dma_wait3A_87 = arith.constant 0 : i32
    %dma_wait3A_88 = arith.constant 0 : i32
    %dma_wait3A_89 = tpu.memref_slice %arg10[%dma_wait3A_87, %dma_wait3A_88] : memref<10240x32xf32, #tpu.memory_space<vmem_shared>> -> memref<10240x32xf32, #tpu.memory_space<vmem_shared>>
    tpu.wait_indirect_dma semaphore(%arg12 : memref<!tpu.dma_semaphore, #tpu.memory_space<semaphore_mem>>) src(%dma_wait3A_89 : memref<10240x32xf32, #tpu.memory_space<vmem_shared>>) dst(%arg8 : memref<128x32xf32, #tpu.memory_space<vmem>>)
    %barrier3A_90 = arith.constant 0 : index
    tpu.barrier barrier_id(%barrier3A_90)
    "tpu.region"() ({
      %run_scoped3A = tpu.sem_alloc : memref<!tpu.dma_semaphore, #tpu.memory_space<semaphore_mem>>
      %dma_start3A_91 = arith.constant 96 : i32
      %dma_start3A_92 = tpu.memref_slice %arg5[%arg0, %mul3A_6, %dma_start3A_91] : memref<2x10240x128xf32, #tpu.memory_space<hbm>> -> memref<1x640x32xf32, #tpu.memory_space<hbm>>
      %dma_start3A_93 = tpu.memref_squeeze %dma_start3A_92 : memref<1x640x32xf32, #tpu.memory_space<hbm>> -> memref<640x32xf32, #tpu.memory_space<hbm>>
      %dma_start3A_94 = arith.constant 0 : i32
      %dma_start3A_95 = tpu.memref_slice %arg11[%mul3A_6, %dma_start3A_94] : memref<10240x32xf32, #tpu.memory_space<vmem_shared>> -> memref<640x32xf32, #tpu.memory_space<vmem_shared>>
      tpu.enqueue_dma source(%dma_start3A_95 : memref<640x32xf32, #tpu.memory_space<vmem_shared>>) target(%dma_start3A_93 : memref<640x32xf32, #tpu.memory_space<hbm>>) target_semaphore(%run_scoped3A : memref<!tpu.dma_semaphore, #tpu.memory_space<semaphore_mem>>)
      %dma_wait3A_96 = arith.constant 96 : i32
      %dma_wait3A_97 = tpu.memref_slice %arg5[%arg0, %mul3A_6, %dma_wait3A_96] : memref<2x10240x128xf32, #tpu.memory_space<hbm>> -> memref<1x640x32xf32, #tpu.memory_space<hbm>>
      %dma_wait3A_98 = tpu.memref_squeeze %dma_wait3A_97 : memref<1x640x32xf32, #tpu.memory_space<hbm>> -> memref<640x32xf32, #tpu.memory_space<hbm>>
      %dma_wait3A_99 = arith.constant 0 : i32
      %dma_wait3A_100 = tpu.memref_slice %arg11[%mul3A_6, %dma_wait3A_99] : memref<10240x32xf32, #tpu.memory_space<vmem_shared>> -> memref<640x32xf32, #tpu.memory_space<vmem_shared>>
      tpu.wait_dma2 semaphore(%run_scoped3A : memref<!tpu.dma_semaphore, #tpu.memory_space<semaphore_mem>>) src(%dma_wait3A_100 : memref<640x32xf32, #tpu.memory_space<vmem_shared>>) dst(%dma_wait3A_98 : memref<640x32xf32, #tpu.memory_space<hbm>>)
      tpu.yield
    }) : () -> ()
    return
  }
}

#map = affine_map<(d0, d1) -> (0, 0)>
#map1 = affine_map<(d0, d1) -> (0, 0, 0)>
module attributes {stable_mosaic.version = 14 : i64} {
  func.func @sc_degree(%arg0: i32, %arg1: i32, %arg2: memref<2560x128xi32, #tpu.memory_space<hbm>>, %arg3: memref<32x128x16xf32, #tpu.memory_space<hbm>>, %arg4: memref<32x640x16xf32, #tpu.memory_space<hbm>>, %arg5: memref<2x10240x16xf32, #tpu.memory_space<hbm>>, %arg6: memref<80x128xi32, #tpu.memory_space<vmem>>, %arg7: memref<128x16xf32, #tpu.memory_space<vmem>>, %arg8: memref<10240x16xf32, #tpu.memory_space<vmem_shared>>) attributes {dimension_semantics = [#tpu.dimension_semantics<core_parallel>, #tpu.dimension_semantics<subcore_parallel>], iteration_bounds = array<i64: 2, 16>, scalar_prefetch = 0 : i64, scratch_operands = 3 : i64, tpu.core_type = #tpu.core_type<sc_vector_subcore>, window_params = [{transform_indices = #map}, {transform_indices = #map1}, {transform_indices = #map1}, {transform_indices = #map1}]} {
    %mul3A = arith.constant 2 : i32
    %mul3A_0 = arith.muli %arg1, %mul3A : i32
    %add3A = arith.addi %mul3A_0, %arg0 : i32
    %mul3A_1 = arith.constant 80 : i32
    %mul3A_2 = arith.muli %add3A, %mul3A_1 : i32
    "tpu.region"() ({
      %run_scoped3A = tpu.sem_alloc : memref<!tpu.dma_semaphore, #tpu.memory_space<semaphore_mem>>
      %dma_start3A = arith.constant 0 : i32
      %dma_start3A_11 = tpu.memref_slice %arg2[%mul3A_2, %dma_start3A] : memref<2560x128xi32, #tpu.memory_space<hbm>> -> memref<80x128xi32, #tpu.memory_space<hbm>>
      %dma_start3A_12 = arith.constant 0 : i32
      %dma_start3A_13 = tpu.memref_slice %arg2[%mul3A_2, %dma_start3A_12] : memref<2560x128xi32, #tpu.memory_space<hbm>> -> memref<80x128xi32, #tpu.memory_space<hbm>>
      tpu.enqueue_dma source(%dma_start3A_13 : memref<80x128xi32, #tpu.memory_space<hbm>>) target(%arg6 : memref<80x128xi32, #tpu.memory_space<vmem>>) target_semaphore(%run_scoped3A : memref<!tpu.dma_semaphore, #tpu.memory_space<semaphore_mem>>)
      %dma_wait3A = arith.constant 0 : i32
      %dma_wait3A_14 = tpu.memref_slice %arg2[%mul3A_2, %dma_wait3A] : memref<2560x128xi32, #tpu.memory_space<hbm>> -> memref<80x128xi32, #tpu.memory_space<hbm>>
      %dma_wait3A_15 = arith.constant 0 : i32
      %dma_wait3A_16 = tpu.memref_slice %arg2[%mul3A_2, %dma_wait3A_15] : memref<2560x128xi32, #tpu.memory_space<hbm>> -> memref<80x128xi32, #tpu.memory_space<hbm>>
      tpu.wait_dma2 semaphore(%run_scoped3A : memref<!tpu.dma_semaphore, #tpu.memory_space<semaphore_mem>>) src(%dma_wait3A_16 : memref<80x128xi32, #tpu.memory_space<hbm>>) dst(%arg6 : memref<80x128xi32, #tpu.memory_space<vmem>>)
      tpu.yield
    }) : () -> ()
    "tpu.region"() ({
      %run_scoped3A = tpu.sem_alloc : memref<!tpu.dma_semaphore, #tpu.memory_space<semaphore_mem>>
      %dma_start3A = arith.constant 0 : i32
      %dma_start3A_11 = arith.constant 0 : i32
      %dma_start3A_12 = tpu.memref_slice %arg3[%add3A, %dma_start3A, %dma_start3A_11] : memref<32x128x16xf32, #tpu.memory_space<hbm>> -> memref<1x128x16xf32, #tpu.memory_space<hbm>>
      %dma_start3A_13 = tpu.memref_squeeze %dma_start3A_12 : memref<1x128x16xf32, #tpu.memory_space<hbm>> -> memref<128x16xf32, #tpu.memory_space<hbm>>
      %dma_start3A_14 = arith.constant 0 : i32
      %dma_start3A_15 = arith.constant 0 : i32
      %dma_start3A_16 = tpu.memref_slice %arg3[%add3A, %dma_start3A_14, %dma_start3A_15] : memref<32x128x16xf32, #tpu.memory_space<hbm>> -> memref<1x128x16xf32, #tpu.memory_space<hbm>>
      %dma_start3A_17 = tpu.memref_squeeze %dma_start3A_16 : memref<1x128x16xf32, #tpu.memory_space<hbm>> -> memref<128x16xf32, #tpu.memory_space<hbm>>
      tpu.enqueue_dma source(%dma_start3A_17 : memref<128x16xf32, #tpu.memory_space<hbm>>) target(%arg7 : memref<128x16xf32, #tpu.memory_space<vmem>>) target_semaphore(%run_scoped3A : memref<!tpu.dma_semaphore, #tpu.memory_space<semaphore_mem>>)
      %dma_wait3A = arith.constant 0 : i32
      %dma_wait3A_18 = arith.constant 0 : i32
      %dma_wait3A_19 = tpu.memref_slice %arg3[%add3A, %dma_wait3A, %dma_wait3A_18] : memref<32x128x16xf32, #tpu.memory_space<hbm>> -> memref<1x128x16xf32, #tpu.memory_space<hbm>>
      %dma_wait3A_20 = tpu.memref_squeeze %dma_wait3A_19 : memref<1x128x16xf32, #tpu.memory_space<hbm>> -> memref<128x16xf32, #tpu.memory_space<hbm>>
      %dma_wait3A_21 = arith.constant 0 : i32
      %dma_wait3A_22 = arith.constant 0 : i32
      %dma_wait3A_23 = tpu.memref_slice %arg3[%add3A, %dma_wait3A_21, %dma_wait3A_22] : memref<32x128x16xf32, #tpu.memory_space<hbm>> -> memref<1x128x16xf32, #tpu.memory_space<hbm>>
      %dma_wait3A_24 = tpu.memref_squeeze %dma_wait3A_23 : memref<1x128x16xf32, #tpu.memory_space<hbm>> -> memref<128x16xf32, #tpu.memory_space<hbm>>
      tpu.wait_dma2 semaphore(%run_scoped3A : memref<!tpu.dma_semaphore, #tpu.memory_space<semaphore_mem>>) src(%dma_wait3A_24 : memref<128x16xf32, #tpu.memory_space<hbm>>) dst(%arg7 : memref<128x16xf32, #tpu.memory_space<vmem>>)
      tpu.yield
    }) : () -> ()
    %mul3A_3 = arith.constant 640 : i32
    %mul3A_4 = arith.muli %arg1, %mul3A_3 : i32
    "tpu.region"() ({
      %run_scoped3A = tpu.sem_alloc : memref<!tpu.dma_semaphore, #tpu.memory_space<semaphore_mem>>
      %dma_start3A = arith.constant 0 : i32
      %dma_start3A_11 = tpu.memref_slice %arg8[%mul3A_4, %dma_start3A] : memref<10240x16xf32, #tpu.memory_space<vmem_shared>> -> memref<640x16xf32, #tpu.memory_space<vmem_shared>>
      %dma_start3A_12 = arith.constant 0 : i32
      %dma_start3A_13 = arith.constant 0 : i32
      %dma_start3A_14 = tpu.memref_slice %arg4[%add3A, %dma_start3A_12, %dma_start3A_13] : memref<32x640x16xf32, #tpu.memory_space<hbm>> -> memref<1x640x16xf32, #tpu.memory_space<hbm>>
      %dma_start3A_15 = tpu.memref_squeeze %dma_start3A_14 : memref<1x640x16xf32, #tpu.memory_space<hbm>> -> memref<640x16xf32, #tpu.memory_space<hbm>>
      tpu.enqueue_dma source(%dma_start3A_15 : memref<640x16xf32, #tpu.memory_space<hbm>>) target(%dma_start3A_11 : memref<640x16xf32, #tpu.memory_space<vmem_shared>>) target_semaphore(%run_scoped3A : memref<!tpu.dma_semaphore, #tpu.memory_space<semaphore_mem>>)
      %dma_wait3A = arith.constant 0 : i32
      %dma_wait3A_16 = tpu.memref_slice %arg8[%mul3A_4, %dma_wait3A] : memref<10240x16xf32, #tpu.memory_space<vmem_shared>> -> memref<640x16xf32, #tpu.memory_space<vmem_shared>>
      %dma_wait3A_17 = arith.constant 0 : i32
      %dma_wait3A_18 = arith.constant 0 : i32
      %dma_wait3A_19 = tpu.memref_slice %arg4[%add3A, %dma_wait3A_17, %dma_wait3A_18] : memref<32x640x16xf32, #tpu.memory_space<hbm>> -> memref<1x640x16xf32, #tpu.memory_space<hbm>>
      %dma_wait3A_20 = tpu.memref_squeeze %dma_wait3A_19 : memref<1x640x16xf32, #tpu.memory_space<hbm>> -> memref<640x16xf32, #tpu.memory_space<hbm>>
      tpu.wait_dma2 semaphore(%run_scoped3A : memref<!tpu.dma_semaphore, #tpu.memory_space<semaphore_mem>>) src(%dma_wait3A_20 : memref<640x16xf32, #tpu.memory_space<hbm>>) dst(%dma_wait3A_16 : memref<640x16xf32, #tpu.memory_space<vmem_shared>>)
      tpu.yield
    }) : () -> ()
    %barrier3A = arith.constant 0 : index
    tpu.barrier barrier_id(%barrier3A)
    %scan3A = arith.constant 0 : i32
    %scan3A_5 = arith.constant 0 : i32
    %scan3A_6 = arith.constant 80 : i32
    %scan3A_7 = arith.addi %scan3A_5, %scan3A_6 : i32
    %scan3A_8 = arith.constant 1 : i32
    scf.for %scan3A_11 = %scan3A_5 to %scan3A_7 step %scan3A_8  : i32 {
      "tpu.region"() ({
        %run_scoped3A = tpu.sem_alloc : memref<!tpu.dma_semaphore, #tpu.memory_space<semaphore_mem>>
        %dma_start3A = arith.constant 0 : i32
        %dma_start3A_12 = tpu.memref_slice %arg6[%scan3A_11, %dma_start3A] : memref<80x128xi32, #tpu.memory_space<vmem>> -> memref<1x128xi32, #tpu.memory_space<vmem>>
        %dma_start3A_13 = tpu.memref_squeeze %dma_start3A_12 : memref<1x128xi32, #tpu.memory_space<vmem>> -> memref<128xi32, #tpu.memory_space<vmem>>
        %dma_start3A_14 = arith.constant 0 : i32
        %dma_start3A_15 = arith.constant 0 : i32
        %dma_start3A_16 = tpu.memref_slice %arg8[%dma_start3A_14, %dma_start3A_15] : memref<10240x16xf32, #tpu.memory_space<vmem_shared>> -> memref<10240x16xf32, #tpu.memory_space<vmem_shared>>
        tpu.enqueue_indirect_dma source(%arg7 : memref<128x16xf32, #tpu.memory_space<vmem>>) target(%dma_start3A_16 : memref<10240x16xf32, #tpu.memory_space<vmem_shared>>) offsets(%dma_start3A_13 : memref<128xi32, #tpu.memory_space<vmem>>) semaphore(%run_scoped3A : memref<!tpu.dma_semaphore, #tpu.memory_space<semaphore_mem>>) {add = true}
        %dma_wait3A = arith.constant 0 : i32
        %dma_wait3A_17 = tpu.memref_slice %arg6[%scan3A_11, %dma_wait3A] : memref<80x128xi32, #tpu.memory_space<vmem>> -> memref<1x128xi32, #tpu.memory_space<vmem>>
        %dma_wait3A_18 = tpu.memref_squeeze %dma_wait3A_17 : memref<1x128xi32, #tpu.memory_space<vmem>> -> memref<128xi32, #tpu.memory_space<vmem>>
        %dma_wait3A_19 = arith.constant 0 : i32
        %dma_wait3A_20 = arith.constant 0 : i32
        %dma_wait3A_21 = tpu.memref_slice %arg8[%dma_wait3A_19, %dma_wait3A_20] : memref<10240x16xf32, #tpu.memory_space<vmem_shared>> -> memref<10240x16xf32, #tpu.memory_space<vmem_shared>>
        tpu.wait_indirect_dma semaphore(%run_scoped3A : memref<!tpu.dma_semaphore, #tpu.memory_space<semaphore_mem>>) src(%arg7 : memref<128x16xf32, #tpu.memory_space<vmem>>) dst(%dma_wait3A_21 : memref<10240x16xf32, #tpu.memory_space<vmem_shared>>)
        tpu.yield
      }) : () -> ()
    }
    %scan3A_9 = arith.constant 80 : i32
    %barrier3A_10 = arith.constant 0 : index
    tpu.barrier barrier_id(%barrier3A_10)
    "tpu.region"() ({
      %run_scoped3A = tpu.sem_alloc : memref<!tpu.dma_semaphore, #tpu.memory_space<semaphore_mem>>
      %dma_start3A = arith.constant 0 : i32
      %dma_start3A_11 = tpu.memref_slice %arg5[%arg0, %mul3A_4, %dma_start3A] : memref<2x10240x16xf32, #tpu.memory_space<hbm>> -> memref<1x640x16xf32, #tpu.memory_space<hbm>>
      %dma_start3A_12 = tpu.memref_squeeze %dma_start3A_11 : memref<1x640x16xf32, #tpu.memory_space<hbm>> -> memref<640x16xf32, #tpu.memory_space<hbm>>
      %dma_start3A_13 = arith.constant 0 : i32
      %dma_start3A_14 = tpu.memref_slice %arg8[%mul3A_4, %dma_start3A_13] : memref<10240x16xf32, #tpu.memory_space<vmem_shared>> -> memref<640x16xf32, #tpu.memory_space<vmem_shared>>
      tpu.enqueue_dma source(%dma_start3A_14 : memref<640x16xf32, #tpu.memory_space<vmem_shared>>) target(%dma_start3A_12 : memref<640x16xf32, #tpu.memory_space<hbm>>) target_semaphore(%run_scoped3A : memref<!tpu.dma_semaphore, #tpu.memory_space<semaphore_mem>>)
      %dma_wait3A = arith.constant 0 : i32
      %dma_wait3A_15 = tpu.memref_slice %arg5[%arg0, %mul3A_4, %dma_wait3A] : memref<2x10240x16xf32, #tpu.memory_space<hbm>> -> memref<1x640x16xf32, #tpu.memory_space<hbm>>
      %dma_wait3A_16 = tpu.memref_squeeze %dma_wait3A_15 : memref<1x640x16xf32, #tpu.memory_space<hbm>> -> memref<640x16xf32, #tpu.memory_space<hbm>>
      %dma_wait3A_17 = arith.constant 0 : i32
      %dma_wait3A_18 = tpu.memref_slice %arg8[%mul3A_4, %dma_wait3A_17] : memref<10240x16xf32, #tpu.memory_space<vmem_shared>> -> memref<640x16xf32, #tpu.memory_space<vmem_shared>>
      tpu.wait_dma2 semaphore(%run_scoped3A : memref<!tpu.dma_semaphore, #tpu.memory_space<semaphore_mem>>) src(%dma_wait3A_18 : memref<640x16xf32, #tpu.memory_space<vmem_shared>>) dst(%dma_wait3A_16 : memref<640x16xf32, #tpu.memory_space<hbm>>)
      tpu.yield
    }) : () -> ()
    return
  }
}

#map = affine_map<(d0, d1) -> (0, 0)>
#map1 = affine_map<(d0, d1) -> (0, 0, 0)>
module attributes {stable_mosaic.version = 14 : i64} {
  func.func @sc_edge_agg(%arg0: i32, %arg1: i32, %arg2: memref<10240x128xf32, #tpu.memory_space<hbm>>, %arg3: memref<2560x128xi32, #tpu.memory_space<hbm>>, %arg4: memref<2560x128xi32, #tpu.memory_space<hbm>>, %arg5: memref<2x10240x128xf32, #tpu.memory_space<hbm>>, %arg6: memref<80x128xi32, #tpu.memory_space<vmem>>, %arg7: memref<80x128xi32, #tpu.memory_space<vmem>>, %arg8: memref<128x32xf32, #tpu.memory_space<vmem>>, %arg9: memref<128x32xf32, #tpu.memory_space<vmem>>, %arg10: memref<10240x32xf32, #tpu.memory_space<vmem_shared>>, %arg11: memref<10240x32xf32, #tpu.memory_space<vmem_shared>>, %arg12: memref<!tpu.dma_semaphore, #tpu.memory_space<semaphore_mem>>, %arg13: memref<!tpu.dma_semaphore, #tpu.memory_space<semaphore_mem>>) attributes {dimension_semantics = [#tpu.dimension_semantics<core_parallel>, #tpu.dimension_semantics<subcore_parallel>], iteration_bounds = array<i64: 2, 16>, scalar_prefetch = 0 : i64, scratch_operands = 8 : i64, tpu.core_type = #tpu.core_type<sc_vector_subcore>, window_params = [{transform_indices = #map}, {transform_indices = #map}, {transform_indices = #map}, {transform_indices = #map1}]} {
    %mul3A = arith.constant 2 : i32
    %mul3A_0 = arith.muli %arg1, %mul3A : i32
    %add3A = arith.addi %mul3A_0, %arg0 : i32
    %mul3A_1 = arith.constant 80 : i32
    %mul3A_2 = arith.muli %add3A, %mul3A_1 : i32
    "tpu.region"() ({
      %run_scoped3A = tpu.sem_alloc : memref<!tpu.dma_semaphore, #tpu.memory_space<semaphore_mem>>
      %dma_start3A_91 = arith.constant 0 : i32
      %dma_start3A_92 = tpu.memref_slice %arg3[%mul3A_2, %dma_start3A_91] : memref<2560x128xi32, #tpu.memory_space<hbm>> -> memref<80x128xi32, #tpu.memory_space<hbm>>
      %dma_start3A_93 = arith.constant 0 : i32
      %dma_start3A_94 = tpu.memref_slice %arg3[%mul3A_2, %dma_start3A_93] : memref<2560x128xi32, #tpu.memory_space<hbm>> -> memref<80x128xi32, #tpu.memory_space<hbm>>
      tpu.enqueue_dma source(%dma_start3A_94 : memref<80x128xi32, #tpu.memory_space<hbm>>) target(%arg6 : memref<80x128xi32, #tpu.memory_space<vmem>>) target_semaphore(%run_scoped3A : memref<!tpu.dma_semaphore, #tpu.memory_space<semaphore_mem>>)
      %dma_wait3A_95 = arith.constant 0 : i32
      %dma_wait3A_96 = tpu.memref_slice %arg3[%mul3A_2, %dma_wait3A_95] : memref<2560x128xi32, #tpu.memory_space<hbm>> -> memref<80x128xi32, #tpu.memory_space<hbm>>
      %dma_wait3A_97 = arith.constant 0 : i32
      %dma_wait3A_98 = tpu.memref_slice %arg3[%mul3A_2, %dma_wait3A_97] : memref<2560x128xi32, #tpu.memory_space<hbm>> -> memref<80x128xi32, #tpu.memory_space<hbm>>
      tpu.wait_dma2 semaphore(%run_scoped3A : memref<!tpu.dma_semaphore, #tpu.memory_space<semaphore_mem>>) src(%dma_wait3A_98 : memref<80x128xi32, #tpu.memory_space<hbm>>) dst(%arg6 : memref<80x128xi32, #tpu.memory_space<vmem>>)
      tpu.yield
    }) : () -> ()
    %mul3A_3 = arith.constant 80 : i32
    %mul3A_4 = arith.muli %add3A, %mul3A_3 : i32
    "tpu.region"() ({
      %run_scoped3A = tpu.sem_alloc : memref<!tpu.dma_semaphore, #tpu.memory_space<semaphore_mem>>
      %dma_start3A_91 = arith.constant 0 : i32
      %dma_start3A_92 = tpu.memref_slice %arg4[%mul3A_4, %dma_start3A_91] : memref<2560x128xi32, #tpu.memory_space<hbm>> -> memref<80x128xi32, #tpu.memory_space<hbm>>
      %dma_start3A_93 = arith.constant 0 : i32
      %dma_start3A_94 = tpu.memref_slice %arg4[%mul3A_4, %dma_start3A_93] : memref<2560x128xi32, #tpu.memory_space<hbm>> -> memref<80x128xi32, #tpu.memory_space<hbm>>
      tpu.enqueue_dma source(%dma_start3A_94 : memref<80x128xi32, #tpu.memory_space<hbm>>) target(%arg7 : memref<80x128xi32, #tpu.memory_space<vmem>>) target_semaphore(%run_scoped3A : memref<!tpu.dma_semaphore, #tpu.memory_space<semaphore_mem>>)
      %dma_wait3A_95 = arith.constant 0 : i32
      %dma_wait3A_96 = tpu.memref_slice %arg4[%mul3A_4, %dma_wait3A_95] : memref<2560x128xi32, #tpu.memory_space<hbm>> -> memref<80x128xi32, #tpu.memory_space<hbm>>
      %dma_wait3A_97 = arith.constant 0 : i32
      %dma_wait3A_98 = tpu.memref_slice %arg4[%mul3A_4, %dma_wait3A_97] : memref<2560x128xi32, #tpu.memory_space<hbm>> -> memref<80x128xi32, #tpu.memory_space<hbm>>
      tpu.wait_dma2 semaphore(%run_scoped3A : memref<!tpu.dma_semaphore, #tpu.memory_space<semaphore_mem>>) src(%dma_wait3A_98 : memref<80x128xi32, #tpu.memory_space<hbm>>) dst(%arg7 : memref<80x128xi32, #tpu.memory_space<vmem>>)
      tpu.yield
    }) : () -> ()
    %mul3A_5 = arith.constant 640 : i32
    %mul3A_6 = arith.muli %arg1, %mul3A_5 : i32
    "tpu.region"() ({
      %run_scoped3A = tpu.sem_alloc : memref<!tpu.dma_semaphore, #tpu.memory_space<semaphore_mem>>
      %dma_start3A_91 = arith.constant 0 : i32
      %dma_start3A_92 = tpu.memref_slice %arg10[%mul3A_6, %dma_start3A_91] : memref<10240x32xf32, #tpu.memory_space<vmem_shared>> -> memref<640x32xf32, #tpu.memory_space<vmem_shared>>
      %dma_start3A_93 = arith.constant 0 : i32
      %dma_start3A_94 = tpu.memref_slice %arg2[%mul3A_6, %dma_start3A_93] : memref<10240x128xf32, #tpu.memory_space<hbm>> -> memref<640x32xf32, #tpu.memory_space<hbm>>
      tpu.enqueue_dma source(%dma_start3A_94 : memref<640x32xf32, #tpu.memory_space<hbm>>) target(%dma_start3A_92 : memref<640x32xf32, #tpu.memory_space<vmem_shared>>) target_semaphore(%run_scoped3A : memref<!tpu.dma_semaphore, #tpu.memory_space<semaphore_mem>>)
      %dma_wait3A_95 = arith.constant 0 : i32
      %dma_wait3A_96 = tpu.memref_slice %arg10[%mul3A_6, %dma_wait3A_95] : memref<10240x32xf32, #tpu.memory_space<vmem_shared>> -> memref<640x32xf32, #tpu.memory_space<vmem_shared>>
      %dma_wait3A_97 = arith.constant 0 : i32
      %dma_wait3A_98 = tpu.memref_slice %arg2[%mul3A_6, %dma_wait3A_97] : memref<10240x128xf32, #tpu.memory_space<hbm>> -> memref<640x32xf32, #tpu.memory_space<hbm>>
      tpu.wait_dma2 semaphore(%run_scoped3A : memref<!tpu.dma_semaphore, #tpu.memory_space<semaphore_mem>>) src(%dma_wait3A_98 : memref<640x32xf32, #tpu.memory_space<hbm>>) dst(%dma_wait3A_96 : memref<640x32xf32, #tpu.memory_space<vmem_shared>>)
      tpu.yield
    }) : () -> ()
    "tpu.region"() ({
      %run_scoped3A = tpu.sem_alloc : memref<!tpu.dma_semaphore, #tpu.memory_space<semaphore_mem>>
      %dma_start3A_91 = arith.constant 0 : i32
      %dma_start3A_92 = tpu.memref_slice %arg11[%mul3A_6, %dma_start3A_91] : memref<10240x32xf32, #tpu.memory_space<vmem_shared>> -> memref<640x32xf32, #tpu.memory_space<vmem_shared>>
      %dma_start3A_93 = arith.constant 0 : i32
      %dma_start3A_94 = tpu.memref_slice %arg2[%mul3A_6, %dma_start3A_93] : memref<10240x128xf32, #tpu.memory_space<hbm>> -> memref<640x32xf32, #tpu.memory_space<hbm>>
      tpu.enqueue_dma source(%dma_start3A_94 : memref<640x32xf32, #tpu.memory_space<hbm>>) target(%dma_start3A_92 : memref<640x32xf32, #tpu.memory_space<vmem_shared>>) target_semaphore(%run_scoped3A : memref<!tpu.dma_semaphore, #tpu.memory_space<semaphore_mem>>)
      %dma_wait3A_95 = arith.constant 0 : i32
      %dma_wait3A_96 = tpu.memref_slice %arg11[%mul3A_6, %dma_wait3A_95] : memref<10240x32xf32, #tpu.memory_space<vmem_shared>> -> memref<640x32xf32, #tpu.memory_space<vmem_shared>>
      %dma_wait3A_97 = arith.constant 0 : i32
      %dma_wait3A_98 = tpu.memref_slice %arg2[%mul3A_6, %dma_wait3A_97] : memref<10240x128xf32, #tpu.memory_space<hbm>> -> memref<640x32xf32, #tpu.memory_space<hbm>>
      tpu.wait_dma2 semaphore(%run_scoped3A : memref<!tpu.dma_semaphore, #tpu.memory_space<semaphore_mem>>) src(%dma_wait3A_98 : memref<640x32xf32, #tpu.memory_space<hbm>>) dst(%dma_wait3A_96 : memref<640x32xf32, #tpu.memory_space<vmem_shared>>)
      tpu.yield
    }) : () -> ()
    %barrier3A = arith.constant 0 : index
    tpu.barrier barrier_id(%barrier3A)
    %dma_start3A = arith.constant 0 : i32
    %dma_start3A_7 = arith.constant 0 : i32
    %dma_start3A_8 = tpu.memref_slice %arg6[%dma_start3A, %dma_start3A_7] : memref<80x128xi32, #tpu.memory_space<vmem>> -> memref<1x128xi32, #tpu.memory_space<vmem>>
    %dma_start3A_9 = tpu.memref_squeeze %dma_start3A_8 : memref<1x128xi32, #tpu.memory_space<vmem>> -> memref<128xi32, #tpu.memory_space<vmem>>
    %dma_start3A_10 = arith.constant 0 : i32
    %dma_start3A_11 = arith.constant 0 : i32
    %dma_start3A_12 = tpu.memref_slice %arg10[%dma_start3A_10, %dma_start3A_11] : memref<10240x32xf32, #tpu.memory_space<vmem_shared>> -> memref<10240x32xf32, #tpu.memory_space<vmem_shared>>
    tpu.enqueue_indirect_dma source(%dma_start3A_12 : memref<10240x32xf32, #tpu.memory_space<vmem_shared>>) target(%arg8 : memref<128x32xf32, #tpu.memory_space<vmem>>) offsets(%dma_start3A_9 : memref<128xi32, #tpu.memory_space<vmem>>) semaphore(%arg12 : memref<!tpu.dma_semaphore, #tpu.memory_space<semaphore_mem>>)
    %scan3A = arith.constant 0 : i32
    %scan3A_13 = arith.constant 0 : i32
    %scan3A_14 = arith.constant 40 : i32
    %scan3A_15 = arith.addi %scan3A_13, %scan3A_14 : i32
    %scan3A_16 = arith.constant 1 : i32
    scf.for %scan3A_91 = %scan3A_13 to %scan3A_15 step %scan3A_16  : i32 {
      %mul3A_92 = arith.constant 2 : i32
      %mul3A_93 = arith.muli %mul3A_92, %scan3A_91 : i32
      %dma_wait3A_94 = arith.constant 0 : i32
      %dma_wait3A_95 = tpu.memref_slice %arg6[%mul3A_93, %dma_wait3A_94] : memref<80x128xi32, #tpu.memory_space<vmem>> -> memref<1x128xi32, #tpu.memory_space<vmem>>
      %dma_wait3A_96 = tpu.memref_squeeze %dma_wait3A_95 : memref<1x128xi32, #tpu.memory_space<vmem>> -> memref<128xi32, #tpu.memory_space<vmem>>
      %dma_wait3A_97 = arith.constant 0 : i32
      %dma_wait3A_98 = arith.constant 0 : i32
      %dma_wait3A_99 = tpu.memref_slice %arg10[%dma_wait3A_97, %dma_wait3A_98] : memref<10240x32xf32, #tpu.memory_space<vmem_shared>> -> memref<10240x32xf32, #tpu.memory_space<vmem_shared>>
      tpu.wait_indirect_dma semaphore(%arg12 : memref<!tpu.dma_semaphore, #tpu.memory_space<semaphore_mem>>) src(%dma_wait3A_99 : memref<10240x32xf32, #tpu.memory_space<vmem_shared>>) dst(%arg8 : memref<128x32xf32, #tpu.memory_space<vmem>>)
      %add3A_100 = arith.constant 1 : i32
      %add3A_101 = arith.addi %mul3A_93, %add3A_100 : i32
      %dma_start3A_102 = arith.constant 0 : i32
      %dma_start3A_103 = tpu.memref_slice %arg6[%add3A_101, %dma_start3A_102] : memref<80x128xi32, #tpu.memory_space<vmem>> -> memref<1x128xi32, #tpu.memory_space<vmem>>
      %dma_start3A_104 = tpu.memref_squeeze %dma_start3A_103 : memref<1x128xi32, #tpu.memory_space<vmem>> -> memref<128xi32, #tpu.memory_space<vmem>>
      %dma_start3A_105 = arith.constant 0 : i32
      %dma_start3A_106 = arith.constant 0 : i32
      %dma_start3A_107 = tpu.memref_slice %arg10[%dma_start3A_105, %dma_start3A_106] : memref<10240x32xf32, #tpu.memory_space<vmem_shared>> -> memref<10240x32xf32, #tpu.memory_space<vmem_shared>>
      tpu.enqueue_indirect_dma source(%dma_start3A_107 : memref<10240x32xf32, #tpu.memory_space<vmem_shared>>) target(%arg9 : memref<128x32xf32, #tpu.memory_space<vmem>>) offsets(%dma_start3A_104 : memref<128xi32, #tpu.memory_space<vmem>>) semaphore(%arg13 : memref<!tpu.dma_semaphore, #tpu.memory_space<semaphore_mem>>)
      "tpu.region"() ({
        %run_scoped3A = tpu.sem_alloc : memref<!tpu.dma_semaphore, #tpu.memory_space<semaphore_mem>>
        %dma_start3A_127 = arith.constant 0 : i32
        %dma_start3A_128 = tpu.memref_slice %arg7[%mul3A_93, %dma_start3A_127] : memref<80x128xi32, #tpu.memory_space<vmem>> -> memref<1x128xi32, #tpu.memory_space<vmem>>
        %dma_start3A_129 = tpu.memref_squeeze %dma_start3A_128 : memref<1x128xi32, #tpu.memory_space<vmem>> -> memref<128xi32, #tpu.memory_space<vmem>>
        %dma_start3A_130 = arith.constant 0 : i32
        %dma_start3A_131 = arith.constant 0 : i32
        %dma_start3A_132 = tpu.memref_slice %arg11[%dma_start3A_130, %dma_start3A_131] : memref<10240x32xf32, #tpu.memory_space<vmem_shared>> -> memref<10240x32xf32, #tpu.memory_space<vmem_shared>>
        tpu.enqueue_indirect_dma source(%arg8 : memref<128x32xf32, #tpu.memory_space<vmem>>) target(%dma_start3A_132 : memref<10240x32xf32, #tpu.memory_space<vmem_shared>>) offsets(%dma_start3A_129 : memref<128xi32, #tpu.memory_space<vmem>>) semaphore(%run_scoped3A : memref<!tpu.dma_semaphore, #tpu.memory_space<semaphore_mem>>) {add = true}
        %dma_wait3A_133 = arith.constant 0 : i32
        %dma_wait3A_134 = tpu.memref_slice %arg7[%mul3A_93, %dma_wait3A_133] : memref<80x128xi32, #tpu.memory_space<vmem>> -> memref<1x128xi32, #tpu.memory_space<vmem>>
        %dma_wait3A_135 = tpu.memref_squeeze %dma_wait3A_134 : memref<1x128xi32, #tpu.memory_space<vmem>> -> memref<128xi32, #tpu.memory_space<vmem>>
        %dma_wait3A_136 = arith.constant 0 : i32
        %dma_wait3A_137 = arith.constant 0 : i32
        %dma_wait3A_138 = tpu.memref_slice %arg11[%dma_wait3A_136, %dma_wait3A_137] : memref<10240x32xf32, #tpu.memory_space<vmem_shared>> -> memref<10240x32xf32, #tpu.memory_space<vmem_shared>>
        tpu.wait_indirect_dma semaphore(%run_scoped3A : memref<!tpu.dma_semaphore, #tpu.memory_space<semaphore_mem>>) src(%arg8 : memref<128x32xf32, #tpu.memory_space<vmem>>) dst(%dma_wait3A_138 : memref<10240x32xf32, #tpu.memory_space<vmem_shared>>)
        tpu.yield
      }) : () -> ()
      %add3A_108 = arith.constant 1 : i32
      %add3A_109 = arith.addi %mul3A_93, %add3A_108 : i32
      %dma_wait3A_110 = arith.constant 0 : i32
      %dma_wait3A_111 = tpu.memref_slice %arg6[%add3A_109, %dma_wait3A_110] : memref<80x128xi32, #tpu.memory_space<vmem>> -> memref<1x128xi32, #tpu.memory_space<vmem>>
      %dma_wait3A_112 = tpu.memref_squeeze %dma_wait3A_111 : memref<1x128xi32, #tpu.memory_space<vmem>> -> memref<128xi32, #tpu.memory_space<vmem>>
      %dma_wait3A_113 = arith.constant 0 : i32
      %dma_wait3A_114 = arith.constant 0 : i32
      %dma_wait3A_115 = tpu.memref_slice %arg10[%dma_wait3A_113, %dma_wait3A_114] : memref<10240x32xf32, #tpu.memory_space<vmem_shared>> -> memref<10240x32xf32, #tpu.memory_space<vmem_shared>>
      tpu.wait_indirect_dma semaphore(%arg13 : memref<!tpu.dma_semaphore, #tpu.memory_space<semaphore_mem>>) src(%dma_wait3A_115 : memref<10240x32xf32, #tpu.memory_space<vmem_shared>>) dst(%arg9 : memref<128x32xf32, #tpu.memory_space<vmem>>)
      %add3A_116 = arith.constant 2 : i32
      %add3A_117 = arith.addi %mul3A_93, %add3A_116 : i32
      %rem3A = arith.constant 80 : i32
      %rem3A_118 = arith.remsi %add3A_117, %rem3A : i32
      %dma_start3A_119 = arith.constant 0 : i32
      %dma_start3A_120 = tpu.memref_slice %arg6[%rem3A_118, %dma_start3A_119] : memref<80x128xi32, #tpu.memory_space<vmem>> -> memref<1x128xi32, #tpu.memory_space<vmem>>
      %dma_start3A_121 = tpu.memref_squeeze %dma_start3A_120 : memref<1x128xi32, #tpu.memory_space<vmem>> -> memref<128xi32, #tpu.memory_space<vmem>>
      %dma_start3A_122 = arith.constant 0 : i32
      %dma_start3A_123 = arith.constant 0 : i32
      %dma_start3A_124 = tpu.memref_slice %arg10[%dma_start3A_122, %dma_start3A_123] : memref<10240x32xf32, #tpu.memory_space<vmem_shared>> -> memref<10240x32xf32, #tpu.memory_space<vmem_shared>>
      tpu.enqueue_indirect_dma source(%dma_start3A_124 : memref<10240x32xf32, #tpu.memory_space<vmem_shared>>) target(%arg8 : memref<128x32xf32, #tpu.memory_space<vmem>>) offsets(%dma_start3A_121 : memref<128xi32, #tpu.memory_space<vmem>>) semaphore(%arg12 : memref<!tpu.dma_semaphore, #tpu.memory_space<semaphore_mem>>)
      %add3A_125 = arith.constant 1 : i32
      %add3A_126 = arith.addi %mul3A_93, %add3A_125 : i32
      "tpu.region"() ({
        %run_scoped3A = tpu.sem_alloc : memref<!tpu.dma_semaphore, #tpu.memory_space<semaphore_mem>>
        %dma_start3A_127 = arith.constant 0 : i32
        %dma_start3A_128 = tpu.memref_slice %arg7[%add3A_126, %dma_start3A_127] : memref<80x128xi32, #tpu.memory_space<vmem>> -> memref<1x128xi32, #tpu.memory_space<vmem>>
        %dma_start3A_129 = tpu.memref_squeeze %dma_start3A_128 : memref<1x128xi32, #tpu.memory_space<vmem>> -> memref<128xi32, #tpu.memory_space<vmem>>
        %dma_start3A_130 = arith.constant 0 : i32
        %dma_start3A_131 = arith.constant 0 : i32
        %dma_start3A_132 = tpu.memref_slice %arg11[%dma_start3A_130, %dma_start3A_131] : memref<10240x32xf32, #tpu.memory_space<vmem_shared>> -> memref<10240x32xf32, #tpu.memory_space<vmem_shared>>
        tpu.enqueue_indirect_dma source(%arg9 : memref<128x32xf32, #tpu.memory_space<vmem>>) target(%dma_start3A_132 : memref<10240x32xf32, #tpu.memory_space<vmem_shared>>) offsets(%dma_start3A_129 : memref<128xi32, #tpu.memory_space<vmem>>) semaphore(%run_scoped3A : memref<!tpu.dma_semaphore, #tpu.memory_space<semaphore_mem>>) {add = true}
        %dma_wait3A_133 = arith.constant 0 : i32
        %dma_wait3A_134 = tpu.memref_slice %arg7[%add3A_126, %dma_wait3A_133] : memref<80x128xi32, #tpu.memory_space<vmem>> -> memref<1x128xi32, #tpu.memory_space<vmem>>
        %dma_wait3A_135 = tpu.memref_squeeze %dma_wait3A_134 : memref<1x128xi32, #tpu.memory_space<vmem>> -> memref<128xi32, #tpu.memory_space<vmem>>
        %dma_wait3A_136 = arith.constant 0 : i32
        %dma_wait3A_137 = arith.constant 0 : i32
        %dma_wait3A_138 = tpu.memref_slice %arg11[%dma_wait3A_136, %dma_wait3A_137] : memref<10240x32xf32, #tpu.memory_space<vmem_shared>> -> memref<10240x32xf32, #tpu.memory_space<vmem_shared>>
        tpu.wait_indirect_dma semaphore(%run_scoped3A : memref<!tpu.dma_semaphore, #tpu.memory_space<semaphore_mem>>) src(%arg9 : memref<128x32xf32, #tpu.memory_space<vmem>>) dst(%dma_wait3A_138 : memref<10240x32xf32, #tpu.memory_space<vmem_shared>>)
        tpu.yield
      }) : () -> ()
    }
    %scan3A_17 = arith.constant 40 : i32
    %dma_wait3A = arith.constant 0 : i32
    %dma_wait3A_18 = arith.constant 0 : i32
    %dma_wait3A_19 = tpu.memref_slice %arg6[%dma_wait3A, %dma_wait3A_18] : memref<80x128xi32, #tpu.memory_space<vmem>> -> memref<1x128xi32, #tpu.memory_space<vmem>>
    %dma_wait3A_20 = tpu.memref_squeeze %dma_wait3A_19 : memref<1x128xi32, #tpu.memory_space<vmem>> -> memref<128xi32, #tpu.memory_space<vmem>>
    %dma_wait3A_21 = arith.constant 0 : i32
    %dma_wait3A_22 = arith.constant 0 : i32
    %dma_wait3A_23 = tpu.memref_slice %arg10[%dma_wait3A_21, %dma_wait3A_22] : memref<10240x32xf32, #tpu.memory_space<vmem_shared>> -> memref<10240x32xf32, #tpu.memory_space<vmem_shared>>
    tpu.wait_indirect_dma semaphore(%arg12 : memref<!tpu.dma_semaphore, #tpu.memory_space<semaphore_mem>>) src(%dma_wait3A_23 : memref<10240x32xf32, #tpu.memory_space<vmem_shared>>) dst(%arg8 : memref<128x32xf32, #tpu.memory_space<vmem>>)
    %barrier3A_24 = arith.constant 0 : index
    tpu.barrier barrier_id(%barrier3A_24)
    "tpu.region"() ({
      %run_scoped3A = tpu.sem_alloc : memref<!tpu.dma_semaphore, #tpu.memory_space<semaphore_mem>>
      %dma_start3A_91 = arith.constant 0 : i32
      %dma_start3A_92 = tpu.memref_slice %arg5[%arg0, %mul3A_6, %dma_start3A_91] : memref<2x10240x128xf32, #tpu.memory_space<hbm>> -> memref<1x640x32xf32, #tpu.memory_space<hbm>>
      %dma_start3A_93 = tpu.memref_squeeze %dma_start3A_92 : memref<1x640x32xf32, #tpu.memory_space<hbm>> -> memref<640x32xf32, #tpu.memory_space<hbm>>
      %dma_start3A_94 = arith.constant 0 : i32
      %dma_start3A_95 = tpu.memref_slice %arg11[%mul3A_6, %dma_start3A_94] : memref<10240x32xf32, #tpu.memory_space<vmem_shared>> -> memref<640x32xf32, #tpu.memory_space<vmem_shared>>
      tpu.enqueue_dma source(%dma_start3A_95 : memref<640x32xf32, #tpu.memory_space<vmem_shared>>) target(%dma_start3A_93 : memref<640x32xf32, #tpu.memory_space<hbm>>) target_semaphore(%run_scoped3A : memref<!tpu.dma_semaphore, #tpu.memory_space<semaphore_mem>>)
      %dma_wait3A_96 = arith.constant 0 : i32
      %dma_wait3A_97 = tpu.memref_slice %arg5[%arg0, %mul3A_6, %dma_wait3A_96] : memref<2x10240x128xf32, #tpu.memory_space<hbm>> -> memref<1x640x32xf32, #tpu.memory_space<hbm>>
      %dma_wait3A_98 = tpu.memref_squeeze %dma_wait3A_97 : memref<1x640x32xf32, #tpu.memory_space<hbm>> -> memref<640x32xf32, #tpu.memory_space<hbm>>
      %dma_wait3A_99 = arith.constant 0 : i32
      %dma_wait3A_100 = tpu.memref_slice %arg11[%mul3A_6, %dma_wait3A_99] : memref<10240x32xf32, #tpu.memory_space<vmem_shared>> -> memref<640x32xf32, #tpu.memory_space<vmem_shared>>
      tpu.wait_dma2 semaphore(%run_scoped3A : memref<!tpu.dma_semaphore, #tpu.memory_space<semaphore_mem>>) src(%dma_wait3A_100 : memref<640x32xf32, #tpu.memory_space<vmem_shared>>) dst(%dma_wait3A_98 : memref<640x32xf32, #tpu.memory_space<hbm>>)
      tpu.yield
    }) : () -> ()
    "tpu.region"() ({
      %run_scoped3A = tpu.sem_alloc : memref<!tpu.dma_semaphore, #tpu.memory_space<semaphore_mem>>
      %dma_start3A_91 = arith.constant 0 : i32
      %dma_start3A_92 = tpu.memref_slice %arg10[%mul3A_6, %dma_start3A_91] : memref<10240x32xf32, #tpu.memory_space<vmem_shared>> -> memref<640x32xf32, #tpu.memory_space<vmem_shared>>
      %dma_start3A_93 = arith.constant 32 : i32
      %dma_start3A_94 = tpu.memref_slice %arg2[%mul3A_6, %dma_start3A_93] : memref<10240x128xf32, #tpu.memory_space<hbm>> -> memref<640x32xf32, #tpu.memory_space<hbm>>
      tpu.enqueue_dma source(%dma_start3A_94 : memref<640x32xf32, #tpu.memory_space<hbm>>) target(%dma_start3A_92 : memref<640x32xf32, #tpu.memory_space<vmem_shared>>) target_semaphore(%run_scoped3A : memref<!tpu.dma_semaphore, #tpu.memory_space<semaphore_mem>>)
      %dma_wait3A_95 = arith.constant 0 : i32
      %dma_wait3A_96 = tpu.memref_slice %arg10[%mul3A_6, %dma_wait3A_95] : memref<10240x32xf32, #tpu.memory_space<vmem_shared>> -> memref<640x32xf32, #tpu.memory_space<vmem_shared>>
      %dma_wait3A_97 = arith.constant 32 : i32
      %dma_wait3A_98 = tpu.memref_slice %arg2[%mul3A_6, %dma_wait3A_97] : memref<10240x128xf32, #tpu.memory_space<hbm>> -> memref<640x32xf32, #tpu.memory_space<hbm>>
      tpu.wait_dma2 semaphore(%run_scoped3A : memref<!tpu.dma_semaphore, #tpu.memory_space<semaphore_mem>>) src(%dma_wait3A_98 : memref<640x32xf32, #tpu.memory_space<hbm>>) dst(%dma_wait3A_96 : memref<640x32xf32, #tpu.memory_space<vmem_shared>>)
      tpu.yield
    }) : () -> ()
    "tpu.region"() ({
      %run_scoped3A = tpu.sem_alloc : memref<!tpu.dma_semaphore, #tpu.memory_space<semaphore_mem>>
      %dma_start3A_91 = arith.constant 0 : i32
      %dma_start3A_92 = tpu.memref_slice %arg11[%mul3A_6, %dma_start3A_91] : memref<10240x32xf32, #tpu.memory_space<vmem_shared>> -> memref<640x32xf32, #tpu.memory_space<vmem_shared>>
      %dma_start3A_93 = arith.constant 32 : i32
      %dma_start3A_94 = tpu.memref_slice %arg2[%mul3A_6, %dma_start3A_93] : memref<10240x128xf32, #tpu.memory_space<hbm>> -> memref<640x32xf32, #tpu.memory_space<hbm>>
      tpu.enqueue_dma source(%dma_start3A_94 : memref<640x32xf32, #tpu.memory_space<hbm>>) target(%dma_start3A_92 : memref<640x32xf32, #tpu.memory_space<vmem_shared>>) target_semaphore(%run_scoped3A : memref<!tpu.dma_semaphore, #tpu.memory_space<semaphore_mem>>)
      %dma_wait3A_95 = arith.constant 0 : i32
      %dma_wait3A_96 = tpu.memref_slice %arg11[%mul3A_6, %dma_wait3A_95] : memref<10240x32xf32, #tpu.memory_space<vmem_shared>> -> memref<640x32xf32, #tpu.memory_space<vmem_shared>>
      %dma_wait3A_97 = arith.constant 32 : i32
      %dma_wait3A_98 = tpu.memref_slice %arg2[%mul3A_6, %dma_wait3A_97] : memref<10240x128xf32, #tpu.memory_space<hbm>> -> memref<640x32xf32, #tpu.memory_space<hbm>>
      tpu.wait_dma2 semaphore(%run_scoped3A : memref<!tpu.dma_semaphore, #tpu.memory_space<semaphore_mem>>) src(%dma_wait3A_98 : memref<640x32xf32, #tpu.memory_space<hbm>>) dst(%dma_wait3A_96 : memref<640x32xf32, #tpu.memory_space<vmem_shared>>)
      tpu.yield
    }) : () -> ()
    %barrier3A_25 = arith.constant 0 : index
    tpu.barrier barrier_id(%barrier3A_25)
    %dma_start3A_26 = arith.constant 0 : i32
    %dma_start3A_27 = arith.constant 0 : i32
    %dma_start3A_28 = tpu.memref_slice %arg6[%dma_start3A_26, %dma_start3A_27] : memref<80x128xi32, #tpu.memory_space<vmem>> -> memref<1x128xi32, #tpu.memory_space<vmem>>
    %dma_start3A_29 = tpu.memref_squeeze %dma_start3A_28 : memref<1x128xi32, #tpu.memory_space<vmem>> -> memref<128xi32, #tpu.memory_space<vmem>>
    %dma_start3A_30 = arith.constant 0 : i32
    %dma_start3A_31 = arith.constant 0 : i32
    %dma_start3A_32 = tpu.memref_slice %arg10[%dma_start3A_30, %dma_start3A_31] : memref<10240x32xf32, #tpu.memory_space<vmem_shared>> -> memref<10240x32xf32, #tpu.memory_space<vmem_shared>>
    tpu.enqueue_indirect_dma source(%dma_start3A_32 : memref<10240x32xf32, #tpu.memory_space<vmem_shared>>) target(%arg8 : memref<128x32xf32, #tpu.memory_space<vmem>>) offsets(%dma_start3A_29 : memref<128xi32, #tpu.memory_space<vmem>>) semaphore(%arg12 : memref<!tpu.dma_semaphore, #tpu.memory_space<semaphore_mem>>)
    %scan3A_33 = arith.constant 0 : i32
    %scan3A_34 = arith.constant 0 : i32
    %scan3A_35 = arith.constant 40 : i32
    %scan3A_36 = arith.addi %scan3A_34, %scan3A_35 : i32
    %scan3A_37 = arith.constant 1 : i32
    scf.for %scan3A_91 = %scan3A_34 to %scan3A_36 step %scan3A_37  : i32 {
      %mul3A_92 = arith.constant 2 : i32
      %mul3A_93 = arith.muli %mul3A_92, %scan3A_91 : i32
      %dma_wait3A_94 = arith.constant 0 : i32
      %dma_wait3A_95 = tpu.memref_slice %arg6[%mul3A_93, %dma_wait3A_94] : memref<80x128xi32, #tpu.memory_space<vmem>> -> memref<1x128xi32, #tpu.memory_space<vmem>>
      %dma_wait3A_96 = tpu.memref_squeeze %dma_wait3A_95 : memref<1x128xi32, #tpu.memory_space<vmem>> -> memref<128xi32, #tpu.memory_space<vmem>>
      %dma_wait3A_97 = arith.constant 0 : i32
      %dma_wait3A_98 = arith.constant 0 : i32
      %dma_wait3A_99 = tpu.memref_slice %arg10[%dma_wait3A_97, %dma_wait3A_98] : memref<10240x32xf32, #tpu.memory_space<vmem_shared>> -> memref<10240x32xf32, #tpu.memory_space<vmem_shared>>
      tpu.wait_indirect_dma semaphore(%arg12 : memref<!tpu.dma_semaphore, #tpu.memory_space<semaphore_mem>>) src(%dma_wait3A_99 : memref<10240x32xf32, #tpu.memory_space<vmem_shared>>) dst(%arg8 : memref<128x32xf32, #tpu.memory_space<vmem>>)
      %add3A_100 = arith.constant 1 : i32
      %add3A_101 = arith.addi %mul3A_93, %add3A_100 : i32
      %dma_start3A_102 = arith.constant 0 : i32
      %dma_start3A_103 = tpu.memref_slice %arg6[%add3A_101, %dma_start3A_102] : memref<80x128xi32, #tpu.memory_space<vmem>> -> memref<1x128xi32, #tpu.memory_space<vmem>>
      %dma_start3A_104 = tpu.memref_squeeze %dma_start3A_103 : memref<1x128xi32, #tpu.memory_space<vmem>> -> memref<128xi32, #tpu.memory_space<vmem>>
      %dma_start3A_105 = arith.constant 0 : i32
      %dma_start3A_106 = arith.constant 0 : i32
      %dma_start3A_107 = tpu.memref_slice %arg10[%dma_start3A_105, %dma_start3A_106] : memref<10240x32xf32, #tpu.memory_space<vmem_shared>> -> memref<10240x32xf32, #tpu.memory_space<vmem_shared>>
      tpu.enqueue_indirect_dma source(%dma_start3A_107 : memref<10240x32xf32, #tpu.memory_space<vmem_shared>>) target(%arg9 : memref<128x32xf32, #tpu.memory_space<vmem>>) offsets(%dma_start3A_104 : memref<128xi32, #tpu.memory_space<vmem>>) semaphore(%arg13 : memref<!tpu.dma_semaphore, #tpu.memory_space<semaphore_mem>>)
      "tpu.region"() ({
        %run_scoped3A = tpu.sem_alloc : memref<!tpu.dma_semaphore, #tpu.memory_space<semaphore_mem>>
        %dma_start3A_127 = arith.constant 0 : i32
        %dma_start3A_128 = tpu.memref_slice %arg7[%mul3A_93, %dma_start3A_127] : memref<80x128xi32, #tpu.memory_space<vmem>> -> memref<1x128xi32, #tpu.memory_space<vmem>>
        %dma_start3A_129 = tpu.memref_squeeze %dma_start3A_128 : memref<1x128xi32, #tpu.memory_space<vmem>> -> memref<128xi32, #tpu.memory_space<vmem>>
        %dma_start3A_130 = arith.constant 0 : i32
        %dma_start3A_131 = arith.constant 0 : i32
        %dma_start3A_132 = tpu.memref_slice %arg11[%dma_start3A_130, %dma_start3A_131] : memref<10240x32xf32, #tpu.memory_space<vmem_shared>> -> memref<10240x32xf32, #tpu.memory_space<vmem_shared>>
        tpu.enqueue_indirect_dma source(%arg8 : memref<128x32xf32, #tpu.memory_space<vmem>>) target(%dma_start3A_132 : memref<10240x32xf32, #tpu.memory_space<vmem_shared>>) offsets(%dma_start3A_129 : memref<128xi32, #tpu.memory_space<vmem>>) semaphore(%run_scoped3A : memref<!tpu.dma_semaphore, #tpu.memory_space<semaphore_mem>>) {add = true}
        %dma_wait3A_133 = arith.constant 0 : i32
        %dma_wait3A_134 = tpu.memref_slice %arg7[%mul3A_93, %dma_wait3A_133] : memref<80x128xi32, #tpu.memory_space<vmem>> -> memref<1x128xi32, #tpu.memory_space<vmem>>
        %dma_wait3A_135 = tpu.memref_squeeze %dma_wait3A_134 : memref<1x128xi32, #tpu.memory_space<vmem>> -> memref<128xi32, #tpu.memory_space<vmem>>
        %dma_wait3A_136 = arith.constant 0 : i32
        %dma_wait3A_137 = arith.constant 0 : i32
        %dma_wait3A_138 = tpu.memref_slice %arg11[%dma_wait3A_136, %dma_wait3A_137] : memref<10240x32xf32, #tpu.memory_space<vmem_shared>> -> memref<10240x32xf32, #tpu.memory_space<vmem_shared>>
        tpu.wait_indirect_dma semaphore(%run_scoped3A : memref<!tpu.dma_semaphore, #tpu.memory_space<semaphore_mem>>) src(%arg8 : memref<128x32xf32, #tpu.memory_space<vmem>>) dst(%dma_wait3A_138 : memref<10240x32xf32, #tpu.memory_space<vmem_shared>>)
        tpu.yield
      }) : () -> ()
      %add3A_108 = arith.constant 1 : i32
      %add3A_109 = arith.addi %mul3A_93, %add3A_108 : i32
      %dma_wait3A_110 = arith.constant 0 : i32
      %dma_wait3A_111 = tpu.memref_slice %arg6[%add3A_109, %dma_wait3A_110] : memref<80x128xi32, #tpu.memory_space<vmem>> -> memref<1x128xi32, #tpu.memory_space<vmem>>
      %dma_wait3A_112 = tpu.memref_squeeze %dma_wait3A_111 : memref<1x128xi32, #tpu.memory_space<vmem>> -> memref<128xi32, #tpu.memory_space<vmem>>
      %dma_wait3A_113 = arith.constant 0 : i32
      %dma_wait3A_114 = arith.constant 0 : i32
      %dma_wait3A_115 = tpu.memref_slice %arg10[%dma_wait3A_113, %dma_wait3A_114] : memref<10240x32xf32, #tpu.memory_space<vmem_shared>> -> memref<10240x32xf32, #tpu.memory_space<vmem_shared>>
      tpu.wait_indirect_dma semaphore(%arg13 : memref<!tpu.dma_semaphore, #tpu.memory_space<semaphore_mem>>) src(%dma_wait3A_115 : memref<10240x32xf32, #tpu.memory_space<vmem_shared>>) dst(%arg9 : memref<128x32xf32, #tpu.memory_space<vmem>>)
      %add3A_116 = arith.constant 2 : i32
      %add3A_117 = arith.addi %mul3A_93, %add3A_116 : i32
      %rem3A = arith.constant 80 : i32
      %rem3A_118 = arith.remsi %add3A_117, %rem3A : i32
      %dma_start3A_119 = arith.constant 0 : i32
      %dma_start3A_120 = tpu.memref_slice %arg6[%rem3A_118, %dma_start3A_119] : memref<80x128xi32, #tpu.memory_space<vmem>> -> memref<1x128xi32, #tpu.memory_space<vmem>>
      %dma_start3A_121 = tpu.memref_squeeze %dma_start3A_120 : memref<1x128xi32, #tpu.memory_space<vmem>> -> memref<128xi32, #tpu.memory_space<vmem>>
      %dma_start3A_122 = arith.constant 0 : i32
      %dma_start3A_123 = arith.constant 0 : i32
      %dma_start3A_124 = tpu.memref_slice %arg10[%dma_start3A_122, %dma_start3A_123] : memref<10240x32xf32, #tpu.memory_space<vmem_shared>> -> memref<10240x32xf32, #tpu.memory_space<vmem_shared>>
      tpu.enqueue_indirect_dma source(%dma_start3A_124 : memref<10240x32xf32, #tpu.memory_space<vmem_shared>>) target(%arg8 : memref<128x32xf32, #tpu.memory_space<vmem>>) offsets(%dma_start3A_121 : memref<128xi32, #tpu.memory_space<vmem>>) semaphore(%arg12 : memref<!tpu.dma_semaphore, #tpu.memory_space<semaphore_mem>>)
      %add3A_125 = arith.constant 1 : i32
      %add3A_126 = arith.addi %mul3A_93, %add3A_125 : i32
      "tpu.region"() ({
        %run_scoped3A = tpu.sem_alloc : memref<!tpu.dma_semaphore, #tpu.memory_space<semaphore_mem>>
        %dma_start3A_127 = arith.constant 0 : i32
        %dma_start3A_128 = tpu.memref_slice %arg7[%add3A_126, %dma_start3A_127] : memref<80x128xi32, #tpu.memory_space<vmem>> -> memref<1x128xi32, #tpu.memory_space<vmem>>
        %dma_start3A_129 = tpu.memref_squeeze %dma_start3A_128 : memref<1x128xi32, #tpu.memory_space<vmem>> -> memref<128xi32, #tpu.memory_space<vmem>>
        %dma_start3A_130 = arith.constant 0 : i32
        %dma_start3A_131 = arith.constant 0 : i32
        %dma_start3A_132 = tpu.memref_slice %arg11[%dma_start3A_130, %dma_start3A_131] : memref<10240x32xf32, #tpu.memory_space<vmem_shared>> -> memref<10240x32xf32, #tpu.memory_space<vmem_shared>>
        tpu.enqueue_indirect_dma source(%arg9 : memref<128x32xf32, #tpu.memory_space<vmem>>) target(%dma_start3A_132 : memref<10240x32xf32, #tpu.memory_space<vmem_shared>>) offsets(%dma_start3A_129 : memref<128xi32, #tpu.memory_space<vmem>>) semaphore(%run_scoped3A : memref<!tpu.dma_semaphore, #tpu.memory_space<semaphore_mem>>) {add = true}
        %dma_wait3A_133 = arith.constant 0 : i32
        %dma_wait3A_134 = tpu.memref_slice %arg7[%add3A_126, %dma_wait3A_133] : memref<80x128xi32, #tpu.memory_space<vmem>> -> memref<1x128xi32, #tpu.memory_space<vmem>>
        %dma_wait3A_135 = tpu.memref_squeeze %dma_wait3A_134 : memref<1x128xi32, #tpu.memory_space<vmem>> -> memref<128xi32, #tpu.memory_space<vmem>>
        %dma_wait3A_136 = arith.constant 0 : i32
        %dma_wait3A_137 = arith.constant 0 : i32
        %dma_wait3A_138 = tpu.memref_slice %arg11[%dma_wait3A_136, %dma_wait3A_137] : memref<10240x32xf32, #tpu.memory_space<vmem_shared>> -> memref<10240x32xf32, #tpu.memory_space<vmem_shared>>
        tpu.wait_indirect_dma semaphore(%run_scoped3A : memref<!tpu.dma_semaphore, #tpu.memory_space<semaphore_mem>>) src(%arg9 : memref<128x32xf32, #tpu.memory_space<vmem>>) dst(%dma_wait3A_138 : memref<10240x32xf32, #tpu.memory_space<vmem_shared>>)
        tpu.yield
      }) : () -> ()
    }
    %scan3A_38 = arith.constant 40 : i32
    %dma_wait3A_39 = arith.constant 0 : i32
    %dma_wait3A_40 = arith.constant 0 : i32
    %dma_wait3A_41 = tpu.memref_slice %arg6[%dma_wait3A_39, %dma_wait3A_40] : memref<80x128xi32, #tpu.memory_space<vmem>> -> memref<1x128xi32, #tpu.memory_space<vmem>>
    %dma_wait3A_42 = tpu.memref_squeeze %dma_wait3A_41 : memref<1x128xi32, #tpu.memory_space<vmem>> -> memref<128xi32, #tpu.memory_space<vmem>>
    %dma_wait3A_43 = arith.constant 0 : i32
    %dma_wait3A_44 = arith.constant 0 : i32
    %dma_wait3A_45 = tpu.memref_slice %arg10[%dma_wait3A_43, %dma_wait3A_44] : memref<10240x32xf32, #tpu.memory_space<vmem_shared>> -> memref<10240x32xf32, #tpu.memory_space<vmem_shared>>
    tpu.wait_indirect_dma semaphore(%arg12 : memref<!tpu.dma_semaphore, #tpu.memory_space<semaphore_mem>>) src(%dma_wait3A_45 : memref<10240x32xf32, #tpu.memory_space<vmem_shared>>) dst(%arg8 : memref<128x32xf32, #tpu.memory_space<vmem>>)
    %barrier3A_46 = arith.constant 0 : index
    tpu.barrier barrier_id(%barrier3A_46)
    "tpu.region"() ({
      %run_scoped3A = tpu.sem_alloc : memref<!tpu.dma_semaphore, #tpu.memory_space<semaphore_mem>>
      %dma_start3A_91 = arith.constant 32 : i32
      %dma_start3A_92 = tpu.memref_slice %arg5[%arg0, %mul3A_6, %dma_start3A_91] : memref<2x10240x128xf32, #tpu.memory_space<hbm>> -> memref<1x640x32xf32, #tpu.memory_space<hbm>>
      %dma_start3A_93 = tpu.memref_squeeze %dma_start3A_92 : memref<1x640x32xf32, #tpu.memory_space<hbm>> -> memref<640x32xf32, #tpu.memory_space<hbm>>
      %dma_start3A_94 = arith.constant 0 : i32
      %dma_start3A_95 = tpu.memref_slice %arg11[%mul3A_6, %dma_start3A_94] : memref<10240x32xf32, #tpu.memory_space<vmem_shared>> -> memref<640x32xf32, #tpu.memory_space<vmem_shared>>
      tpu.enqueue_dma source(%dma_start3A_95 : memref<640x32xf32, #tpu.memory_space<vmem_shared>>) target(%dma_start3A_93 : memref<640x32xf32, #tpu.memory_space<hbm>>) target_semaphore(%run_scoped3A : memref<!tpu.dma_semaphore, #tpu.memory_space<semaphore_mem>>)
      %dma_wait3A_96 = arith.constant 32 : i32
      %dma_wait3A_97 = tpu.memref_slice %arg5[%arg0, %mul3A_6, %dma_wait3A_96] : memref<2x10240x128xf32, #tpu.memory_space<hbm>> -> memref<1x640x32xf32, #tpu.memory_space<hbm>>
      %dma_wait3A_98 = tpu.memref_squeeze %dma_wait3A_97 : memref<1x640x32xf32, #tpu.memory_space<hbm>> -> memref<640x32xf32, #tpu.memory_space<hbm>>
      %dma_wait3A_99 = arith.constant 0 : i32
      %dma_wait3A_100 = tpu.memref_slice %arg11[%mul3A_6, %dma_wait3A_99] : memref<10240x32xf32, #tpu.memory_space<vmem_shared>> -> memref<640x32xf32, #tpu.memory_space<vmem_shared>>
      tpu.wait_dma2 semaphore(%run_scoped3A : memref<!tpu.dma_semaphore, #tpu.memory_space<semaphore_mem>>) src(%dma_wait3A_100 : memref<640x32xf32, #tpu.memory_space<vmem_shared>>) dst(%dma_wait3A_98 : memref<640x32xf32, #tpu.memory_space<hbm>>)
      tpu.yield
    }) : () -> ()
    "tpu.region"() ({
      %run_scoped3A = tpu.sem_alloc : memref<!tpu.dma_semaphore, #tpu.memory_space<semaphore_mem>>
      %dma_start3A_91 = arith.constant 0 : i32
      %dma_start3A_92 = tpu.memref_slice %arg10[%mul3A_6, %dma_start3A_91] : memref<10240x32xf32, #tpu.memory_space<vmem_shared>> -> memref<640x32xf32, #tpu.memory_space<vmem_shared>>
      %dma_start3A_93 = arith.constant 64 : i32
      %dma_start3A_94 = tpu.memref_slice %arg2[%mul3A_6, %dma_start3A_93] : memref<10240x128xf32, #tpu.memory_space<hbm>> -> memref<640x32xf32, #tpu.memory_space<hbm>>
      tpu.enqueue_dma source(%dma_start3A_94 : memref<640x32xf32, #tpu.memory_space<hbm>>) target(%dma_start3A_92 : memref<640x32xf32, #tpu.memory_space<vmem_shared>>) target_semaphore(%run_scoped3A : memref<!tpu.dma_semaphore, #tpu.memory_space<semaphore_mem>>)
      %dma_wait3A_95 = arith.constant 0 : i32
      %dma_wait3A_96 = tpu.memref_slice %arg10[%mul3A_6, %dma_wait3A_95] : memref<10240x32xf32, #tpu.memory_space<vmem_shared>> -> memref<640x32xf32, #tpu.memory_space<vmem_shared>>
      %dma_wait3A_97 = arith.constant 64 : i32
      %dma_wait3A_98 = tpu.memref_slice %arg2[%mul3A_6, %dma_wait3A_97] : memref<10240x128xf32, #tpu.memory_space<hbm>> -> memref<640x32xf32, #tpu.memory_space<hbm>>
      tpu.wait_dma2 semaphore(%run_scoped3A : memref<!tpu.dma_semaphore, #tpu.memory_space<semaphore_mem>>) src(%dma_wait3A_98 : memref<640x32xf32, #tpu.memory_space<hbm>>) dst(%dma_wait3A_96 : memref<640x32xf32, #tpu.memory_space<vmem_shared>>)
      tpu.yield
    }) : () -> ()
    "tpu.region"() ({
      %run_scoped3A = tpu.sem_alloc : memref<!tpu.dma_semaphore, #tpu.memory_space<semaphore_mem>>
      %dma_start3A_91 = arith.constant 0 : i32
      %dma_start3A_92 = tpu.memref_slice %arg11[%mul3A_6, %dma_start3A_91] : memref<10240x32xf32, #tpu.memory_space<vmem_shared>> -> memref<640x32xf32, #tpu.memory_space<vmem_shared>>
      %dma_start3A_93 = arith.constant 64 : i32
      %dma_start3A_94 = tpu.memref_slice %arg2[%mul3A_6, %dma_start3A_93] : memref<10240x128xf32, #tpu.memory_space<hbm>> -> memref<640x32xf32, #tpu.memory_space<hbm>>
      tpu.enqueue_dma source(%dma_start3A_94 : memref<640x32xf32, #tpu.memory_space<hbm>>) target(%dma_start3A_92 : memref<640x32xf32, #tpu.memory_space<vmem_shared>>) target_semaphore(%run_scoped3A : memref<!tpu.dma_semaphore, #tpu.memory_space<semaphore_mem>>)
      %dma_wait3A_95 = arith.constant 0 : i32
      %dma_wait3A_96 = tpu.memref_slice %arg11[%mul3A_6, %dma_wait3A_95] : memref<10240x32xf32, #tpu.memory_space<vmem_shared>> -> memref<640x32xf32, #tpu.memory_space<vmem_shared>>
      %dma_wait3A_97 = arith.constant 64 : i32
      %dma_wait3A_98 = tpu.memref_slice %arg2[%mul3A_6, %dma_wait3A_97] : memref<10240x128xf32, #tpu.memory_space<hbm>> -> memref<640x32xf32, #tpu.memory_space<hbm>>
      tpu.wait_dma2 semaphore(%run_scoped3A : memref<!tpu.dma_semaphore, #tpu.memory_space<semaphore_mem>>) src(%dma_wait3A_98 : memref<640x32xf32, #tpu.memory_space<hbm>>) dst(%dma_wait3A_96 : memref<640x32xf32, #tpu.memory_space<vmem_shared>>)
      tpu.yield
    }) : () -> ()
    %barrier3A_47 = arith.constant 0 : index
    tpu.barrier barrier_id(%barrier3A_47)
    %dma_start3A_48 = arith.constant 0 : i32
    %dma_start3A_49 = arith.constant 0 : i32
    %dma_start3A_50 = tpu.memref_slice %arg6[%dma_start3A_48, %dma_start3A_49] : memref<80x128xi32, #tpu.memory_space<vmem>> -> memref<1x128xi32, #tpu.memory_space<vmem>>
    %dma_start3A_51 = tpu.memref_squeeze %dma_start3A_50 : memref<1x128xi32, #tpu.memory_space<vmem>> -> memref<128xi32, #tpu.memory_space<vmem>>
    %dma_start3A_52 = arith.constant 0 : i32
    %dma_start3A_53 = arith.constant 0 : i32
    %dma_start3A_54 = tpu.memref_slice %arg10[%dma_start3A_52, %dma_start3A_53] : memref<10240x32xf32, #tpu.memory_space<vmem_shared>> -> memref<10240x32xf32, #tpu.memory_space<vmem_shared>>
    tpu.enqueue_indirect_dma source(%dma_start3A_54 : memref<10240x32xf32, #tpu.memory_space<vmem_shared>>) target(%arg8 : memref<128x32xf32, #tpu.memory_space<vmem>>) offsets(%dma_start3A_51 : memref<128xi32, #tpu.memory_space<vmem>>) semaphore(%arg12 : memref<!tpu.dma_semaphore, #tpu.memory_space<semaphore_mem>>)
    %scan3A_55 = arith.constant 0 : i32
    %scan3A_56 = arith.constant 0 : i32
    %scan3A_57 = arith.constant 40 : i32
    %scan3A_58 = arith.addi %scan3A_56, %scan3A_57 : i32
    %scan3A_59 = arith.constant 1 : i32
    scf.for %scan3A_91 = %scan3A_56 to %scan3A_58 step %scan3A_59  : i32 {
      %mul3A_92 = arith.constant 2 : i32
      %mul3A_93 = arith.muli %mul3A_92, %scan3A_91 : i32
      %dma_wait3A_94 = arith.constant 0 : i32
      %dma_wait3A_95 = tpu.memref_slice %arg6[%mul3A_93, %dma_wait3A_94] : memref<80x128xi32, #tpu.memory_space<vmem>> -> memref<1x128xi32, #tpu.memory_space<vmem>>
      %dma_wait3A_96 = tpu.memref_squeeze %dma_wait3A_95 : memref<1x128xi32, #tpu.memory_space<vmem>> -> memref<128xi32, #tpu.memory_space<vmem>>
      %dma_wait3A_97 = arith.constant 0 : i32
      %dma_wait3A_98 = arith.constant 0 : i32
      %dma_wait3A_99 = tpu.memref_slice %arg10[%dma_wait3A_97, %dma_wait3A_98] : memref<10240x32xf32, #tpu.memory_space<vmem_shared>> -> memref<10240x32xf32, #tpu.memory_space<vmem_shared>>
      tpu.wait_indirect_dma semaphore(%arg12 : memref<!tpu.dma_semaphore, #tpu.memory_space<semaphore_mem>>) src(%dma_wait3A_99 : memref<10240x32xf32, #tpu.memory_space<vmem_shared>>) dst(%arg8 : memref<128x32xf32, #tpu.memory_space<vmem>>)
      %add3A_100 = arith.constant 1 : i32
      %add3A_101 = arith.addi %mul3A_93, %add3A_100 : i32
      %dma_start3A_102 = arith.constant 0 : i32
      %dma_start3A_103 = tpu.memref_slice %arg6[%add3A_101, %dma_start3A_102] : memref<80x128xi32, #tpu.memory_space<vmem>> -> memref<1x128xi32, #tpu.memory_space<vmem>>
      %dma_start3A_104 = tpu.memref_squeeze %dma_start3A_103 : memref<1x128xi32, #tpu.memory_space<vmem>> -> memref<128xi32, #tpu.memory_space<vmem>>
      %dma_start3A_105 = arith.constant 0 : i32
      %dma_start3A_106 = arith.constant 0 : i32
      %dma_start3A_107 = tpu.memref_slice %arg10[%dma_start3A_105, %dma_start3A_106] : memref<10240x32xf32, #tpu.memory_space<vmem_shared>> -> memref<10240x32xf32, #tpu.memory_space<vmem_shared>>
      tpu.enqueue_indirect_dma source(%dma_start3A_107 : memref<10240x32xf32, #tpu.memory_space<vmem_shared>>) target(%arg9 : memref<128x32xf32, #tpu.memory_space<vmem>>) offsets(%dma_start3A_104 : memref<128xi32, #tpu.memory_space<vmem>>) semaphore(%arg13 : memref<!tpu.dma_semaphore, #tpu.memory_space<semaphore_mem>>)
      "tpu.region"() ({
        %run_scoped3A = tpu.sem_alloc : memref<!tpu.dma_semaphore, #tpu.memory_space<semaphore_mem>>
        %dma_start3A_127 = arith.constant 0 : i32
        %dma_start3A_128 = tpu.memref_slice %arg7[%mul3A_93, %dma_start3A_127] : memref<80x128xi32, #tpu.memory_space<vmem>> -> memref<1x128xi32, #tpu.memory_space<vmem>>
        %dma_start3A_129 = tpu.memref_squeeze %dma_start3A_128 : memref<1x128xi32, #tpu.memory_space<vmem>> -> memref<128xi32, #tpu.memory_space<vmem>>
        %dma_start3A_130 = arith.constant 0 : i32
        %dma_start3A_131 = arith.constant 0 : i32
        %dma_start3A_132 = tpu.memref_slice %arg11[%dma_start3A_130, %dma_start3A_131] : memref<10240x32xf32, #tpu.memory_space<vmem_shared>> -> memref<10240x32xf32, #tpu.memory_space<vmem_shared>>
        tpu.enqueue_indirect_dma source(%arg8 : memref<128x32xf32, #tpu.memory_space<vmem>>) target(%dma_start3A_132 : memref<10240x32xf32, #tpu.memory_space<vmem_shared>>) offsets(%dma_start3A_129 : memref<128xi32, #tpu.memory_space<vmem>>) semaphore(%run_scoped3A : memref<!tpu.dma_semaphore, #tpu.memory_space<semaphore_mem>>) {add = true}
        %dma_wait3A_133 = arith.constant 0 : i32
        %dma_wait3A_134 = tpu.memref_slice %arg7[%mul3A_93, %dma_wait3A_133] : memref<80x128xi32, #tpu.memory_space<vmem>> -> memref<1x128xi32, #tpu.memory_space<vmem>>
        %dma_wait3A_135 = tpu.memref_squeeze %dma_wait3A_134 : memref<1x128xi32, #tpu.memory_space<vmem>> -> memref<128xi32, #tpu.memory_space<vmem>>
        %dma_wait3A_136 = arith.constant 0 : i32
        %dma_wait3A_137 = arith.constant 0 : i32
        %dma_wait3A_138 = tpu.memref_slice %arg11[%dma_wait3A_136, %dma_wait3A_137] : memref<10240x32xf32, #tpu.memory_space<vmem_shared>> -> memref<10240x32xf32, #tpu.memory_space<vmem_shared>>
        tpu.wait_indirect_dma semaphore(%run_scoped3A : memref<!tpu.dma_semaphore, #tpu.memory_space<semaphore_mem>>) src(%arg8 : memref<128x32xf32, #tpu.memory_space<vmem>>) dst(%dma_wait3A_138 : memref<10240x32xf32, #tpu.memory_space<vmem_shared>>)
        tpu.yield
      }) : () -> ()
      %add3A_108 = arith.constant 1 : i32
      %add3A_109 = arith.addi %mul3A_93, %add3A_108 : i32
      %dma_wait3A_110 = arith.constant 0 : i32
      %dma_wait3A_111 = tpu.memref_slice %arg6[%add3A_109, %dma_wait3A_110] : memref<80x128xi32, #tpu.memory_space<vmem>> -> memref<1x128xi32, #tpu.memory_space<vmem>>
      %dma_wait3A_112 = tpu.memref_squeeze %dma_wait3A_111 : memref<1x128xi32, #tpu.memory_space<vmem>> -> memref<128xi32, #tpu.memory_space<vmem>>
      %dma_wait3A_113 = arith.constant 0 : i32
      %dma_wait3A_114 = arith.constant 0 : i32
      %dma_wait3A_115 = tpu.memref_slice %arg10[%dma_wait3A_113, %dma_wait3A_114] : memref<10240x32xf32, #tpu.memory_space<vmem_shared>> -> memref<10240x32xf32, #tpu.memory_space<vmem_shared>>
      tpu.wait_indirect_dma semaphore(%arg13 : memref<!tpu.dma_semaphore, #tpu.memory_space<semaphore_mem>>) src(%dma_wait3A_115 : memref<10240x32xf32, #tpu.memory_space<vmem_shared>>) dst(%arg9 : memref<128x32xf32, #tpu.memory_space<vmem>>)
      %add3A_116 = arith.constant 2 : i32
      %add3A_117 = arith.addi %mul3A_93, %add3A_116 : i32
      %rem3A = arith.constant 80 : i32
      %rem3A_118 = arith.remsi %add3A_117, %rem3A : i32
      %dma_start3A_119 = arith.constant 0 : i32
      %dma_start3A_120 = tpu.memref_slice %arg6[%rem3A_118, %dma_start3A_119] : memref<80x128xi32, #tpu.memory_space<vmem>> -> memref<1x128xi32, #tpu.memory_space<vmem>>
      %dma_start3A_121 = tpu.memref_squeeze %dma_start3A_120 : memref<1x128xi32, #tpu.memory_space<vmem>> -> memref<128xi32, #tpu.memory_space<vmem>>
      %dma_start3A_122 = arith.constant 0 : i32
      %dma_start3A_123 = arith.constant 0 : i32
      %dma_start3A_124 = tpu.memref_slice %arg10[%dma_start3A_122, %dma_start3A_123] : memref<10240x32xf32, #tpu.memory_space<vmem_shared>> -> memref<10240x32xf32, #tpu.memory_space<vmem_shared>>
      tpu.enqueue_indirect_dma source(%dma_start3A_124 : memref<10240x32xf32, #tpu.memory_space<vmem_shared>>) target(%arg8 : memref<128x32xf32, #tpu.memory_space<vmem>>) offsets(%dma_start3A_121 : memref<128xi32, #tpu.memory_space<vmem>>) semaphore(%arg12 : memref<!tpu.dma_semaphore, #tpu.memory_space<semaphore_mem>>)
      %add3A_125 = arith.constant 1 : i32
      %add3A_126 = arith.addi %mul3A_93, %add3A_125 : i32
      "tpu.region"() ({
        %run_scoped3A = tpu.sem_alloc : memref<!tpu.dma_semaphore, #tpu.memory_space<semaphore_mem>>
        %dma_start3A_127 = arith.constant 0 : i32
        %dma_start3A_128 = tpu.memref_slice %arg7[%add3A_126, %dma_start3A_127] : memref<80x128xi32, #tpu.memory_space<vmem>> -> memref<1x128xi32, #tpu.memory_space<vmem>>
        %dma_start3A_129 = tpu.memref_squeeze %dma_start3A_128 : memref<1x128xi32, #tpu.memory_space<vmem>> -> memref<128xi32, #tpu.memory_space<vmem>>
        %dma_start3A_130 = arith.constant 0 : i32
        %dma_start3A_131 = arith.constant 0 : i32
        %dma_start3A_132 = tpu.memref_slice %arg11[%dma_start3A_130, %dma_start3A_131] : memref<10240x32xf32, #tpu.memory_space<vmem_shared>> -> memref<10240x32xf32, #tpu.memory_space<vmem_shared>>
        tpu.enqueue_indirect_dma source(%arg9 : memref<128x32xf32, #tpu.memory_space<vmem>>) target(%dma_start3A_132 : memref<10240x32xf32, #tpu.memory_space<vmem_shared>>) offsets(%dma_start3A_129 : memref<128xi32, #tpu.memory_space<vmem>>) semaphore(%run_scoped3A : memref<!tpu.dma_semaphore, #tpu.memory_space<semaphore_mem>>) {add = true}
        %dma_wait3A_133 = arith.constant 0 : i32
        %dma_wait3A_134 = tpu.memref_slice %arg7[%add3A_126, %dma_wait3A_133] : memref<80x128xi32, #tpu.memory_space<vmem>> -> memref<1x128xi32, #tpu.memory_space<vmem>>
        %dma_wait3A_135 = tpu.memref_squeeze %dma_wait3A_134 : memref<1x128xi32, #tpu.memory_space<vmem>> -> memref<128xi32, #tpu.memory_space<vmem>>
        %dma_wait3A_136 = arith.constant 0 : i32
        %dma_wait3A_137 = arith.constant 0 : i32
        %dma_wait3A_138 = tpu.memref_slice %arg11[%dma_wait3A_136, %dma_wait3A_137] : memref<10240x32xf32, #tpu.memory_space<vmem_shared>> -> memref<10240x32xf32, #tpu.memory_space<vmem_shared>>
        tpu.wait_indirect_dma semaphore(%run_scoped3A : memref<!tpu.dma_semaphore, #tpu.memory_space<semaphore_mem>>) src(%arg9 : memref<128x32xf32, #tpu.memory_space<vmem>>) dst(%dma_wait3A_138 : memref<10240x32xf32, #tpu.memory_space<vmem_shared>>)
        tpu.yield
      }) : () -> ()
    }
    %scan3A_60 = arith.constant 40 : i32
    %dma_wait3A_61 = arith.constant 0 : i32
    %dma_wait3A_62 = arith.constant 0 : i32
    %dma_wait3A_63 = tpu.memref_slice %arg6[%dma_wait3A_61, %dma_wait3A_62] : memref<80x128xi32, #tpu.memory_space<vmem>> -> memref<1x128xi32, #tpu.memory_space<vmem>>
    %dma_wait3A_64 = tpu.memref_squeeze %dma_wait3A_63 : memref<1x128xi32, #tpu.memory_space<vmem>> -> memref<128xi32, #tpu.memory_space<vmem>>
    %dma_wait3A_65 = arith.constant 0 : i32
    %dma_wait3A_66 = arith.constant 0 : i32
    %dma_wait3A_67 = tpu.memref_slice %arg10[%dma_wait3A_65, %dma_wait3A_66] : memref<10240x32xf32, #tpu.memory_space<vmem_shared>> -> memref<10240x32xf32, #tpu.memory_space<vmem_shared>>
    tpu.wait_indirect_dma semaphore(%arg12 : memref<!tpu.dma_semaphore, #tpu.memory_space<semaphore_mem>>) src(%dma_wait3A_67 : memref<10240x32xf32, #tpu.memory_space<vmem_shared>>) dst(%arg8 : memref<128x32xf32, #tpu.memory_space<vmem>>)
    %barrier3A_68 = arith.constant 0 : index
    tpu.barrier barrier_id(%barrier3A_68)
    "tpu.region"() ({
      %run_scoped3A = tpu.sem_alloc : memref<!tpu.dma_semaphore, #tpu.memory_space<semaphore_mem>>
      %dma_start3A_91 = arith.constant 64 : i32
      %dma_start3A_92 = tpu.memref_slice %arg5[%arg0, %mul3A_6, %dma_start3A_91] : memref<2x10240x128xf32, #tpu.memory_space<hbm>> -> memref<1x640x32xf32, #tpu.memory_space<hbm>>
      %dma_start3A_93 = tpu.memref_squeeze %dma_start3A_92 : memref<1x640x32xf32, #tpu.memory_space<hbm>> -> memref<640x32xf32, #tpu.memory_space<hbm>>
      %dma_start3A_94 = arith.constant 0 : i32
      %dma_start3A_95 = tpu.memref_slice %arg11[%mul3A_6, %dma_start3A_94] : memref<10240x32xf32, #tpu.memory_space<vmem_shared>> -> memref<640x32xf32, #tpu.memory_space<vmem_shared>>
      tpu.enqueue_dma source(%dma_start3A_95 : memref<640x32xf32, #tpu.memory_space<vmem_shared>>) target(%dma_start3A_93 : memref<640x32xf32, #tpu.memory_space<hbm>>) target_semaphore(%run_scoped3A : memref<!tpu.dma_semaphore, #tpu.memory_space<semaphore_mem>>)
      %dma_wait3A_96 = arith.constant 64 : i32
      %dma_wait3A_97 = tpu.memref_slice %arg5[%arg0, %mul3A_6, %dma_wait3A_96] : memref<2x10240x128xf32, #tpu.memory_space<hbm>> -> memref<1x640x32xf32, #tpu.memory_space<hbm>>
      %dma_wait3A_98 = tpu.memref_squeeze %dma_wait3A_97 : memref<1x640x32xf32, #tpu.memory_space<hbm>> -> memref<640x32xf32, #tpu.memory_space<hbm>>
      %dma_wait3A_99 = arith.constant 0 : i32
      %dma_wait3A_100 = tpu.memref_slice %arg11[%mul3A_6, %dma_wait3A_99] : memref<10240x32xf32, #tpu.memory_space<vmem_shared>> -> memref<640x32xf32, #tpu.memory_space<vmem_shared>>
      tpu.wait_dma2 semaphore(%run_scoped3A : memref<!tpu.dma_semaphore, #tpu.memory_space<semaphore_mem>>) src(%dma_wait3A_100 : memref<640x32xf32, #tpu.memory_space<vmem_shared>>) dst(%dma_wait3A_98 : memref<640x32xf32, #tpu.memory_space<hbm>>)
      tpu.yield
    }) : () -> ()
    "tpu.region"() ({
      %run_scoped3A = tpu.sem_alloc : memref<!tpu.dma_semaphore, #tpu.memory_space<semaphore_mem>>
      %dma_start3A_91 = arith.constant 0 : i32
      %dma_start3A_92 = tpu.memref_slice %arg10[%mul3A_6, %dma_start3A_91] : memref<10240x32xf32, #tpu.memory_space<vmem_shared>> -> memref<640x32xf32, #tpu.memory_space<vmem_shared>>
      %dma_start3A_93 = arith.constant 96 : i32
      %dma_start3A_94 = tpu.memref_slice %arg2[%mul3A_6, %dma_start3A_93] : memref<10240x128xf32, #tpu.memory_space<hbm>> -> memref<640x32xf32, #tpu.memory_space<hbm>>
      tpu.enqueue_dma source(%dma_start3A_94 : memref<640x32xf32, #tpu.memory_space<hbm>>) target(%dma_start3A_92 : memref<640x32xf32, #tpu.memory_space<vmem_shared>>) target_semaphore(%run_scoped3A : memref<!tpu.dma_semaphore, #tpu.memory_space<semaphore_mem>>)
      %dma_wait3A_95 = arith.constant 0 : i32
      %dma_wait3A_96 = tpu.memref_slice %arg10[%mul3A_6, %dma_wait3A_95] : memref<10240x32xf32, #tpu.memory_space<vmem_shared>> -> memref<640x32xf32, #tpu.memory_space<vmem_shared>>
      %dma_wait3A_97 = arith.constant 96 : i32
      %dma_wait3A_98 = tpu.memref_slice %arg2[%mul3A_6, %dma_wait3A_97] : memref<10240x128xf32, #tpu.memory_space<hbm>> -> memref<640x32xf32, #tpu.memory_space<hbm>>
      tpu.wait_dma2 semaphore(%run_scoped3A : memref<!tpu.dma_semaphore, #tpu.memory_space<semaphore_mem>>) src(%dma_wait3A_98 : memref<640x32xf32, #tpu.memory_space<hbm>>) dst(%dma_wait3A_96 : memref<640x32xf32, #tpu.memory_space<vmem_shared>>)
      tpu.yield
    }) : () -> ()
    "tpu.region"() ({
      %run_scoped3A = tpu.sem_alloc : memref<!tpu.dma_semaphore, #tpu.memory_space<semaphore_mem>>
      %dma_start3A_91 = arith.constant 0 : i32
      %dma_start3A_92 = tpu.memref_slice %arg11[%mul3A_6, %dma_start3A_91] : memref<10240x32xf32, #tpu.memory_space<vmem_shared>> -> memref<640x32xf32, #tpu.memory_space<vmem_shared>>
      %dma_start3A_93 = arith.constant 96 : i32
      %dma_start3A_94 = tpu.memref_slice %arg2[%mul3A_6, %dma_start3A_93] : memref<10240x128xf32, #tpu.memory_space<hbm>> -> memref<640x32xf32, #tpu.memory_space<hbm>>
      tpu.enqueue_dma source(%dma_start3A_94 : memref<640x32xf32, #tpu.memory_space<hbm>>) target(%dma_start3A_92 : memref<640x32xf32, #tpu.memory_space<vmem_shared>>) target_semaphore(%run_scoped3A : memref<!tpu.dma_semaphore, #tpu.memory_space<semaphore_mem>>)
      %dma_wait3A_95 = arith.constant 0 : i32
      %dma_wait3A_96 = tpu.memref_slice %arg11[%mul3A_6, %dma_wait3A_95] : memref<10240x32xf32, #tpu.memory_space<vmem_shared>> -> memref<640x32xf32, #tpu.memory_space<vmem_shared>>
      %dma_wait3A_97 = arith.constant 96 : i32
      %dma_wait3A_98 = tpu.memref_slice %arg2[%mul3A_6, %dma_wait3A_97] : memref<10240x128xf32, #tpu.memory_space<hbm>> -> memref<640x32xf32, #tpu.memory_space<hbm>>
      tpu.wait_dma2 semaphore(%run_scoped3A : memref<!tpu.dma_semaphore, #tpu.memory_space<semaphore_mem>>) src(%dma_wait3A_98 : memref<640x32xf32, #tpu.memory_space<hbm>>) dst(%dma_wait3A_96 : memref<640x32xf32, #tpu.memory_space<vmem_shared>>)
      tpu.yield
    }) : () -> ()
    %barrier3A_69 = arith.constant 0 : index
    tpu.barrier barrier_id(%barrier3A_69)
    %dma_start3A_70 = arith.constant 0 : i32
    %dma_start3A_71 = arith.constant 0 : i32
    %dma_start3A_72 = tpu.memref_slice %arg6[%dma_start3A_70, %dma_start3A_71] : memref<80x128xi32, #tpu.memory_space<vmem>> -> memref<1x128xi32, #tpu.memory_space<vmem>>
    %dma_start3A_73 = tpu.memref_squeeze %dma_start3A_72 : memref<1x128xi32, #tpu.memory_space<vmem>> -> memref<128xi32, #tpu.memory_space<vmem>>
    %dma_start3A_74 = arith.constant 0 : i32
    %dma_start3A_75 = arith.constant 0 : i32
    %dma_start3A_76 = tpu.memref_slice %arg10[%dma_start3A_74, %dma_start3A_75] : memref<10240x32xf32, #tpu.memory_space<vmem_shared>> -> memref<10240x32xf32, #tpu.memory_space<vmem_shared>>
    tpu.enqueue_indirect_dma source(%dma_start3A_76 : memref<10240x32xf32, #tpu.memory_space<vmem_shared>>) target(%arg8 : memref<128x32xf32, #tpu.memory_space<vmem>>) offsets(%dma_start3A_73 : memref<128xi32, #tpu.memory_space<vmem>>) semaphore(%arg12 : memref<!tpu.dma_semaphore, #tpu.memory_space<semaphore_mem>>)
    %scan3A_77 = arith.constant 0 : i32
    %scan3A_78 = arith.constant 0 : i32
    %scan3A_79 = arith.constant 40 : i32
    %scan3A_80 = arith.addi %scan3A_78, %scan3A_79 : i32
    %scan3A_81 = arith.constant 1 : i32
    scf.for %scan3A_91 = %scan3A_78 to %scan3A_80 step %scan3A_81  : i32 {
      %mul3A_92 = arith.constant 2 : i32
      %mul3A_93 = arith.muli %mul3A_92, %scan3A_91 : i32
      %dma_wait3A_94 = arith.constant 0 : i32
      %dma_wait3A_95 = tpu.memref_slice %arg6[%mul3A_93, %dma_wait3A_94] : memref<80x128xi32, #tpu.memory_space<vmem>> -> memref<1x128xi32, #tpu.memory_space<vmem>>
      %dma_wait3A_96 = tpu.memref_squeeze %dma_wait3A_95 : memref<1x128xi32, #tpu.memory_space<vmem>> -> memref<128xi32, #tpu.memory_space<vmem>>
      %dma_wait3A_97 = arith.constant 0 : i32
      %dma_wait3A_98 = arith.constant 0 : i32
      %dma_wait3A_99 = tpu.memref_slice %arg10[%dma_wait3A_97, %dma_wait3A_98] : memref<10240x32xf32, #tpu.memory_space<vmem_shared>> -> memref<10240x32xf32, #tpu.memory_space<vmem_shared>>
      tpu.wait_indirect_dma semaphore(%arg12 : memref<!tpu.dma_semaphore, #tpu.memory_space<semaphore_mem>>) src(%dma_wait3A_99 : memref<10240x32xf32, #tpu.memory_space<vmem_shared>>) dst(%arg8 : memref<128x32xf32, #tpu.memory_space<vmem>>)
      %add3A_100 = arith.constant 1 : i32
      %add3A_101 = arith.addi %mul3A_93, %add3A_100 : i32
      %dma_start3A_102 = arith.constant 0 : i32
      %dma_start3A_103 = tpu.memref_slice %arg6[%add3A_101, %dma_start3A_102] : memref<80x128xi32, #tpu.memory_space<vmem>> -> memref<1x128xi32, #tpu.memory_space<vmem>>
      %dma_start3A_104 = tpu.memref_squeeze %dma_start3A_103 : memref<1x128xi32, #tpu.memory_space<vmem>> -> memref<128xi32, #tpu.memory_space<vmem>>
      %dma_start3A_105 = arith.constant 0 : i32
      %dma_start3A_106 = arith.constant 0 : i32
      %dma_start3A_107 = tpu.memref_slice %arg10[%dma_start3A_105, %dma_start3A_106] : memref<10240x32xf32, #tpu.memory_space<vmem_shared>> -> memref<10240x32xf32, #tpu.memory_space<vmem_shared>>
      tpu.enqueue_indirect_dma source(%dma_start3A_107 : memref<10240x32xf32, #tpu.memory_space<vmem_shared>>) target(%arg9 : memref<128x32xf32, #tpu.memory_space<vmem>>) offsets(%dma_start3A_104 : memref<128xi32, #tpu.memory_space<vmem>>) semaphore(%arg13 : memref<!tpu.dma_semaphore, #tpu.memory_space<semaphore_mem>>)
      "tpu.region"() ({
        %run_scoped3A = tpu.sem_alloc : memref<!tpu.dma_semaphore, #tpu.memory_space<semaphore_mem>>
        %dma_start3A_127 = arith.constant 0 : i32
        %dma_start3A_128 = tpu.memref_slice %arg7[%mul3A_93, %dma_start3A_127] : memref<80x128xi32, #tpu.memory_space<vmem>> -> memref<1x128xi32, #tpu.memory_space<vmem>>
        %dma_start3A_129 = tpu.memref_squeeze %dma_start3A_128 : memref<1x128xi32, #tpu.memory_space<vmem>> -> memref<128xi32, #tpu.memory_space<vmem>>
        %dma_start3A_130 = arith.constant 0 : i32
        %dma_start3A_131 = arith.constant 0 : i32
        %dma_start3A_132 = tpu.memref_slice %arg11[%dma_start3A_130, %dma_start3A_131] : memref<10240x32xf32, #tpu.memory_space<vmem_shared>> -> memref<10240x32xf32, #tpu.memory_space<vmem_shared>>
        tpu.enqueue_indirect_dma source(%arg8 : memref<128x32xf32, #tpu.memory_space<vmem>>) target(%dma_start3A_132 : memref<10240x32xf32, #tpu.memory_space<vmem_shared>>) offsets(%dma_start3A_129 : memref<128xi32, #tpu.memory_space<vmem>>) semaphore(%run_scoped3A : memref<!tpu.dma_semaphore, #tpu.memory_space<semaphore_mem>>) {add = true}
        %dma_wait3A_133 = arith.constant 0 : i32
        %dma_wait3A_134 = tpu.memref_slice %arg7[%mul3A_93, %dma_wait3A_133] : memref<80x128xi32, #tpu.memory_space<vmem>> -> memref<1x128xi32, #tpu.memory_space<vmem>>
        %dma_wait3A_135 = tpu.memref_squeeze %dma_wait3A_134 : memref<1x128xi32, #tpu.memory_space<vmem>> -> memref<128xi32, #tpu.memory_space<vmem>>
        %dma_wait3A_136 = arith.constant 0 : i32
        %dma_wait3A_137 = arith.constant 0 : i32
        %dma_wait3A_138 = tpu.memref_slice %arg11[%dma_wait3A_136, %dma_wait3A_137] : memref<10240x32xf32, #tpu.memory_space<vmem_shared>> -> memref<10240x32xf32, #tpu.memory_space<vmem_shared>>
        tpu.wait_indirect_dma semaphore(%run_scoped3A : memref<!tpu.dma_semaphore, #tpu.memory_space<semaphore_mem>>) src(%arg8 : memref<128x32xf32, #tpu.memory_space<vmem>>) dst(%dma_wait3A_138 : memref<10240x32xf32, #tpu.memory_space<vmem_shared>>)
        tpu.yield
      }) : () -> ()
      %add3A_108 = arith.constant 1 : i32
      %add3A_109 = arith.addi %mul3A_93, %add3A_108 : i32
      %dma_wait3A_110 = arith.constant 0 : i32
      %dma_wait3A_111 = tpu.memref_slice %arg6[%add3A_109, %dma_wait3A_110] : memref<80x128xi32, #tpu.memory_space<vmem>> -> memref<1x128xi32, #tpu.memory_space<vmem>>
      %dma_wait3A_112 = tpu.memref_squeeze %dma_wait3A_111 : memref<1x128xi32, #tpu.memory_space<vmem>> -> memref<128xi32, #tpu.memory_space<vmem>>
      %dma_wait3A_113 = arith.constant 0 : i32
      %dma_wait3A_114 = arith.constant 0 : i32
      %dma_wait3A_115 = tpu.memref_slice %arg10[%dma_wait3A_113, %dma_wait3A_114] : memref<10240x32xf32, #tpu.memory_space<vmem_shared>> -> memref<10240x32xf32, #tpu.memory_space<vmem_shared>>
      tpu.wait_indirect_dma semaphore(%arg13 : memref<!tpu.dma_semaphore, #tpu.memory_space<semaphore_mem>>) src(%dma_wait3A_115 : memref<10240x32xf32, #tpu.memory_space<vmem_shared>>) dst(%arg9 : memref<128x32xf32, #tpu.memory_space<vmem>>)
      %add3A_116 = arith.constant 2 : i32
      %add3A_117 = arith.addi %mul3A_93, %add3A_116 : i32
      %rem3A = arith.constant 80 : i32
      %rem3A_118 = arith.remsi %add3A_117, %rem3A : i32
      %dma_start3A_119 = arith.constant 0 : i32
      %dma_start3A_120 = tpu.memref_slice %arg6[%rem3A_118, %dma_start3A_119] : memref<80x128xi32, #tpu.memory_space<vmem>> -> memref<1x128xi32, #tpu.memory_space<vmem>>
      %dma_start3A_121 = tpu.memref_squeeze %dma_start3A_120 : memref<1x128xi32, #tpu.memory_space<vmem>> -> memref<128xi32, #tpu.memory_space<vmem>>
      %dma_start3A_122 = arith.constant 0 : i32
      %dma_start3A_123 = arith.constant 0 : i32
      %dma_start3A_124 = tpu.memref_slice %arg10[%dma_start3A_122, %dma_start3A_123] : memref<10240x32xf32, #tpu.memory_space<vmem_shared>> -> memref<10240x32xf32, #tpu.memory_space<vmem_shared>>
      tpu.enqueue_indirect_dma source(%dma_start3A_124 : memref<10240x32xf32, #tpu.memory_space<vmem_shared>>) target(%arg8 : memref<128x32xf32, #tpu.memory_space<vmem>>) offsets(%dma_start3A_121 : memref<128xi32, #tpu.memory_space<vmem>>) semaphore(%arg12 : memref<!tpu.dma_semaphore, #tpu.memory_space<semaphore_mem>>)
      %add3A_125 = arith.constant 1 : i32
      %add3A_126 = arith.addi %mul3A_93, %add3A_125 : i32
      "tpu.region"() ({
        %run_scoped3A = tpu.sem_alloc : memref<!tpu.dma_semaphore, #tpu.memory_space<semaphore_mem>>
        %dma_start3A_127 = arith.constant 0 : i32
        %dma_start3A_128 = tpu.memref_slice %arg7[%add3A_126, %dma_start3A_127] : memref<80x128xi32, #tpu.memory_space<vmem>> -> memref<1x128xi32, #tpu.memory_space<vmem>>
        %dma_start3A_129 = tpu.memref_squeeze %dma_start3A_128 : memref<1x128xi32, #tpu.memory_space<vmem>> -> memref<128xi32, #tpu.memory_space<vmem>>
        %dma_start3A_130 = arith.constant 0 : i32
        %dma_start3A_131 = arith.constant 0 : i32
        %dma_start3A_132 = tpu.memref_slice %arg11[%dma_start3A_130, %dma_start3A_131] : memref<10240x32xf32, #tpu.memory_space<vmem_shared>> -> memref<10240x32xf32, #tpu.memory_space<vmem_shared>>
        tpu.enqueue_indirect_dma source(%arg9 : memref<128x32xf32, #tpu.memory_space<vmem>>) target(%dma_start3A_132 : memref<10240x32xf32, #tpu.memory_space<vmem_shared>>) offsets(%dma_start3A_129 : memref<128xi32, #tpu.memory_space<vmem>>) semaphore(%run_scoped3A : memref<!tpu.dma_semaphore, #tpu.memory_space<semaphore_mem>>) {add = true}
        %dma_wait3A_133 = arith.constant 0 : i32
        %dma_wait3A_134 = tpu.memref_slice %arg7[%add3A_126, %dma_wait3A_133] : memref<80x128xi32, #tpu.memory_space<vmem>> -> memref<1x128xi32, #tpu.memory_space<vmem>>
        %dma_wait3A_135 = tpu.memref_squeeze %dma_wait3A_134 : memref<1x128xi32, #tpu.memory_space<vmem>> -> memref<128xi32, #tpu.memory_space<vmem>>
        %dma_wait3A_136 = arith.constant 0 : i32
        %dma_wait3A_137 = arith.constant 0 : i32
        %dma_wait3A_138 = tpu.memref_slice %arg11[%dma_wait3A_136, %dma_wait3A_137] : memref<10240x32xf32, #tpu.memory_space<vmem_shared>> -> memref<10240x32xf32, #tpu.memory_space<vmem_shared>>
        tpu.wait_indirect_dma semaphore(%run_scoped3A : memref<!tpu.dma_semaphore, #tpu.memory_space<semaphore_mem>>) src(%arg9 : memref<128x32xf32, #tpu.memory_space<vmem>>) dst(%dma_wait3A_138 : memref<10240x32xf32, #tpu.memory_space<vmem_shared>>)
        tpu.yield
      }) : () -> ()
    }
    %scan3A_82 = arith.constant 40 : i32
    %dma_wait3A_83 = arith.constant 0 : i32
    %dma_wait3A_84 = arith.constant 0 : i32
    %dma_wait3A_85 = tpu.memref_slice %arg6[%dma_wait3A_83, %dma_wait3A_84] : memref<80x128xi32, #tpu.memory_space<vmem>> -> memref<1x128xi32, #tpu.memory_space<vmem>>
    %dma_wait3A_86 = tpu.memref_squeeze %dma_wait3A_85 : memref<1x128xi32, #tpu.memory_space<vmem>> -> memref<128xi32, #tpu.memory_space<vmem>>
    %dma_wait3A_87 = arith.constant 0 : i32
    %dma_wait3A_88 = arith.constant 0 : i32
    %dma_wait3A_89 = tpu.memref_slice %arg10[%dma_wait3A_87, %dma_wait3A_88] : memref<10240x32xf32, #tpu.memory_space<vmem_shared>> -> memref<10240x32xf32, #tpu.memory_space<vmem_shared>>
    tpu.wait_indirect_dma semaphore(%arg12 : memref<!tpu.dma_semaphore, #tpu.memory_space<semaphore_mem>>) src(%dma_wait3A_89 : memref<10240x32xf32, #tpu.memory_space<vmem_shared>>) dst(%arg8 : memref<128x32xf32, #tpu.memory_space<vmem>>)
    %barrier3A_90 = arith.constant 0 : index
    tpu.barrier barrier_id(%barrier3A_90)
    "tpu.region"() ({
      %run_scoped3A = tpu.sem_alloc : memref<!tpu.dma_semaphore, #tpu.memory_space<semaphore_mem>>
      %dma_start3A_91 = arith.constant 96 : i32
      %dma_start3A_92 = tpu.memref_slice %arg5[%arg0, %mul3A_6, %dma_start3A_91] : memref<2x10240x128xf32, #tpu.memory_space<hbm>> -> memref<1x640x32xf32, #tpu.memory_space<hbm>>
      %dma_start3A_93 = tpu.memref_squeeze %dma_start3A_92 : memref<1x640x32xf32, #tpu.memory_space<hbm>> -> memref<640x32xf32, #tpu.memory_space<hbm>>
      %dma_start3A_94 = arith.constant 0 : i32
      %dma_start3A_95 = tpu.memref_slice %arg11[%mul3A_6, %dma_start3A_94] : memref<10240x32xf32, #tpu.memory_space<vmem_shared>> -> memref<640x32xf32, #tpu.memory_space<vmem_shared>>
      tpu.enqueue_dma source(%dma_start3A_95 : memref<640x32xf32, #tpu.memory_space<vmem_shared>>) target(%dma_start3A_93 : memref<640x32xf32, #tpu.memory_space<hbm>>) target_semaphore(%run_scoped3A : memref<!tpu.dma_semaphore, #tpu.memory_space<semaphore_mem>>)
      %dma_wait3A_96 = arith.constant 96 : i32
      %dma_wait3A_97 = tpu.memref_slice %arg5[%arg0, %mul3A_6, %dma_wait3A_96] : memref<2x10240x128xf32, #tpu.memory_space<hbm>> -> memref<1x640x32xf32, #tpu.memory_space<hbm>>
      %dma_wait3A_98 = tpu.memref_squeeze %dma_wait3A_97 : memref<1x640x32xf32, #tpu.memory_space<hbm>> -> memref<640x32xf32, #tpu.memory_space<hbm>>
      %dma_wait3A_99 = arith.constant 0 : i32
      %dma_wait3A_100 = tpu.memref_slice %arg11[%mul3A_6, %dma_wait3A_99] : memref<10240x32xf32, #tpu.memory_space<vmem_shared>> -> memref<640x32xf32, #tpu.memory_space<vmem_shared>>
      tpu.wait_dma2 semaphore(%run_scoped3A : memref<!tpu.dma_semaphore, #tpu.memory_space<semaphore_mem>>) src(%dma_wait3A_100 : memref<640x32xf32, #tpu.memory_space<vmem_shared>>) dst(%dma_wait3A_98 : memref<640x32xf32, #tpu.memory_space<hbm>>)
      tpu.yield
    }) : () -> ()
    return
  }
}

module attributes {stable_mosaic.version = 14 : i64} {
  func.func @_tc_g1_body(%arg0: i32, %arg1: memref<2x1280x16xf32, #tpu.memory_space<vmem>>, %arg2: memref<1280x128xf32, #tpu.memory_space<vmem>>, %arg3: memref<128x128xf32, #tpu.memory_space<vmem>>, %arg4: memref<1280x128xf32, #tpu.memory_space<vmem>>, %arg5: memref<1280x1xf32, #tpu.memory_space<vmem>>) attributes {dimension_semantics = [#tpu.dimension_semantics<arbitrary>], iteration_bounds = array<i64: 8>, scalar_prefetch = 0 : i64, scratch_operands = 0 : i64, tpu.core_type = #tpu.core_type<tc>, window_params = [{transform_indices = @transform_0, window_bounds = array<i64: 2, 1280, 16>}, {transform_indices = @transform_1, window_bounds = array<i64: 1280, 128>}, {pipeline_mode = #tpu.pipeline_mode<synchronous>, transform_indices = @transform_2, window_bounds = array<i64: 128, 128>}, {transform_indices = @transform_3, window_bounds = array<i64: 1280, 128>}, {transform_indices = @transform_4, window_bounds = array<i64: 1280, 1>}]} {
    %get3A = arith.constant 0 : index
    %get3A_0 = arith.constant 0 : index
    %get3A_1 = arith.constant 0 : index
    %get3A_2 = vector.load %arg1[%get3A, %get3A_0, %get3A_1] : memref<2x1280x16xf32, #tpu.memory_space<vmem>>, vector<1x1280x1xf32>
    %get3A_3 = vector.shape_cast %get3A_2 : vector<1x1280x1xf32> to vector<1280x1xf32>
    %get3A_4 = arith.constant 1 : index
    %get3A_5 = arith.constant 0 : index
    %get3A_6 = arith.constant 0 : index
    %get3A_7 = vector.load %arg1[%get3A_4, %get3A_5, %get3A_6] : memref<2x1280x16xf32, #tpu.memory_space<vmem>>, vector<1x1280x1xf32>
    %get3A_8 = vector.shape_cast %get3A_7 : vector<1x1280x1xf32> to vector<1280x1xf32>
    %add3A = arith.addf %get3A_3, %get3A_8 : vector<1280x1xf32>
    %add3A_9 = arith.constant 1.000000e+00 : f32
    %add3A_10 = vector.broadcast %add3A_9 : f32 to vector<1280x1xf32>
    %add3A_11 = arith.addf %add3A, %add3A_10 : vector<1280x1xf32>
    %rsqrt3A = math.rsqrt %add3A_11 : vector<1280x1xf32>
    %get3A_12 = arith.constant 0 : index
    %get3A_13 = arith.constant 0 : index
    %get3A_14 = vector.load %arg2[%get3A_12, %get3A_13] : memref<1280x128xf32, #tpu.memory_space<vmem>>, vector<1280x128xf32>
    %get3A_15 = arith.constant 0 : index
    %get3A_16 = arith.constant 0 : index
    %get3A_17 = vector.load %arg3[%get3A_15, %get3A_16] : memref<128x128xf32, #tpu.memory_space<vmem>>, vector<128x128xf32>
    %dot_general3A = arith.constant dense<0.000000e+00> : vector<1280x128xf32>
    %dot_general3A_18 = tpu.matmul %get3A_14, %get3A_17, %dot_general3A {dimension_numbers = #tpu.dot_dimension_numbers<[1], [0], [0], [1], [0, 0, 1, 1], [], []>, transpose_lhs_hint = false} : vector<1280x128xf32>, vector<128x128xf32>, vector<1280x128xf32> -> vector<1280x128xf32>
    %mul3A = vector.broadcast %rsqrt3A : vector<1280x1xf32> to vector<1280x128xf32>
    %mul3A_19 = arith.mulf %dot_general3A_18, %mul3A : vector<1280x128xf32>
    %swap3A = arith.constant 0 : index
    %swap3A_20 = arith.constant 0 : index
    %swap3A_21 = vector.load %arg4[%swap3A, %swap3A_20] : memref<1280x128xf32, #tpu.memory_space<vmem>>, vector<1280x128xf32>
    tpu.vector_store %arg4[%swap3A, %swap3A_20], %mul3A_19 {strides = array<i32>} : memref<1280x128xf32, #tpu.memory_space<vmem>>, vector<1280x128xf32>,
    %swap3A_22 = arith.constant 0 : index
    %swap3A_23 = arith.constant 0 : index
    %swap3A_24 = vector.load %arg5[%swap3A_22, %swap3A_23] : memref<1280x1xf32, #tpu.memory_space<vmem>>, vector<1280x1xf32>
    tpu.vector_store %arg5[%swap3A_22, %swap3A_23], %rsqrt3A {strides = array<i32>} : memref<1280x1xf32, #tpu.memory_space<vmem>>, vector<1280x1xf32>,
    return
  }
  func.func @transform_0(%arg0: i32) -> (i32, i32, i32) {
    %c0_i32 = arith.constant 0 : i32
    %c0_i32_0 = arith.constant 0 : i32
    %c0_i32_1 = arith.constant 0 : i32
    return %c0_i32, %arg0, %c0_i32_0 : i32, i32, i32
  }
  func.func @transform_1(%arg0: i32) -> (i32, i32) {
    %c0_i32 = arith.constant 0 : i32
    %c0_i32_0 = arith.constant 0 : i32
    return %arg0, %c0_i32 : i32, i32
  }
  func.func @transform_2(%arg0: i32) -> (i32, i32) {
    %c0_i32 = arith.constant 0 : i32
    %c0_i32_0 = arith.constant 0 : i32
    %c0_i32_1 = arith.constant 0 : i32
    return %c0_i32, %c0_i32_0 : i32, i32
  }
  func.func @transform_3(%arg0: i32) -> (i32, i32) {
    %c0_i32 = arith.constant 0 : i32
    %c0_i32_0 = arith.constant 0 : i32
    return %arg0, %c0_i32 : i32, i32
  }
  func.func @transform_4(%arg0: i32) -> (i32, i32) {
    %c0_i32 = arith.constant 0 : i32
    %c0_i32_0 = arith.constant 0 : i32
    return %arg0, %c0_i32 : i32, i32
  }
}

module attributes {stable_mosaic.version = 14 : i64} {
  func.func @_tc_mid_body(%arg0: i32, %arg1: memref<2x1280x128xf32, #tpu.memory_space<vmem>>, %arg2: memref<1280x128xf32, #tpu.memory_space<vmem>>, %arg3: memref<1280x1xf32, #tpu.memory_space<vmem>>, %arg4: memref<1x128xf32, #tpu.memory_space<vmem>>, %arg5: memref<128x128xf32, #tpu.memory_space<vmem>>, %arg6: memref<1280x128xf32, #tpu.memory_space<vmem>>) attributes {dimension_semantics = [#tpu.dimension_semantics<arbitrary>], iteration_bounds = array<i64: 8>, scalar_prefetch = 0 : i64, scratch_operands = 0 : i64, tpu.core_type = #tpu.core_type<tc>, window_params = [{transform_indices = @transform_0, window_bounds = array<i64: 2, 1280, 128>}, {transform_indices = @transform_1, window_bounds = array<i64: 1280, 128>}, {transform_indices = @transform_2, window_bounds = array<i64: 1280, 1>}, {pipeline_mode = #tpu.pipeline_mode<synchronous>, transform_indices = @transform_3, window_bounds = array<i64: 1, 128>}, {pipeline_mode = #tpu.pipeline_mode<synchronous>, transform_indices = @transform_4, window_bounds = array<i64: 128, 128>}, {transform_indices = @transform_5, window_bounds = array<i64: 1280, 128>}]} {
    %get3A = arith.constant 0 : index
    %get3A_0 = arith.constant 0 : index
    %get3A_1 = vector.load %arg3[%get3A, %get3A_0] : memref<1280x1xf32, #tpu.memory_space<vmem>>, vector<1280x1xf32>
    %get3A_2 = arith.constant 0 : index
    %get3A_3 = arith.constant 0 : index
    %get3A_4 = arith.constant 0 : index
    %get3A_5 = vector.load %arg1[%get3A_2, %get3A_3, %get3A_4] : memref<2x1280x128xf32, #tpu.memory_space<vmem>>, vector<1x1280x128xf32>
    %get3A_6 = vector.shape_cast %get3A_5 : vector<1x1280x128xf32> to vector<1280x128xf32>
    %get3A_7 = arith.constant 1 : index
    %get3A_8 = arith.constant 0 : index
    %get3A_9 = arith.constant 0 : index
    %get3A_10 = vector.load %arg1[%get3A_7, %get3A_8, %get3A_9] : memref<2x1280x128xf32, #tpu.memory_space<vmem>>, vector<1x1280x128xf32>
    %get3A_11 = vector.shape_cast %get3A_10 : vector<1x1280x128xf32> to vector<1280x128xf32>
    %add3A = arith.addf %get3A_6, %get3A_11 : vector<1280x128xf32>
    %get3A_12 = arith.constant 0 : index
    %get3A_13 = arith.constant 0 : index
    %get3A_14 = vector.load %arg2[%get3A_12, %get3A_13] : memref<1280x128xf32, #tpu.memory_space<vmem>>, vector<1280x128xf32>
    %sub3A = arith.subf %add3A, %get3A_14 : vector<1280x128xf32>
    %mul3A = vector.broadcast %get3A_1 : vector<1280x1xf32> to vector<1280x128xf32>
    %mul3A_15 = arith.mulf %mul3A, %sub3A : vector<1280x128xf32>
    %get3A_16 = arith.constant 0 : index
    %get3A_17 = arith.constant 0 : index
    %get3A_18 = vector.load %arg4[%get3A_16, %get3A_17] : memref<1x128xf32, #tpu.memory_space<vmem>>, vector<1x128xf32>
    %add3A_19 = vector.broadcast %get3A_18 : vector<1x128xf32> to vector<1280x128xf32>
    %add3A_20 = arith.addf %mul3A_15, %add3A_19 : vector<1280x128xf32>
    %max3A = arith.constant 0.000000e+00 : f32
    %max3A_21 = vector.broadcast %max3A : f32 to vector<1280x128xf32>
    %max3A_22 = arith.maximumf %add3A_20, %max3A_21 : vector<1280x128xf32>
    %get3A_23 = arith.constant 0 : index
    %get3A_24 = arith.constant 0 : index
    %get3A_25 = vector.load %arg5[%get3A_23, %get3A_24] : memref<128x128xf32, #tpu.memory_space<vmem>>, vector<128x128xf32>
    %dot_general3A = arith.constant dense<0.000000e+00> : vector<1280x128xf32>
    %dot_general3A_26 = tpu.matmul %max3A_22, %get3A_25, %dot_general3A {dimension_numbers = #tpu.dot_dimension_numbers<[1], [0], [0], [1], [0, 0, 1, 1], [], []>, transpose_lhs_hint = false} : vector<1280x128xf32>, vector<128x128xf32>, vector<1280x128xf32> -> vector<1280x128xf32>
    %mul3A_27 = vector.broadcast %get3A_1 : vector<1280x1xf32> to vector<1280x128xf32>
    %mul3A_28 = arith.mulf %dot_general3A_26, %mul3A_27 : vector<1280x128xf32>
    %swap3A = arith.constant 0 : index
    %swap3A_29 = arith.constant 0 : index
    %swap3A_30 = vector.load %arg6[%swap3A, %swap3A_29] : memref<1280x128xf32, #tpu.memory_space<vmem>>, vector<1280x128xf32>
    tpu.vector_store %arg6[%swap3A, %swap3A_29], %mul3A_28 {strides = array<i32>} : memref<1280x128xf32, #tpu.memory_space<vmem>>, vector<1280x128xf32>,
    return
  }
  func.func @transform_0(%arg0: i32) -> (i32, i32, i32) {
    %c0_i32 = arith.constant 0 : i32
    %c0_i32_0 = arith.constant 0 : i32
    %c0_i32_1 = arith.constant 0 : i32
    return %c0_i32, %arg0, %c0_i32_0 : i32, i32, i32
  }
  func.func @transform_1(%arg0: i32) -> (i32, i32) {
    %c0_i32 = arith.constant 0 : i32
    %c0_i32_0 = arith.constant 0 : i32
    return %arg0, %c0_i32 : i32, i32
  }
  func.func @transform_2(%arg0: i32) -> (i32, i32) {
    %c0_i32 = arith.constant 0 : i32
    %c0_i32_0 = arith.constant 0 : i32
    return %arg0, %c0_i32 : i32, i32
  }
  func.func @transform_3(%arg0: i32) -> (i32, i32) {
    %c0_i32 = arith.constant 0 : i32
    %c0_i32_0 = arith.constant 0 : i32
    %c0_i32_1 = arith.constant 0 : i32
    return %c0_i32, %c0_i32_0 : i32, i32
  }
  func.func @transform_4(%arg0: i32) -> (i32, i32) {
    %c0_i32 = arith.constant 0 : i32
    %c0_i32_0 = arith.constant 0 : i32
    %c0_i32_1 = arith.constant 0 : i32
    return %c0_i32, %c0_i32_0 : i32, i32
  }
  func.func @transform_5(%arg0: i32) -> (i32, i32) {
    %c0_i32 = arith.constant 0 : i32
    %c0_i32_0 = arith.constant 0 : i32
    return %arg0, %c0_i32 : i32, i32
  }
}

module attributes {stable_mosaic.version = 14 : i64} {
  func.func @_tc_out_body(%arg0: i32, %arg1: memref<2x1280x128xf32, #tpu.memory_space<vmem>>, %arg2: memref<1280x128xf32, #tpu.memory_space<vmem>>, %arg3: memref<1280x1xf32, #tpu.memory_space<vmem>>, %arg4: memref<1x128xf32, #tpu.memory_space<vmem>>, %arg5: memref<128x128xf32, #tpu.memory_space<vmem>>, %arg6: memref<1x128xf32, #tpu.memory_space<vmem>>, %arg7: memref<1280x128xf32, #tpu.memory_space<vmem>>) attributes {dimension_semantics = [#tpu.dimension_semantics<arbitrary>], iteration_bounds = array<i64: 8>, scalar_prefetch = 0 : i64, scratch_operands = 0 : i64, tpu.core_type = #tpu.core_type<tc>, window_params = [{transform_indices = @transform_0, window_bounds = array<i64: 2, 1280, 128>}, {transform_indices = @transform_1, window_bounds = array<i64: 1280, 128>}, {transform_indices = @transform_2, window_bounds = array<i64: 1280, 1>}, {pipeline_mode = #tpu.pipeline_mode<synchronous>, transform_indices = @transform_3, window_bounds = array<i64: 1, 128>}, {pipeline_mode = #tpu.pipeline_mode<synchronous>, transform_indices = @transform_4, window_bounds = array<i64: 128, 128>}, {pipeline_mode = #tpu.pipeline_mode<synchronous>, transform_indices = @transform_5, window_bounds = array<i64: 1, 128>}, {transform_indices = @transform_6, window_bounds = array<i64: 1280, 128>}]} {
    %get3A = arith.constant 0 : index
    %get3A_0 = arith.constant 0 : index
    %get3A_1 = vector.load %arg3[%get3A, %get3A_0] : memref<1280x1xf32, #tpu.memory_space<vmem>>, vector<1280x1xf32>
    %get3A_2 = arith.constant 0 : index
    %get3A_3 = arith.constant 0 : index
    %get3A_4 = arith.constant 0 : index
    %get3A_5 = vector.load %arg1[%get3A_2, %get3A_3, %get3A_4] : memref<2x1280x128xf32, #tpu.memory_space<vmem>>, vector<1x1280x128xf32>
    %get3A_6 = vector.shape_cast %get3A_5 : vector<1x1280x128xf32> to vector<1280x128xf32>
    %get3A_7 = arith.constant 1 : index
    %get3A_8 = arith.constant 0 : index
    %get3A_9 = arith.constant 0 : index
    %get3A_10 = vector.load %arg1[%get3A_7, %get3A_8, %get3A_9] : memref<2x1280x128xf32, #tpu.memory_space<vmem>>, vector<1x1280x128xf32>
    %get3A_11 = vector.shape_cast %get3A_10 : vector<1x1280x128xf32> to vector<1280x128xf32>
    %add3A = arith.addf %get3A_6, %get3A_11 : vector<1280x128xf32>
    %get3A_12 = arith.constant 0 : index
    %get3A_13 = arith.constant 0 : index
    %get3A_14 = vector.load %arg2[%get3A_12, %get3A_13] : memref<1280x128xf32, #tpu.memory_space<vmem>>, vector<1280x128xf32>
    %sub3A = arith.subf %add3A, %get3A_14 : vector<1280x128xf32>
    %mul3A = vector.broadcast %get3A_1 : vector<1280x1xf32> to vector<1280x128xf32>
    %mul3A_15 = arith.mulf %mul3A, %sub3A : vector<1280x128xf32>
    %get3A_16 = arith.constant 0 : index
    %get3A_17 = arith.constant 0 : index
    %get3A_18 = vector.load %arg4[%get3A_16, %get3A_17] : memref<1x128xf32, #tpu.memory_space<vmem>>, vector<1x128xf32>
    %add3A_19 = vector.broadcast %get3A_18 : vector<1x128xf32> to vector<1280x128xf32>
    %add3A_20 = arith.addf %mul3A_15, %add3A_19 : vector<1280x128xf32>
    %max3A = arith.constant 0.000000e+00 : f32
    %max3A_21 = vector.broadcast %max3A : f32 to vector<1280x128xf32>
    %max3A_22 = arith.maximumf %add3A_20, %max3A_21 : vector<1280x128xf32>
    %get3A_23 = arith.constant 0 : index
    %get3A_24 = arith.constant 0 : index
    %get3A_25 = vector.load %arg5[%get3A_23, %get3A_24] : memref<128x128xf32, #tpu.memory_space<vmem>>, vector<128x128xf32>
    %dot_general3A = arith.constant dense<0.000000e+00> : vector<1280x128xf32>
    %dot_general3A_26 = tpu.matmul %max3A_22, %get3A_25, %dot_general3A {dimension_numbers = #tpu.dot_dimension_numbers<[1], [0], [0], [1], [0, 0, 1, 1], [], []>, transpose_lhs_hint = false} : vector<1280x128xf32>, vector<128x128xf32>, vector<1280x128xf32> -> vector<1280x128xf32>
    %get3A_27 = arith.constant 0 : index
    %get3A_28 = arith.constant 0 : index
    %get3A_29 = vector.load %arg6[%get3A_27, %get3A_28] : memref<1x128xf32, #tpu.memory_space<vmem>>, vector<1x128xf32>
    %add3A_30 = vector.broadcast %get3A_29 : vector<1x128xf32> to vector<1280x128xf32>
    %add3A_31 = arith.addf %dot_general3A_26, %add3A_30 : vector<1280x128xf32>
    %reduce_max3A = arith.constant dense<0xFF800000> : vector<1280xf32>
    %reduce_max3A_32 = vector.multi_reduction <maximumf>, %add3A_31, %reduce_max3A [1] : vector<1280x128xf32> to vector<1280xf32>
    %broadcast_in_dim3A = vector.shape_cast %reduce_max3A_32 : vector<1280xf32> to vector<1280x1xf32>
    %sub3A_33 = vector.broadcast %broadcast_in_dim3A : vector<1280x1xf32> to vector<1280x128xf32>
    %sub3A_34 = arith.subf %add3A_31, %sub3A_33 : vector<1280x128xf32>
    %exp3A = math.exp %sub3A_34 : vector<1280x128xf32>
    %reduce_sum3A = arith.constant dense<0.000000e+00> : vector<1280xf32>
    %reduce_sum3A_35 = vector.multi_reduction <add>, %exp3A, %reduce_sum3A [1] : vector<1280x128xf32> to vector<1280xf32>
    %broadcast_in_dim3A_36 = vector.shape_cast %reduce_sum3A_35 : vector<1280xf32> to vector<1280x1xf32>
    %div3A = vector.broadcast %broadcast_in_dim3A_36 : vector<1280x1xf32> to vector<1280x128xf32>
    %div3A_37 = arith.divf %exp3A, %div3A : vector<1280x128xf32>
    %swap3A = arith.constant 0 : index
    %swap3A_38 = arith.constant 0 : index
    %swap3A_39 = vector.load %arg7[%swap3A, %swap3A_38] : memref<1280x128xf32, #tpu.memory_space<vmem>>, vector<1280x128xf32>
    tpu.vector_store %arg7[%swap3A, %swap3A_38], %div3A_37 {strides = array<i32>} : memref<1280x128xf32, #tpu.memory_space<vmem>>, vector<1280x128xf32>,
    return
  }
  func.func @transform_0(%arg0: i32) -> (i32, i32, i32) {
    %c0_i32 = arith.constant 0 : i32
    %c0_i32_0 = arith.constant 0 : i32
    %c0_i32_1 = arith.constant 0 : i32
    return %c0_i32, %arg0, %c0_i32_0 : i32, i32, i32
  }
  func.func @transform_1(%arg0: i32) -> (i32, i32) {
    %c0_i32 = arith.constant 0 : i32
    %c0_i32_0 = arith.constant 0 : i32
    return %arg0, %c0_i32 : i32, i32
  }
  func.func @transform_2(%arg0: i32) -> (i32, i32) {
    %c0_i32 = arith.constant 0 : i32
    %c0_i32_0 = arith.constant 0 : i32
    return %arg0, %c0_i32 : i32, i32
  }
  func.func @transform_3(%arg0: i32) -> (i32, i32) {
    %c0_i32 = arith.constant 0 : i32
    %c0_i32_0 = arith.constant 0 : i32
    %c0_i32_1 = arith.constant 0 : i32
    return %c0_i32, %c0_i32_0 : i32, i32
  }
  func.func @transform_4(%arg0: i32) -> (i32, i32) {
    %c0_i32 = arith.constant 0 : i32
    %c0_i32_0 = arith.constant 0 : i32
    %c0_i32_1 = arith.constant 0 : i32
    return %c0_i32, %c0_i32_0 : i32, i32
  }
  func.func @transform_5(%arg0: i32) -> (i32, i32) {
    %c0_i32 = arith.constant 0 : i32
    %c0_i32_0 = arith.constant 0 : i32
    %c0_i32_1 = arith.constant 0 : i32
    return %c0_i32, %c0_i32_0 : i32, i32
  }
  func.func @transform_6(%arg0: i32) -> (i32, i32) {
    %c0_i32 = arith.constant 0 : i32
    %c0_i32_0 = arith.constant 0 : i32
    return %arg0, %c0_i32 : i32, i32
  }
}

</mosaic_0001>

<sc_bundles>
// kernel: sc_degree.3.cloned.1.call-start
scs
__scs_entry_jumppad:
0x0: {  	(pc) =	sbr.rel $0x88, $3  }
0x1: {  	(tag) =	ssettag $0x0;
	lr =	simm.s32 $0x1  }
0x2: {  	[smem:$0x3F99] =	sst lr;
	_ =	strace $0xD0000000  }
0x3: {  	_ = 	snop  }
0x4: {  	_ = 	snop  }
0x5: {  	_ = 	snop  }
0x6: {  	_ = 	snop  }
0x7: {  	_ = 	snop  }
__scs_overlays_trampoline_lowered:
0x8: {  	[smem:$0x3FA8] =	sst s0  }
0x9: {  	[smem:$0x3FA9] =	sst s1  }
0xa: {  	[smem:$0x3FAA] =	sst s2  }
0xb: {  	[smem:$0x3FAB] =	sst s3  }
0xc: {  	[smem:$0x3FAC] =	sst s4  }
0xd: {  	[smem:$0x3FAD] =	sst s5  }
0xe: {  	[smem:$0x3FAE] =	sst s6  }
0xf: {  	[smem:$0x3FAF] =	sst s7  }
0x10: {  	[smem:$0x3FB0] =	sst s8  }
0x11: {  	[smem:$0x3FB1] =	sst s9;
	s0 =	simm.s32 @!p0 $0x0  }
0x12: {  	s1 =	sld [smem:$0x3F97];
	s0 =	simm.s32 @p0 $0x1  }
0x13: {  	[smem:$0x3FB2] =	sst s0;
	s0 =	simm.s32 @!p1 $0x0  }
0x14: {  	s2 =	sld [smem:$0x3F96];
	s0 =	simm.s32 @p1 $0x1  }
0x15: {  	[smem:$0x3FB3] =	sst s0;
	s0 =	simm.s32 @!p2 $0x0  }
0x16: {  	s3 =	sld [smem:$0x3FDB];
	s0 =	simm.s32 @p2 $0x1  }
0x17: {  	s4 =	simm.s32 $0x1BF5;
	[smem:$0x3FB5] =	sst s0  }
0x18: {  	s0 =	sld [smem:$0x3F98];
	_ =	swait.ge [sflag:s4], $0x0  }
0x19: {  	s7 =	sld [smem:$0x3F99]  }
0x1a: {  	s8 =	sadd.s32 $0xFFFFE003, lr  }
0x1b: {  	s9 =	sadd.s32 $0xFFFFFEF7, lr;
	s5 =	simm.s32 $0xFFFFFFFF;
	p2 =	slt.u32 s8, $0xFFFFF086  }
0x1c: {  	p1 =	slt.u32 s9, $0xF7A;
	s5 =	simm.s32 @!p2 $0x0  }
0x1d: {  	s5 =	simm.s32 @p1 $0x1;
	p0 =	seq.s32 s7, s2  }
0x1e: {  	s7 =	smul.u32 @!p0 $0xF7A, s2;
	p2 =	seq.s32 @!p0 s5, $0x0  }
0x1f: {  	s9 =	smul.u32 $0xF7A, s1;
	s8 =	simm.s32 @!p0 $0x1BF5;
	p2 =	por !p2, p0  }
0x20: {  	[sflag:s8] =	ssyncset.s32 @!p0 $0xFFFFF086;
	s6 =	sadd.s32 @!p0 s3, s7;
	s7 =	simm.s32 @!p0 $0x108  }
0x21: {  	s3 =	sadd.s32 s3, s9;
	s6 =	sadd.s32 @!p0 $0x88, s6;
	s7 =	simm.s32 @p2 $0x1082  }
0x22: {  	[simem:s7], [sflag:s8] =	dma.local @!p0 [hbm:s6], $0xF7A  }
0x23: {  	s9 =	sor.u32 $0xD0000000, s2;
	s6 =	simm.s32 $0x108;
	_ =	swait.ge @!p0 [sflag:s8], $0x0  }
0x24: {  	s3 =	sadd.s32 $0x88, s3;
	s6 =	simm.s32 @!p1 $0x1082;
	[sflag:s4] =	ssyncset.s32 $0xFFFFF086  }
0x25: {  	[simem:s6], [sflag:s4] =	dma.local [hbm:s3], $0xF7A  }
0x26: {  	[smem:$0x3F99] =	sst s1;
	(tag) =	ssettag s2;
	_ =	strace s9  }
0x27: {  	s1 =	sld [smem:$0x3FA9]  }
0x28: {  	s2 =	sld [smem:$0x3FAA]  }
0x29: {  	s4 =	sld [smem:$0x3FAC]  }
0x2a: {  	p0 =	seq.s32 s5, $0x0;
	s5 =	sld [smem:$0x3FAD]  }
0x2b: {  	s6 =	sld [smem:$0x3FAE]  }
0x2c: {  	s7 =	sld [smem:$0x3FAF]  }
0x2d: {  	s3 =	simm.s32 $0x108;
	s8 =	sld [smem:$0x3FB0]  }
0x2e: {  	s3 =	simm.s32 @!p0 $0x1082;
	s9 =	sld [smem:$0x3FB1]  }
0x2f: {  	lr =	sadd.s32 s0, s3;
	s0 =	sld [smem:$0x3FA8]  }
0x30: {  	s3 =	sld [smem:$0x3FAB]  }
0x31: {  	[smem:$0x3FB4] =	sst s10  }
0x32: {  	s10 =	sld [smem:$0x3FB2];
	_ =	sdelay $0x3  }
0x33: {  	p0 =	seq.s32 s10, $0x1;
	s10 =	sld [smem:$0x3FB4];
	_ =	sdelay $0x3  }
0x34: {  	[smem:$0x3FB4] =	sst s10  }
0x35: {  	s10 =	sld [smem:$0x3FB3];
	_ =	sdelay $0x3  }
0x36: {  	p1 =	seq.s32 s10, $0x1;
	s10 =	sld [smem:$0x3FB4];
	_ =	sdelay $0x3  }
0x37: {  	[smem:$0x3FB4] =	sst s10  }
0x38: {  	s10 =	sld [smem:$0x3FB5]  }
0x39: {  	_ = 	snop;
	(pc) =	sbr.ind lr, $3  }
0x3a: {  	_ = 	snop  }
0x3b: {  	_ = 	snop  }
0x3c: {  	p2 =	seq.s32 s10, $0x1;
	s10 =	sld [smem:$0x3FB4]  }
0x3d: {  	_ =	shalt  }
0x3e: {  	_ =	shalt  }
0x3f: {  	_ =	shalt  }
0x40: {  	_ =	shalt  }
0x41: {  	_ =	shalt  }
0x42: {  	_ =	shalt  }
0x43: {  	_ =	shalt  }
0x44: {  	_ =	shalt  }
0x45: {  	_ =	shalt  }
0x46: {  	_ =	shalt  }
0x47: {  	_ =	shalt  }
0x48: {  	_ =	shalt  }
0x49: {  	_ =	shalt  }
0x4a: {  	_ =	shalt  }
0x4b: {  	_ =	shalt  }
0x4c: {  	_ =	shalt  }
0x4d: {  	_ =	shalt  }
0x4e: {  	_ =	shalt  }
0x4f: {  	_ =	shalt  }
0x50: {  	_ =	shalt  }
0x51: {  	_ =	shalt  }
0x52: {  	_ =	shalt  }
0x53: {  	_ =	shalt  }
0x54: {  	_ =	shalt  }
0x55: {  	_ =	shalt  }
0x56: {  	_ =	shalt  }
0x57: {  	_ =	shalt  }
0x58: {  	_ =	shalt  }
0x59: {  	_ =	shalt  }
0x5a: {  	_ =	shalt  }
0x5b: {  	_ =	shalt  }
0x5c: {  	_ =	shalt  }
0x5d: {  	_ =	shalt  }
0x5e: {  	_ =	shalt  }
0x5f: {  	_ =	shalt  }
0x60: {  	_ =	shalt  }
0x61: {  	_ =	shalt  }
0x62: {  	_ =	shalt  }
0x63: {  	_ =	shalt  }
0x64: {  	_ =	shalt  }
0x65: {  	_ =	shalt  }
0x66: {  	_ =	shalt  }
0x67: {  	_ =	shalt  }
0x68: {  	_ =	shalt  }
0x69: {  	_ =	shalt  }
0x6a: {  	_ =	shalt  }
0x6b: {  	_ =	shalt  }
0x6c: {  	_ =	shalt  }
0x6d: {  	_ =	shalt  }
0x6e: {  	_ =	shalt  }
0x6f: {  	_ =	shalt  }
0x70: {  	_ =	shalt  }
0x71: {  	_ =	shalt  }
0x72: {  	_ =	shalt  }
0x73: {  	_ =	shalt  }
0x74: {  	_ =	shalt  }
0x75: {  	_ =	shalt  }
0x76: {  	_ =	shalt  }
0x77: {  	_ =	shalt  }
0x78: {  	_ =	shalt  }
0x79: {  	_ =	shalt  }
0x7a: {  	_ =	shalt  }
0x7b: {  	_ =	shalt  }
0x7c: {  	_ =	shalt  }
0x7d: {  	_ =	shalt  }
0x7e: {  	_ =	shalt  }
0x7f: {  	_ =	shalt  }
0x80: {  	_ =	shalt  }
0x81: {  	_ =	shalt  }
0x82: {  	_ =	shalt  }
0x83: {  	_ =	shalt  }
0x84: {  	_ =	shalt  }
0x85: {  	_ =	shalt  }
0x86: {  	_ =	shalt  }
0x87: {  	_ =	shalt  }
.Lfunc_end0:
.L_simem_size_0:
called_computation_lowered:
.L_overlay_start_0:
0x88: {  	s2 =	sld [smem:$0x3FD9]  }
0x89: {  	s3 =	sld [smem:$0x3FFE];
	_ =	sdelay $0x1  }
0x8a: {  	s1 =	srdreg.scid  }
0x8b: {  	s0 =	sand.u32 $0x1, s1  }
0x8c: {  	s17 =	sshll.u32 s0, $0xA;
	s2 =	sadd.s32 s3, s2  }
0x8d: {  	s2 =	sadd.s32 s2, s17  }
0x8e: {  	[smem:$0x3FC0] =	sst s2  }
0x8f: {  	_ = 	snop  }
0x90: {  	s2 =	sld [smem:$0x3FD0];
	(tm) =	ssettm $0x1  }
0x91: {  	s18 =	sld [smem:$0x3FFB];
	_ =	sdelay $0x3  }
0x92: {  	_ =	strace s18  }
0x93: {  	s3 =	sld [smem:$0x3FFC];
	_ =	sdelay $0x3  }
0x94: {  	_ =	strace s3  }
0x95: {  	s3 =	sld [smem:$0x3FFD];
	_ =	sdelay $0x3  }
0x96: {  	_ =	strace s3  }
0x97: {  	_ =	strace $0x8FFFFFFF  }
0x98: {  	s19 =	sld [smem:$0x3FDB];
	_ =	sdelay $0x1  }
0x99: {  	s4 =	simm.s32 $_scs_section_size  }
0x9a: {  	s5 =	simm.s32 $_size__tile_overlayer_lowered;
	s6 =	simm.s32 $_tile_overlayer_lowered  }
0x9b: {  	s22 =	simm.s32 $0x1BFF;
	s21 =	sshll.u32 s6, $0x1;
	s3 =	sadd.s32 s4, s19  }
0x9c: {  	s7 =	simm.s32 $0x0;
	s20 =	sshll.u32 s5, $0x1;
	s5 =	sadd.s32 s21, s3  }
0x9d: {  	[timem:s7], [sflag:s22] =	dma.local [hbm:s5], s20  }
0x9e: {  	_ =	swait.ge [sflag:s22], s20  }
0x9f: {  	s4 =	ssub.s32 $0x0, s20;
	[sflag:s22] =	ssyncset.done $0x0  }
0xa0: {  	[sflag:s22] =	ssyncadd.s32 s4;
	_ =	sdelay $0x1  }
0xa1: {  	s23 =	simm.s32 $0x1B8B  }
0xa2: {  	_ =	swait.ge [sflag:s23], $0x1  }
0xa3: {  	[sflag:s23] =	ssyncset.done $0x0  }
0xa4: {  	s25 =	simm.s32 $0x1B8E;
	s24 =	sld [smem:$0x3FFE];
	[sflag:s23] =	ssyncadd.s32 $0xFFFFFFFF  }
0xa5: {  	s26 =	simm.s32 $execute0_lowered;
	[smem:$0x3FD2] =	sst s25  }
0xa6: {  	s5 =	sshll.u32 s26, $0x1;
	_ =	strace $0x80000046;
	[dreg:$0x1] =	wrdreg $0xFFFFFFFF  }
0xa7: {  	s28 =	simm.s32 $_size_execute0_lowered;
	s3 =	sadd.s32 s3, s5;
	[dreg:$0x0] =	wrdreg $0x0  }
0xa8: {  	s5 =	sshll.u32 s28, $0x1;
	[dreg:$0x2] =	wrdreg s3  }
0xa9: {  	[dreg:$0x3] =	wrdreg s5  }
0xaa: {  	[dreg:$0x4] =	wrdreg $0xC0  }
0xab: {  	_ =	task [dreg:s7], $0x5FFFF  }
0xac: {  	[dreg:$0x1] =	wrdreg $0xFFFFFFFF  }
0xad: {  	[dreg:$0x0] =	wrdreg $0x60  }
0xae: {  	[dreg:$0x2] =	wrdreg s2  }
0xaf: {  	[dreg:$0x3] =	wrdreg s24  }
0xb0: {  	[dreg:$0x4] =	wrdreg $0x30000  }
0xb1: {  	[dreg:$0x5] =	wrdreg $0x9  }
0xb2: {  	_ =	task.clear_ibuf [dreg:s7], $0x6FFFF;
	_ =	strace $0x90000046  }
0xb3: {  	s29 =	simm.s32 $0x9;
	_ =	strace $0x80000048  }
0xb4: {  	_ =	swait.ge [sflag:s29], $0x1  }
0xb5: {  	[sflag:s29] =	ssyncadd.s32 $0xFFFFFFFF  }
0xb6: {  	_ =	strace $0x90000048  }
0xb7: {  	_ =	sfence  }
0xb8: {  	s30 =	sld [smem:$0x0];
	_ =	sdelay $0x2  }
0xb9: {  	s31 =	sshll.u32 s1, $0xD;
	s1 =	sshrl.u32 s1, $0x2  }
0xba: {  	s3 =	sand.u32 $0x4000, s31;
	s1 =	sadd.s32 s1, s30  }
0xbb: {  	s0 =	sor.u32 s3, s0;
	s1 =	sshll.u32 s1, $0x11  }
0xbc: {  	s0 =	sor.u32 s1, s0  }
0xbd: {  	s0 =	sadd.s32 $0x8F2B, s0  }
0xbe: {  	[sflag:s0] =	ssyncadd.remote.s32 $0x1  }
0xbf: {  	_ =	sfence.sel $0xFFFF  }
0xc0: {  	[dreg:$0x0] =	wrdreg $0xFFFFFFFF;
	(pc) =	sbr.abs _section_cstart, $3  }
0xc1: {  	[dreg:$0x1] =	wrdreg $0xFFFFFFFF  }
0xc2: {  	_ =	task.clear_ibuf [dreg:s7], $0x2FFFF;
	_ =	strace $0x9FFFFFFF  }
0xc3: {  	(tm) =	ssettm $0x7FFFFFFF  }
tec
execute0_lowered:
.L_overlay_start_1:
0x0: {  	(tag) =	ssettag $0x1  }
0x1: {  	s4 =	rddreg [dreg:$0x0]  }
0x2: {  	s5 =	rddreg [dreg:$0x1]  }
0x3: {  	s2 =	rddreg [dreg:$0x2]  }
0x4: {  	s0 =	rddreg [dreg:$0x3]  }
0x5: {  	s3 =	simm.s32 $0x0;
	s6 =	srdreg.scid;
	s1 =	stileid.u32  }
0x6: {  	s14 =	simm.s32 $0x0;
	s6 =	sand.u32 $0x1, s6;
	s7 =	sshll.u32 s1, $0x1  }
0x7: {  	s8 =	smul.u32 $0x2800, s1;
	[smem:$0x7FF] =	sst s3;
	s31 =	sshll.u32 s1, $0x6  }
0x8: {  	s7 =	sor.u32 s6, s7;
	s9 =	smul.u32 $0x28000, s6;
	_ =	strace $0x80000047  }
0x9: {  	s6 =	ssub.s32 $0x2, s6;
	s10 =	sshll.u32 s7, $0x8;
	s7 =	smul.u32 $0x500, s7  }
0xa: {  	s12 =	sshrl.u32 s6, $0x1;
	s13 =	sadd.s32 s8, s2;
	s10 =	sadd.s32 s10, s5  }
0xb: {  	s9 =	sadd.s32 s8, s9;
	s12 =	ssub.s32 s6, s12;
	s11 =	sadd.s32 s7, s5  }
0xc: {  	s9 =	sshrl.u32 s9, $0x3;
	s4 =	sadd.s32 s4, s7;
	s8 =	smax.u32 s12, $0x1  }
0xd: {  	s12 =	sshrl.u32 s13, $0x3;
	s13 =	simm.s32 $0x80;
	s9 =	sadd.s32 s9, s5  }
0xe: {  	s5 =	sadd.s32 $0xCE00, s10;
	s6 =	sadd.s32 $0x2E00, s11;
	s10 =	simm.s32 $0x2800  }
0xf: {  	s11 =	sor.u32 $0x1C01, s31;
	s7 =	sadd.s32 $0xEE00, s9;
	s9 =	simm.s32 $0x1  }
.LBB2_1:
0x10: {  	[tilespmem:s3], [sflag:$0x1] =	stream.linear.gather [hbm4b:s4+s3], $0x2800, $0x38;
	[tilespmem:$0x5800] =	vst v63  }
0x11: {  	_ =	swait.ge [sflag:s9], $0x2800  }
0x12: {  	[sflag:s9] =	ssyncset.done $0x0  }
0x13: {  	[sflag:s9] =	ssyncadd.s32 $0xFFFFD800  }
0x14: {  	[tilespmem:s10], [sflag:$0x1] =	stream.linear.gather [hbm4b:s5+s3], $0x800, $0x38;
	[tilespmem:$0x5800] =	vst v63  }
0x15: {  	_ =	swait.ge [sflag:s9], $0x800  }
0x16: {  	[sflag:s9] =	ssyncset.done $0x0  }
0x17: {  	[sflag:s9] =	ssyncadd.s32 $0xFFFFF800  }
0x18: {  	[spmem:s12], [sflag:s11] =	dma.local [hbm:s6], $0x500  }
0x19: {  	_ =	swait.ge [sflag:s9], $0x500  }
0x1a: {  	[sflag:s9] =	ssyncset.done $0x0  }
0x1b: {  	[sflag:s9] =	ssyncadd.s32 $0xFFFFFB00  }
0x1c: {  	s15 =	simm.s32 $0x0;
	[bflag:$0x0] =	sbarrier.arrive $0xFFFF  }
0x1d: {  	[spmem:s2] =	stream.indirect.scatter.add.f32 [tilespmem:s10], [sflag:$0x1], $0x10, s15, s13, $0xb8;
	[tilespmem:$0x5800] =	vst v63  }
0x1e: {  	_ =	swait.ge [sflag:s9], $0x800  }
0x1f: {  	s15 =	simm.s32 $0x200;
	[sflag:s9] =	ssyncset.done $0x0  }
.LBB2_2:
0x20: {  	s16 =	sshra.s32 s15, $0x2;
	[sflag:s9] =	ssyncadd.s32 $0xFFFFF800;
	p0 =	sne.s32 s15, $0x9E00  }
0x21: {  	[spmem:s2] =	stream.indirect.scatter.add.f32 [tilespmem:s10], [sflag:$0x1], $0x10, s16, s13, $0xb8;
	[tilespmem:$0x5800] =	vst v63  }
.Ltmp0:
0x22: {  	_ = 	snop;
	(pc) =	sbr.rel @p0 .LBB2_2-.Ltmp0, $4  }
0x23: {  	_ = 	snop  }
0x24: {  	s15 =	sadd.s32 $0x200, s15  }
0x25: {  	_ =	swait.ge [sflag:s9], $0x800  }
0x26: {  	[sflag:s9] =	ssyncset.done $0x0  }
0x27: {  	s14 =	sadd.s32 $0x1, s14  }
0x28: {  	[sflag:s9] =	ssyncadd.s32 $0xFFFFF800;
	p0 =	sne.s32 s14, s8  }
.Ltmp1:
0x29: {  	[bflag:$0x0] =	sbarrier.arrive $0xFFFF;
	(pc) =	sbr.rel @p0 .LBB2_1-.Ltmp1, $4  }
0x2a: {  	[hbm:s7], [sflag:s11] =	dma.local [spmem:s12], $0x500  }
0x2b: {  	_ =	swait.ge [sflag:s9], $0x500  }
0x2c: {  	[sflag:s9] =	ssyncset.done $0x0  }
0x2d: {  	[sflag:s9] =	ssyncadd.s32 $0xFFFFFB00  }
0x2e: {  	_ =	sfence.sel $0x180000  }
0x2f: {  	[bflag:$0x0] =	sbarrier.arrive $0xFFFF  }
0x30: {  	p0 =	sne.s32 s1, $0x0;
	_ =	strace $0x90000047  }
0x31: {  	s0 =	sadd.s32 @!p0 $0x100000, s0;
	[bflag:$0x2] =	sbarrier.arrive $0xFFFF  }
0x32: {  	[sflag:s0] =	ssyncadd.tile.s32 @!p0 $0x1;
	_ =	shalt  }
.Lfunc_end2:
_tile_overlayer_lowered:
.L_overlay_start_2:
0x33: {  	(tag) =	ssettag $0x2  }
0x34: {  	s0 =	rddreg [dreg:$0x0];
	s2 =	stileid.u32  }
0x35: {  	s1 =	rddreg [dreg:$0x1];
	p0 =	sne.s32 s2, $0x0  }
0x36: {  	s3 =	rddreg [dreg:$0x2];
	[bflag:$0x3] =	sbarrier.arrive $0xFFFF;
	s2 =	simm.s32 @!p0 $0x1C01  }
0x37: {  	[timem:s3], [sflag:s2] =	dma.local @!p0 [hbm:s0], s1  }
0x38: {  	s0 =	simm.s32 @!p0 $0x1  }
0x39: {  	_ =	swait.ge @!p0 [sflag:s0], s1  }
0x3a: {  	s1 =	ssub.s32 @!p0 $0x0, s1;
	[sflag:s0] =	ssyncset.done @!p0 $0x0  }
0x3b: {  	[sflag:s0] =	ssyncadd.s32 @!p0 s1  }
0x3c: {  	[bflag:$0x3] =	sbarrier.arrive $0xFFFF  }
0x3d: {  	_ =	shalt  }

// kernel: sc_edge_agg.4.cloned.1.call-start
scs
__scs_entry_jumppad:
0x0: {  	(pc) =	sbr.rel $0x88, $3  }
0x1: {  	(tag) =	ssettag $0x0;
	lr =	simm.s32 $0x1  }
0x2: {  	[smem:$0x3F99] =	sst lr;
	_ =	strace $0xD0000000  }
0x3: {  	_ = 	snop  }
0x4: {  	_ = 	snop  }
0x5: {  	_ = 	snop  }
0x6: {  	_ = 	snop  }
0x7: {  	_ = 	snop  }
__scs_overlays_trampoline_lowered:
0x8: {  	[smem:$0x3FA8] =	sst s0  }
0x9: {  	[smem:$0x3FA9] =	sst s1  }
0xa: {  	[smem:$0x3FAA] =	sst s2  }
0xb: {  	[smem:$0x3FAB] =	sst s3  }
0xc: {  	[smem:$0x3FAC] =	sst s4  }
0xd: {  	[smem:$0x3FAD] =	sst s5  }
0xe: {  	[smem:$0x3FAE] =	sst s6  }
0xf: {  	[smem:$0x3FAF] =	sst s7  }
0x10: {  	[smem:$0x3FB0] =	sst s8  }
0x11: {  	[smem:$0x3FB1] =	sst s9;
	s0 =	simm.s32 @!p0 $0x0  }
0x12: {  	s1 =	sld [smem:$0x3F97];
	s0 =	simm.s32 @p0 $0x1  }
0x13: {  	[smem:$0x3FB2] =	sst s0;
	s0 =	simm.s32 @!p1 $0x0  }
0x14: {  	s2 =	sld [smem:$0x3F96];
	s0 =	simm.s32 @p1 $0x1  }
0x15: {  	[smem:$0x3FB3] =	sst s0;
	s0 =	simm.s32 @!p2 $0x0  }
0x16: {  	s3 =	sld [smem:$0x3FDB];
	s0 =	simm.s32 @p2 $0x1  }
0x17: {  	s4 =	simm.s32 $0x1BF5;
	[smem:$0x3FB5] =	sst s0  }
0x18: {  	s0 =	sld [smem:$0x3F98];
	_ =	swait.ge [sflag:s4], $0x0  }
0x19: {  	s7 =	sld [smem:$0x3F99]  }
0x1a: {  	s8 =	sadd.s32 $0xFFFFE003, lr  }
0x1b: {  	s9 =	sadd.s32 $0xFFFFFEF7, lr;
	s5 =	simm.s32 $0xFFFFFFFF;
	p2 =	slt.u32 s8, $0xFFFFF086  }
0x1c: {  	p1 =	slt.u32 s9, $0xF7A;
	s5 =	simm.s32 @!p2 $0x0  }
0x1d: {  	s5 =	simm.s32 @p1 $0x1;
	p0 =	seq.s32 s7, s2  }
0x1e: {  	s7 =	smul.u32 @!p0 $0xF7A, s2;
	p2 =	seq.s32 @!p0 s5, $0x0  }
0x1f: {  	s9 =	smul.u32 $0xF7A, s1;
	s8 =	simm.s32 @!p0 $0x1BF5;
	p2 =	por !p2, p0  }
0x20: {  	[sflag:s8] =	ssyncset.s32 @!p0 $0xFFFFF086;
	s6 =	sadd.s32 @!p0 s3, s7;
	s7 =	simm.s32 @!p0 $0x108  }
0x21: {  	s3 =	sadd.s32 s3, s9;
	s6 =	sadd.s32 @!p0 $0x88, s6;
	s7 =	simm.s32 @p2 $0x1082  }
0x22: {  	[simem:s7], [sflag:s8] =	dma.local @!p0 [hbm:s6], $0xF7A  }
0x23: {  	s9 =	sor.u32 $0xD0000000, s2;
	s6 =	simm.s32 $0x108;
	_ =	swait.ge @!p0 [sflag:s8], $0x0  }
0x24: {  	s3 =	sadd.s32 $0x88, s3;
	s6 =	simm.s32 @!p1 $0x1082;
	[sflag:s4] =	ssyncset.s32 $0xFFFFF086  }
0x25: {  	[simem:s6], [sflag:s4] =	dma.local [hbm:s3], $0xF7A  }
0x26: {  	[smem:$0x3F99] =	sst s1;
	(tag) =	ssettag s2;
	_ =	strace s9  }
0x27: {  	s1 =	sld [smem:$0x3FA9]  }
0x28: {  	s2 =	sld [smem:$0x3FAA]  }
0x29: {  	s4 =	sld [smem:$0x3FAC]  }
0x2a: {  	p0 =	seq.s32 s5, $0x0;
	s5 =	sld [smem:$0x3FAD]  }
0x2b: {  	s6 =	sld [smem:$0x3FAE]  }
0x2c: {  	s7 =	sld [smem:$0x3FAF]  }
0x2d: {  	s3 =	simm.s32 $0x108;
	s8 =	sld [smem:$0x3FB0]  }
0x2e: {  	s3 =	simm.s32 @!p0 $0x1082;
	s9 =	sld [smem:$0x3FB1]  }
0x2f: {  	lr =	sadd.s32 s0, s3;
	s0 =	sld [smem:$0x3FA8]  }
0x30: {  	s3 =	sld [smem:$0x3FAB]  }
0x31: {  	[smem:$0x3FB4] =	sst s10  }
0x32: {  	s10 =	sld [smem:$0x3FB2];
	_ =	sdelay $0x3  }
0x33: {  	p0 =	seq.s32 s10, $0x1;
	s10 =	sld [smem:$0x3FB4];
	_ =	sdelay $0x3  }
0x34: {  	[smem:$0x3FB4] =	sst s10  }
0x35: {  	s10 =	sld [smem:$0x3FB3];
	_ =	sdelay $0x3  }
0x36: {  	p1 =	seq.s32 s10, $0x1;
	s10 =	sld [smem:$0x3FB4];
	_ =	sdelay $0x3  }
0x37: {  	[smem:$0x3FB4] =	sst s10  }
0x38: {  	s10 =	sld [smem:$0x3FB5]  }
0x39: {  	_ = 	snop;
	(pc) =	sbr.ind lr, $3  }
0x3a: {  	_ = 	snop  }
0x3b: {  	_ = 	snop  }
0x3c: {  	p2 =	seq.s32 s10, $0x1;
	s10 =	sld [smem:$0x3FB4]  }
0x3d: {  	_ =	shalt  }
0x3e: {  	_ =	shalt  }
0x3f: {  	_ =	shalt  }
0x40: {  	_ =	shalt  }
0x41: {  	_ =	shalt  }
0x42: {  	_ =	shalt  }
0x43: {  	_ =	shalt  }
0x44: {  	_ =	shalt  }
0x45: {  	_ =	shalt  }
0x46: {  	_ =	shalt  }
0x47: {  	_ =	shalt  }
0x48: {  	_ =	shalt  }
0x49: {  	_ =	shalt  }
0x4a: {  	_ =	shalt  }
0x4b: {  	_ =	shalt  }
0x4c: {  	_ =	shalt  }
0x4d: {  	_ =	shalt  }
0x4e: {  	_ =	shalt  }
0x4f: {  	_ =	shalt  }
0x50: {  	_ =	shalt  }
0x51: {  	_ =	shalt  }
0x52: {  	_ =	shalt  }
0x53: {  	_ =	shalt  }
0x54: {  	_ =	shalt  }
0x55: {  	_ =	shalt  }
0x56: {  	_ =	shalt  }
0x57: {  	_ =	shalt  }
0x58: {  	_ =	shalt  }
0x59: {  	_ =	shalt  }
0x5a: {  	_ =	shalt  }
0x5b: {  	_ =	shalt  }
0x5c: {  	_ =	shalt  }
0x5d: {  	_ =	shalt  }
0x5e: {  	_ =	shalt  }
0x5f: {  	_ =	shalt  }
0x60: {  	_ =	shalt  }
0x61: {  	_ =	shalt  }
0x62: {  	_ =	shalt  }
0x63: {  	_ =	shalt  }
0x64: {  	_ =	shalt  }
0x65: {  	_ =	shalt  }
0x66: {  	_ =	shalt  }
0x67: {  	_ =	shalt  }
0x68: {  	_ =	shalt  }
0x69: {  	_ =	shalt  }
0x6a: {  	_ =	shalt  }
0x6b: {  	_ =	shalt  }
0x6c: {  	_ =	shalt  }
0x6d: {  	_ =	shalt  }
0x6e: {  	_ =	shalt  }
0x6f: {  	_ =	shalt  }
0x70: {  	_ =	shalt  }
0x71: {  	_ =	shalt  }
0x72: {  	_ =	shalt  }
0x73: {  	_ =	shalt  }
0x74: {  	_ =	shalt  }
0x75: {  	_ =	shalt  }
0x76: {  	_ =	shalt  }
0x77: {  	_ =	shalt  }
0x78: {  	_ =	shalt  }
0x79: {  	_ =	shalt  }
0x7a: {  	_ =	shalt  }
0x7b: {  	_ =	shalt  }
0x7c: {  	_ =	shalt  }
0x7d: {  	_ =	shalt  }
0x7e: {  	_ =	shalt  }
0x7f: {  	_ =	shalt  }
0x80: {  	_ =	shalt  }
0x81: {  	_ =	shalt  }
0x82: {  	_ =	shalt  }
0x83: {  	_ =	shalt  }
0x84: {  	_ =	shalt  }
0x85: {  	_ =	shalt  }
0x86: {  	_ =	shalt  }
0x87: {  	_ =	shalt  }
.Lfunc_end0:
.L_simem_size_0:
called_computation.1_lowered:
.L_overlay_start_0:
0x88: {  	s2 =	sld [smem:$0x3FD9]  }
0x89: {  	s3 =	sld [smem:$0x3FFE];
	_ =	sdelay $0x1  }
0x8a: {  	s1 =	srdreg.scid  }
0x8b: {  	s0 =	sand.u32 $0x1, s1  }
0x8c: {  	s17 =	sshll.u32 s0, $0xA;
	s2 =	sadd.s32 s3, s2  }
0x8d: {  	s2 =	sadd.s32 s2, s17  }
0x8e: {  	[smem:$0x3FC0] =	sst s2  }
0x8f: {  	_ = 	snop  }
0x90: {  	s2 =	sld [smem:$0x3FD0];
	(tm) =	ssettm $0x1  }
0x91: {  	s18 =	sld [smem:$0x3FFB];
	_ =	sdelay $0x3  }
0x92: {  	_ =	strace s18  }
0x93: {  	s3 =	sld [smem:$0x3FFC];
	_ =	sdelay $0x3  }
0x94: {  	_ =	strace s3  }
0x95: {  	s3 =	sld [smem:$0x3FFD];
	_ =	sdelay $0x3  }
0x96: {  	_ =	strace s3  }
0x97: {  	_ =	strace $0x8FFFFFFF  }
0x98: {  	s19 =	sld [smem:$0x3FDB];
	_ =	sdelay $0x1  }
0x99: {  	s4 =	simm.s32 $_scs_section_size  }
0x9a: {  	s5 =	simm.s32 $_size__tile_overlayer_lowered;
	s6 =	simm.s32 $_tile_overlayer_lowered  }
0x9b: {  	s22 =	simm.s32 $0x1BFF;
	s21 =	sshll.u32 s6, $0x1;
	s3 =	sadd.s32 s4, s19  }
0x9c: {  	s7 =	simm.s32 $0x0;
	s20 =	sshll.u32 s5, $0x1;
	s5 =	sadd.s32 s21, s3  }
0x9d: {  	[timem:s7], [sflag:s22] =	dma.local [hbm:s5], s20  }
0x9e: {  	_ =	swait.ge [sflag:s22], s20  }
0x9f: {  	s4 =	ssub.s32 $0x0, s20;
	[sflag:s22] =	ssyncset.done $0x0  }
0xa0: {  	[sflag:s22] =	ssyncadd.s32 s4;
	_ =	sdelay $0x1  }
0xa1: {  	s23 =	simm.s32 $0x1B8B  }
0xa2: {  	_ =	swait.ge [sflag:s23], $0x1  }
0xa3: {  	[sflag:s23] =	ssyncset.done $0x0  }
0xa4: {  	s25 =	simm.s32 $0x1B8E;
	s24 =	sld [smem:$0x3FFE];
	[sflag:s23] =	ssyncadd.s32 $0xFFFFFFFF  }
0xa5: {  	s26 =	simm.s32 $execute0_lowered;
	[smem:$0x3FD2] =	sst s25  }
0xa6: {  	s5 =	sshll.u32 s26, $0x1;
	_ =	strace $0x80000049;
	[dreg:$0x1] =	wrdreg $0xFFFFFFFF  }
0xa7: {  	s28 =	simm.s32 $_size_execute0_lowered;
	s3 =	sadd.s32 s3, s5;
	[dreg:$0x0] =	wrdreg $0x0  }
0xa8: {  	s5 =	sshll.u32 s28, $0x1;
	[dreg:$0x2] =	wrdreg s3  }
0xa9: {  	[dreg:$0x3] =	wrdreg s5  }
0xaa: {  	[dreg:$0x4] =	wrdreg $0xC0  }
0xab: {  	_ =	task [dreg:s7], $0x5FFFF  }
0xac: {  	[dreg:$0x1] =	wrdreg $0xFFFFFFFF  }
0xad: {  	[dreg:$0x0] =	wrdreg $0x60  }
0xae: {  	[dreg:$0x2] =	wrdreg s24  }
0xaf: {  	[dreg:$0x3] =	wrdreg s2  }
0xb0: {  	[dreg:$0x4] =	wrdreg $0x70000  }
0xb1: {  	[dreg:$0x5] =	wrdreg $0xC0000  }
0xb2: {  	[dreg:$0x6] =	wrdreg $0x9  }
0xb3: {  	_ =	task.clear_ibuf [dreg:s7], $0x7FFFF;
	_ =	strace $0x90000049  }
0xb4: {  	s29 =	simm.s32 $0x9;
	_ =	strace $0x8000004B  }
0xb5: {  	_ =	swait.ge [sflag:s29], $0x1  }
0xb6: {  	[sflag:s29] =	ssyncadd.s32 $0xFFFFFFFF  }
0xb7: {  	_ =	strace $0x9000004B  }
0xb8: {  	_ =	sfence  }
0xb9: {  	s30 =	sld [smem:$0x0];
	_ =	sdelay $0x2  }
0xba: {  	s31 =	sshll.u32 s1, $0xD;
	s1 =	sshrl.u32 s1, $0x2  }
0xbb: {  	s3 =	sand.u32 $0x4000, s31;
	s1 =	sadd.s32 s1, s30  }
0xbc: {  	s0 =	sor.u32 s3, s0;
	s1 =	sshll.u32 s1, $0x11  }
0xbd: {  	s0 =	sor.u32 s1, s0  }
0xbe: {  	s0 =	sadd.s32 $0x8F2B, s0  }
0xbf: {  	[sflag:s0] =	ssyncadd.remote.s32 $0x1  }
0xc0: {  	_ =	sfence.sel $0xFFFF  }
0xc1: {  	[dreg:$0x0] =	wrdreg $0xFFFFFFFF;
	(pc) =	sbr.abs _section_cstart, $3  }
0xc2: {  	[dreg:$0x1] =	wrdreg $0xFFFFFFFF  }
0xc3: {  	_ =	task.clear_ibuf [dreg:s7], $0x2FFFF;
	_ =	strace $0x9FFFFFFF  }
0xc4: {  	(tm) =	ssettm $0x7FFFFFFF  }
0xc5: {  	_ =	shalt  }
tec
execute0_lowered:
.L_overlay_start_1:
0x0: {  	(tag) =	ssettag $0x1  }
0x1: {  	s0 =	rddreg [dreg:$0x0]  }
0x2: {  	s1 =	rddreg [dreg:$0x1]  }
0x3: {  	s2 =	rddreg [dreg:$0x2]  }
0x4: {  	s3 =	rddreg [dreg:$0x3]  }
0x5: {  	s17 =	stileid.u32;
	s4 =	srdreg.scid;
	s28 =	simm.s32 $0x2  }
0x6: {  	s29 =	simm.s32 $0x2780;
	s30 =	simm.s32 $0x4F00;
	s31 =	simm.s32 $0x4F80  }
0x7: {  	s5 =	smul.u32 $0x14000, s17;
	s6 =	sand.u32 $0x1, s4;
	s7 =	sshll.u32 s17, $0x1  }
0x8: {  	s4 =	simm.s32 $0x0;
	s23 =	smul.u32 $0x5000, s17;
	s26 =	sshll.u32 s17, $0x6  }
0x9: {  	s17 =	simm.s32 $0x3;
	s7 =	sor.u32 s6, s7;
	s8 =	smul.u32 $0x140000, s6  }
0xa: {  	[smem:$0x7FF] =	sst s4;
	s6 =	ssub.s32 $0x2, s6;
	s19 =	sor.u32 $0x1C03, s26  }
0xb: {  	s26 =	simm.s32 $0x6000;
	s9 =	sshrl.u32 s5, $0x3;
	s7 =	smul.u32 $0x500, s7  }
0xc: {  	_ =	strace $0x8000004A;
	s22 =	sshrl.u32 s6, $0x1;
	s25 =	sadd.s32 s23, s2  }
0xd: {  	s14 =	sadd.s32 s9, s0;
	s5 =	sadd.s32 s5, s8;
	s16 =	ssub.s32 s6, s22  }
0xe: {  	s8 =	sadd.s32 s23, s3;
	s20 =	sshrl.u32 s25, $0x3;
	s22 =	simm.s32 $0x4  }
0xf: {  	s23 =	simm.s32 $0x10;
	s25 =	simm.s32 $0x5000;
	s21 =	sadd.s32 s7, s0  }
0x10: {  	s5 =	sshrl.u32 s5, $0x3;
	s1 =	sadd.s32 s1, s7;
	s7 =	sadd.s32 $0x22E00, s14  }
0x11: {  	s10 =	sadd.s32 $0x22E04, s14;
	s12 =	sadd.s32 $0x22E08, s14;
	s14 =	sadd.s32 $0x22E0C, s14  }
0x12: {  	s16 =	smax.u32 s16, $0x1;
	s24 =	sadd.s32 $0x18E00, s21;
	[dreg:$0x6] =	wrdreg s1  }
0x13: {  	s0 =	sadd.s32 s5, s0;
	s21 =	simm.s32 $0x1;
	[dreg:$0x5] =	wrdreg s24  }
0x14: {  	s9 =	sadd.s32 $0x4AE00, s0;
	s11 =	sadd.s32 $0x4AE04, s0;
	s13 =	sadd.s32 $0x4AE08, s0  }
0x15: {  	s15 =	sadd.s32 $0x4AE0C, s0;
	s24 =	simm.s32 $0x80;
	s0 =	simm.s32 $0x0  }
.LBB2_1:
0x16: {  	s1 =	rddreg [dreg:$0x5]  }
0x17: {  	[tilespmem:s4], [sflag:$0x3] =	stream.linear.gather [hbm4b:s1+s4], $0x2800, $0x38;
	[tilespmem:$0x11000] =	vst v63  }
0x18: {  	_ =	swait.ge [sflag:s17], $0x2800  }
0x19: {  	[sflag:s17] =	ssyncset.done $0x0  }
0x1a: {  	s5 =	simm.s32 $0x2800;
	s18 =	rddreg [dreg:$0x6];
	[sflag:s17] =	ssyncadd.s32 $0xFFFFD800  }
0x1b: {  	[tilespmem:s5], [sflag:$0x3] =	stream.linear.gather [hbm4b:s18+s4], $0x2800, $0x38;
	[tilespmem:$0x11000] =	vst v63  }
0x1c: {  	_ =	swait.ge [sflag:s17], $0x2800  }
0x1d: {  	[sflag:s17] =	ssyncset.done $0x0  }
0x1e: {  	[sflag:s17] =	ssyncadd.s32 $0xFFFFD800  }
0x1f: {  	[spmem:s20@s22], [sflag:s19] =	dma.strided [hbm:s7@s23], $0xA00, s21, $0x4   }
0x20: {  	_ =	swait.ge [sflag:s17], $0xA00  }
0x21: {  	[sflag:s17] =	ssyncset.done $0x0  }
0x22: {  	s1 =	sshrl.u32 s8, $0x3;
	[sflag:s17] =	ssyncadd.s32 $0xFFFFF600  }
0x23: {  	[spmem:s1@s22], [sflag:s19] =	dma.strided [hbm:s7@s23], $0xA00, s21, $0x4   }
0x24: {  	_ =	swait.ge [sflag:s17], $0xA00  }
0x25: {  	[sflag:s17] =	ssyncset.done $0x0  }
0x26: {  	[sflag:s17] =	ssyncadd.s32 $0xFFFFF600  }
0x27: {  	[bflag:$0x0] =	sbarrier.arrive $0xFFFF  }
0x28: {  	[tilespmem:s25], [sflag:$0x1] =	stream.indirect.gather [spmem:s2], $0x20, s4, s24, $0xb8;
	[tilespmem:$0x11000] =	vst v63  }
0x29: {  	_ =	swait.ge [sflag:s21], $0x1000  }
0x2a: {  	[sflag:s21] =	ssyncset.done $0x0  }
0x2b: {  	s18 =	simm.s32 $0x80;
	[sflag:s21] =	ssyncadd.s32 $0xFFFFF000  }
0x2c: {  	[tilespmem:s26], [sflag:$0x2] =	stream.indirect.gather [spmem:s2], $0x20, s18, s24, $0xb8;
	[tilespmem:$0x11000] =	vst v63  }
0x2d: {  	s6 =	simm.s32 $0x2800  }
0x2e: {  	[spmem:s3] =	stream.indirect.scatter.add.f32 [tilespmem:s25], [sflag:$0x3], $0x20, s6, s24, $0xb8;
	[tilespmem:$0x11000] =	vst v63  }
0x2f: {  	_ =	swait.ge [sflag:s17], $0x1000  }
0x30: {  	[sflag:s17] =	ssyncset.done $0x0  }
0x31: {  	[sflag:s17] =	ssyncadd.s32 $0xFFFFF000  }
0x32: {  	_ =	swait.ge [sflag:s28], $0x1000  }
0x33: {  	[sflag:s28] =	ssyncset.done $0x0  }
0x34: {  	s5 =	simm.s32 $0x100;
	[sflag:s28] =	ssyncadd.s32 $0xFFFFF000  }
0x35: {  	[tilespmem:s25], [sflag:$0x1] =	stream.indirect.gather [spmem:s2], $0x20, s5, s24, $0xb8;
	[tilespmem:$0x11000] =	vst v63  }
0x36: {  	s6 =	simm.s32 $0x2880  }
0x37: {  	[spmem:s3] =	stream.indirect.scatter.add.f32 [tilespmem:s26], [sflag:$0x3], $0x20, s6, s24, $0xb8;
	[tilespmem:$0x11000] =	vst v63  }
0x38: {  	_ =	swait.ge [sflag:s17], $0x1000  }
0x39: {  	s18 =	simm.s32 $0x400;
	[sflag:s17] =	ssyncset.done $0x0  }
.LBB2_2:
0x3a: {  	p0 =	sne.s32 s18, $0x9800  }
0x3b: {  	[sflag:s17] =	ssyncadd.s32 $0xFFFFF000;
	s5 =	smov.u32 s18;
	s18 =	sadd.s32 $0x400, s18  }
0x3c: {  	_ = 	snop  }
0x3d: {  	_ =	swait.ge [sflag:s21], $0x1000  }
0x3e: {  	s5 =	sshra.s32 s5, $0x2;
	[sflag:s21] =	ssyncset.done $0x0  }
0x3f: {  	s6 =	sadd.s32 $0x80, s5;
	[sflag:s21] =	ssyncadd.s32 $0xFFFFF000  }
0x40: {  	[tilespmem:s26], [sflag:$0x2] =	stream.indirect.gather [spmem:s2], $0x20, s6, s24, $0xb8;
	[tilespmem:$0x11000] =	vst v63  }
0x41: {  	s6 =	sadd.s32 $0x2800, s5  }
0x42: {  	[spmem:s3] =	stream.indirect.scatter.add.f32 [tilespmem:s25], [sflag:$0x3], $0x20, s6, s24, $0xb8;
	[tilespmem:$0x11000] =	vst v63  }
0x43: {  	_ =	swait.ge [sflag:s17], $0x1000  }
0x44: {  	[sflag:s17] =	ssyncset.done $0x0  }
0x45: {  	[sflag:s17] =	ssyncadd.s32 $0xFFFFF000  }
0x46: {  	_ =	swait.ge [sflag:s28], $0x1000  }
0x47: {  	[sflag:s28] =	ssyncset.done $0x0  }
0x48: {  	s6 =	sadd.s32 $0x100, s5;
	[sflag:s28] =	ssyncadd.s32 $0xFFFFF000  }
0x49: {  	[tilespmem:s25], [sflag:$0x1] =	stream.indirect.gather [spmem:s2], $0x20, s6, s24, $0xb8;
	[tilespmem:$0x11000] =	vst v63  }
.Ltmp0:
0x4a: {  	_ = 	snop;
	(pc) =	sbr.rel @p0 .LBB2_2-.Ltmp0, $4  }
0x4b: {  	s5 =	sadd.s32 $0x2880, s5  }
0x4c: {  	[spmem:s3] =	stream.indirect.scatter.add.f32 [tilespmem:s26], [sflag:$0x3], $0x20, s5, s24, $0xb8;
	[tilespmem:$0x11000] =	vst v63  }
0x4d: {  	_ =	swait.ge [sflag:s17], $0x1000  }
0x4e: {  	[sflag:s17] =	ssyncset.done $0x0  }
0x4f: {  	[sflag:s17] =	ssyncadd.s32 $0xFFFFF000  }
0x50: {  	_ =	swait.ge [sflag:s21], $0x1000  }
0x51: {  	[sflag:s21] =	ssyncset.done $0x0  }
0x52: {  	[sflag:s21] =	ssyncadd.s32 $0xFFFFF000  }
0x53: {  	[tilespmem:s26], [sflag:$0x2] =	stream.indirect.gather [spmem:s2], $0x20, s29, s24, $0xb8;
	[tilespmem:$0x11000] =	vst v63  }
0x54: {  	_ = 	snop  }
0x55: {  	[spmem:s3] =	stream.indirect.scatter.add.f32 [tilespmem:s25], [sflag:$0x3], $0x20, s30, s24, $0xb8;
	[tilespmem:$0x11000] =	vst v63  }
0x56: {  	_ =	swait.ge [sflag:s17], $0x1000  }
0x57: {  	[sflag:s17] =	ssyncset.done $0x0  }
0x58: {  	[sflag:s17] =	ssyncadd.s32 $0xFFFFF000  }
0x59: {  	_ =	swait.ge [sflag:s28], $0x1000  }
0x5a: {  	[sflag:s28] =	ssyncset.done $0x0  }
0x5b: {  	s5 =	simm.s32 $0x0;
	[sflag:s28] =	ssyncadd.s32 $0xFFFFF000  }
0x5c: {  	[tilespmem:s25], [sflag:$0x1] =	stream.indirect.gather [spmem:s2], $0x20, s5, s24, $0xb8;
	[tilespmem:$0x11000] =	vst v63  }
0x5d: {  	_ = 	snop  }
0x5e: {  	[spmem:s3] =	stream.indirect.scatter.add.f32 [tilespmem:s26], [sflag:$0x3], $0x20, s31, s24, $0xb8;
	[tilespmem:$0x11000] =	vst v63  }
0x5f: {  	_ =	swait.ge [sflag:s17], $0x1000  }
0x60: {  	[sflag:s17] =	ssyncset.done $0x0  }
0x61: {  	[sflag:s17] =	ssyncadd.s32 $0xFFFFF000  }
0x62: {  	_ =	swait.ge [sflag:s21], $0x1000  }
0x63: {  	[sflag:s21] =	ssyncset.done $0x0  }
0x64: {  	[sflag:s21] =	ssyncadd.s32 $0xFFFFF000  }
0x65: {  	[bflag:$0x0] =	sbarrier.arrive $0xFFFF  }
0x66: {  	[hbm:s9@s23], [sflag:s19] =	dma.strided [spmem:s1@s22], $0xA00, s21, $0x4   }
0x67: {  	_ =	swait.ge [sflag:s17], $0xA00  }
0x68: {  	[sflag:s17] =	ssyncset.done $0x0  }
0x69: {  	[sflag:s17] =	ssyncadd.s32 $0xFFFFF600  }
0x6a: {  	[spmem:s20@s22], [sflag:s19] =	dma.strided [hbm:s10@s23], $0xA00, s21, $0x4   }
0x6b: {  	_ =	swait.ge [sflag:s17], $0xA00  }
0x6c: {  	[sflag:s17] =	ssyncset.done $0x0  }
0x6d: {  	[sflag:s17] =	ssyncadd.s32 $0xFFFFF600  }
0x6e: {  	[spmem:s1@s22], [sflag:s19] =	dma.strided [hbm:s10@s23], $0xA00, s21, $0x4   }
0x6f: {  	_ =	swait.ge [sflag:s17], $0xA00  }
0x70: {  	[sflag:s17] =	ssyncset.done $0x0  }
0x71: {  	[sflag:s17] =	ssyncadd.s32 $0xFFFFF600  }
0x72: {  	[bflag:$0x0] =	sbarrier.arrive $0xFFFF  }
0x73: {  	[tilespmem:s25], [sflag:$0x1] =	stream.indirect.gather [spmem:s2], $0x20, s5, s24, $0xb8;
	[tilespmem:$0x11000] =	vst v63  }
0x74: {  	_ =	swait.ge [sflag:s21], $0x1000  }
0x75: {  	[sflag:s21] =	ssyncset.done $0x0  }
0x76: {  	s6 =	simm.s32 $0x80;
	[sflag:s21] =	ssyncadd.s32 $0xFFFFF000  }
0x77: {  	[tilespmem:s26], [sflag:$0x2] =	stream.indirect.gather [spmem:s2], $0x20, s6, s24, $0xb8;
	[tilespmem:$0x11000] =	vst v63  }
0x78: {  	s18 =	simm.s32 $0x2800  }
0x79: {  	[spmem:s3] =	stream.indirect.scatter.add.f32 [tilespmem:s25], [sflag:$0x3], $0x20, s18, s24, $0xb8;
	[tilespmem:$0x11000] =	vst v63  }
0x7a: {  	_ =	swait.ge [sflag:s17], $0x1000  }
0x7b: {  	[sflag:s17] =	ssyncset.done $0x0  }
0x7c: {  	[sflag:s17] =	ssyncadd.s32 $0xFFFFF000  }
0x7d: {  	_ =	swait.ge [sflag:s28], $0x1000  }
0x7e: {  	[sflag:s28] =	ssyncset.done $0x0  }
0x7f: {  	s6 =	simm.s32 $0x100;
	[sflag:s28] =	ssyncadd.s32 $0xFFFFF000  }
0x80: {  	[tilespmem:s25], [sflag:$0x1] =	stream.indirect.gather [spmem:s2], $0x20, s6, s24, $0xb8;
	[tilespmem:$0x11000] =	vst v63  }
0x81: {  	s18 =	simm.s32 $0x2880  }
0x82: {  	[spmem:s3] =	stream.indirect.scatter.add.f32 [tilespmem:s26], [sflag:$0x3], $0x20, s18, s24, $0xb8;
	[tilespmem:$0x11000] =	vst v63  }
0x83: {  	_ =	swait.ge [sflag:s17], $0x1000  }
0x84: {  	s18 =	simm.s32 $0x400;
	[sflag:s17] =	ssyncset.done $0x0  }
.LBB2_4:
0x85: {  	p0 =	sne.s32 s18, $0x9800  }
0x86: {  	[sflag:s17] =	ssyncadd.s32 $0xFFFFF000;
	s5 =	smov.u32 s18;
	s18 =	sadd.s32 $0x400, s18  }
0x87: {  	_ = 	snop  }
0x88: {  	_ =	swait.ge [sflag:s21], $0x1000  }
0x89: {  	s5 =	sshra.s32 s5, $0x2;
	[sflag:s21] =	ssyncset.done $0x0  }
0x8a: {  	s6 =	sadd.s32 $0x80, s5;
	[sflag:s21] =	ssyncadd.s32 $0xFFFFF000  }
0x8b: {  	[tilespmem:s26], [sflag:$0x2] =	stream.indirect.gather [spmem:s2], $0x20, s6, s24, $0xb8;
	[tilespmem:$0x11000] =	vst v63  }
0x8c: {  	s6 =	sadd.s32 $0x2800, s5  }
0x8d: {  	[spmem:s3] =	stream.indirect.scatter.add.f32 [tilespmem:s25], [sflag:$0x3], $0x20, s6, s24, $0xb8;
	[tilespmem:$0x11000] =	vst v63  }
0x8e: {  	_ =	swait.ge [sflag:s17], $0x1000  }
0x8f: {  	[sflag:s17] =	ssyncset.done $0x0  }
0x90: {  	[sflag:s17] =	ssyncadd.s32 $0xFFFFF000  }
0x91: {  	_ =	swait.ge [sflag:s28], $0x1000  }
0x92: {  	[sflag:s28] =	ssyncset.done $0x0  }
0x93: {  	s6 =	sadd.s32 $0x100, s5;
	[sflag:s28] =	ssyncadd.s32 $0xFFFFF000  }
0x94: {  	[tilespmem:s25], [sflag:$0x1] =	stream.indirect.gather [spmem:s2], $0x20, s6, s24, $0xb8;
	[tilespmem:$0x11000] =	vst v63  }
.Ltmp1:
0x95: {  	_ = 	snop;
	(pc) =	sbr.rel @p0 .LBB2_4-.Ltmp1, $4  }
0x96: {  	s5 =	sadd.s32 $0x2880, s5  }
0x97: {  	[spmem:s3] =	stream.indirect.scatter.add.f32 [tilespmem:s26], [sflag:$0x3], $0x20, s5, s24, $0xb8;
	[tilespmem:$0x11000] =	vst v63  }
0x98: {  	_ =	swait.ge [sflag:s17], $0x1000  }
0x99: {  	[sflag:s17] =	ssyncset.done $0x0  }
0x9a: {  	[sflag:s17] =	ssyncadd.s32 $0xFFFFF000  }
0x9b: {  	_ =	swait.ge [sflag:s21], $0x1000  }
0x9c: {  	[sflag:s21] =	ssyncset.done $0x0  }
0x9d: {  	[sflag:s21] =	ssyncadd.s32 $0xFFFFF000  }
0x9e: {  	[tilespmem:s26], [sflag:$0x2] =	stream.indirect.gather [spmem:s2], $0x20, s29, s24, $0xb8;
	[tilespmem:$0x11000] =	vst v63  }
0x9f: {  	_ = 	snop  }
0xa0: {  	[spmem:s3] =	stream.indirect.scatter.add.f32 [tilespmem:s25], [sflag:$0x3], $0x20, s30, s24, $0xb8;
	[tilespmem:$0x11000] =	vst v63  }
0xa1: {  	_ =	swait.ge [sflag:s17], $0x1000  }
0xa2: {  	[sflag:s17] =	ssyncset.done $0x0  }
0xa3: {  	[sflag:s17] =	ssyncadd.s32 $0xFFFFF000  }
0xa4: {  	_ =	swait.ge [sflag:s28], $0x1000  }
0xa5: {  	[sflag:s28] =	ssyncset.done $0x0  }
0xa6: {  	s5 =	simm.s32 $0x0;
	[sflag:s28] =	ssyncadd.s32 $0xFFFFF000  }
0xa7: {  	[tilespmem:s25], [sflag:$0x1] =	stream.indirect.gather [spmem:s2], $0x20, s5, s24, $0xb8;
	[tilespmem:$0x11000] =	vst v63  }
0xa8: {  	_ = 	snop  }
0xa9: {  	[spmem:s3] =	stream.indirect.scatter.add.f32 [tilespmem:s26], [sflag:$0x3], $0x20, s31, s24, $0xb8;
	[tilespmem:$0x11000] =	vst v63  }
0xaa: {  	_ =	swait.ge [sflag:s17], $0x1000  }
0xab: {  	[sflag:s17] =	ssyncset.done $0x0  }
0xac: {  	[sflag:s17] =	ssyncadd.s32 $0xFFFFF000  }
0xad: {  	_ =	swait.ge [sflag:s21], $0x1000  }
0xae: {  	[sflag:s21] =	ssyncset.done $0x0  }
0xaf: {  	[sflag:s21] =	ssyncadd.s32 $0xFFFFF000  }
0xb0: {  	[bflag:$0x0] =	sbarrier.arrive $0xFFFF  }
0xb1: {  	[hbm:s11@s23], [sflag:s19] =	dma.strided [spmem:s1@s22], $0xA00, s21, $0x4   }
0xb2: {  	_ =	swait.ge [sflag:s17], $0xA00  }
0xb3: {  	[sflag:s17] =	ssyncset.done $0x0  }
0xb4: {  	[sflag:s17] =	ssyncadd.s32 $0xFFFFF600  }
0xb5: {  	[spmem:s20@s22], [sflag:s19] =	dma.strided [hbm:s12@s23], $0xA00, s21, $0x4   }
0xb6: {  	_ =	swait.ge [sflag:s17], $0xA00  }
0xb7: {  	[sflag:s17] =	ssyncset.done $0x0  }
0xb8: {  	[sflag:s17] =	ssyncadd.s32 $0xFFFFF600  }
0xb9: {  	[spmem:s1@s22], [sflag:s19] =	dma.strided [hbm:s12@s23], $0xA00, s21, $0x4   }
0xba: {  	_ =	swait.ge [sflag:s17], $0xA00  }
0xbb: {  	[sflag:s17] =	ssyncset.done $0x0  }
0xbc: {  	[sflag:s17] =	ssyncadd.s32 $0xFFFFF600  }
0xbd: {  	[bflag:$0x0] =	sbarrier.arrive $0xFFFF  }
0xbe: {  	[tilespmem:s25], [sflag:$0x1] =	stream.indirect.gather [spmem:s2], $0x20, s5, s24, $0xb8;
	[tilespmem:$0x11000] =	vst v63  }
0xbf: {  	_ =	swait.ge [sflag:s21], $0x1000  }
0xc0: {  	[sflag:s21] =	ssyncset.done $0x0  }
0xc1: {  	s6 =	simm.s32 $0x80;
	[sflag:s21] =	ssyncadd.s32 $0xFFFFF000  }
0xc2: {  	[tilespmem:s26], [sflag:$0x2] =	stream.indirect.gather [spmem:s2], $0x20, s6, s24, $0xb8;
	[tilespmem:$0x11000] =	vst v63  }
0xc3: {  	s18 =	simm.s32 $0x2800  }
0xc4: {  	[spmem:s3] =	stream.indirect.scatter.add.f32 [tilespmem:s25], [sflag:$0x3], $0x20, s18, s24, $0xb8;
	[tilespmem:$0x11000] =	vst v63  }
0xc5: {  	_ =	swait.ge [sflag:s17], $0x1000  }
0xc6: {  	[sflag:s17] =	ssyncset.done $0x0  }
0xc7: {  	[sflag:s17] =	ssyncadd.s32 $0xFFFFF000  }
0xc8: {  	_ =	swait.ge [sflag:s28], $0x1000  }
0xc9: {  	[sflag:s28] =	ssyncset.done $0x0  }
0xca: {  	s6 =	simm.s32 $0x100;
	[sflag:s28] =	ssyncadd.s32 $0xFFFFF000  }
0xcb: {  	[tilespmem:s25], [sflag:$0x1] =	stream.indirect.gather [spmem:s2], $0x20, s6, s24, $0xb8;
	[tilespmem:$0x11000] =	vst v63  }
0xcc: {  	s18 =	simm.s32 $0x2880  }
0xcd: {  	[spmem:s3] =	stream.indirect.scatter.add.f32 [tilespmem:s26], [sflag:$0x3], $0x20, s18, s24, $0xb8;
	[tilespmem:$0x11000] =	vst v63  }
0xce: {  	_ =	swait.ge [sflag:s17], $0x1000  }
0xcf: {  	s18 =	simm.s32 $0x400;
	[sflag:s17] =	ssyncset.done $0x0  }
.LBB2_6:
0xd0: {  	p0 =	sne.s32 s18, $0x9800  }
0xd1: {  	[sflag:s17] =	ssyncadd.s32 $0xFFFFF000;
	s5 =	smov.u32 s18;
	s18 =	sadd.s32 $0x400, s18  }
0xd2: {  	_ = 	snop  }
0xd3: {  	_ =	swait.ge [sflag:s21], $0x1000  }
0xd4: {  	s5 =	sshra.s32 s5, $0x2;
	[sflag:s21] =	ssyncset.done $0x0  }
0xd5: {  	s6 =	sadd.s32 $0x80, s5;
	[sflag:s21] =	ssyncadd.s32 $0xFFFFF000  }
0xd6: {  	[tilespmem:s26], [sflag:$0x2] =	stream.indirect.gather [spmem:s2], $0x20, s6, s24, $0xb8;
	[tilespmem:$0x11000] =	vst v63  }
0xd7: {  	s6 =	sadd.s32 $0x2800, s5  }
0xd8: {  	[spmem:s3] =	stream.indirect.scatter.add.f32 [tilespmem:s25], [sflag:$0x3], $0x20, s6, s24, $0xb8;
	[tilespmem:$0x11000] =	vst v63  }
0xd9: {  	_ =	swait.ge [sflag:s17], $0x1000  }
0xda: {  	[sflag:s17] =	ssyncset.done $0x0  }
0xdb: {  	[sflag:s17] =	ssyncadd.s32 $0xFFFFF000  }
0xdc: {  	_ =	swait.ge [sflag:s28], $0x1000  }
0xdd: {  	[sflag:s28] =	ssyncset.done $0x0  }
0xde: {  	s6 =	sadd.s32 $0x100, s5;
	[sflag:s28] =	ssyncadd.s32 $0xFFFFF000  }
0xdf: {  	[tilespmem:s25], [sflag:$0x1] =	stream.indirect.gather [spmem:s2], $0x20, s6, s24, $0xb8;
	[tilespmem:$0x11000] =	vst v63  }
.Ltmp2:
0xe0: {  	_ = 	snop;
	(pc) =	sbr.rel @p0 .LBB2_6-.Ltmp2, $4  }
0xe1: {  	s5 =	sadd.s32 $0x2880, s5  }
0xe2: {  	[spmem:s3] =	stream.indirect.scatter.add.f32 [tilespmem:s26], [sflag:$0x3], $0x20, s5, s24, $0xb8;
	[tilespmem:$0x11000] =	vst v63  }
0xe3: {  	_ =	swait.ge [sflag:s17], $0x1000  }
0xe4: {  	[sflag:s17] =	ssyncset.done $0x0  }
0xe5: {  	[sflag:s17] =	ssyncadd.s32 $0xFFFFF000  }
0xe6: {  	_ =	swait.ge [sflag:s21], $0x1000  }
0xe7: {  	[sflag:s21] =	ssyncset.done $0x0  }
0xe8: {  	[sflag:s21] =	ssyncadd.s32 $0xFFFFF000  }
0xe9: {  	[tilespmem:s26], [sflag:$0x2] =	stream.indirect.gather [spmem:s2], $0x20, s29, s24, $0xb8;
	[tilespmem:$0x11000] =	vst v63  }
0xea: {  	_ = 	snop  }
0xeb: {  	[spmem:s3] =	stream.indirect.scatter.add.f32 [tilespmem:s25], [sflag:$0x3], $0x20, s30, s24, $0xb8;
	[tilespmem:$0x11000] =	vst v63  }
0xec: {  	_ =	swait.ge [sflag:s17], $0x1000  }
0xed: {  	[sflag:s17] =	ssyncset.done $0x0  }
0xee: {  	[sflag:s17] =	ssyncadd.s32 $0xFFFFF000  }
0xef: {  	_ =	swait.ge [sflag:s28], $0x1000  }
0xf0: {  	[sflag:s28] =	ssyncset.done $0x0  }
0xf1: {  	s5 =	simm.s32 $0x0;
	[sflag:s28] =	ssyncadd.s32 $0xFFFFF000  }
0xf2: {  	[tilespmem:s25], [sflag:$0x1] =	stream.indirect.gather [spmem:s2], $0x20, s5, s24, $0xb8;
	[tilespmem:$0x11000] =	vst v63  }
0xf3: {  	_ = 	snop  }
0xf4: {  	[spmem:s3] =	stream.indirect.scatter.add.f32 [tilespmem:s26], [sflag:$0x3], $0x20, s31, s24, $0xb8;
	[tilespmem:$0x11000] =	vst v63  }
0xf5: {  	_ =	swait.ge [sflag:s17], $0x1000  }
0xf6: {  	[sflag:s17] =	ssyncset.done $0x0  }
0xf7: {  	[sflag:s17] =	ssyncadd.s32 $0xFFFFF000  }
0xf8: {  	_ =	swait.ge [sflag:s21], $0x1000  }
0xf9: {  	[sflag:s21] =	ssyncset.done $0x0  }
0xfa: {  	[sflag:s21] =	ssyncadd.s32 $0xFFFFF000  }
0xfb: {  	[bflag:$0x0] =	sbarrier.arrive $0xFFFF  }
0xfc: {  	[hbm:s13@s23], [sflag:s19] =	dma.strided [spmem:s1@s22], $0xA00, s21, $0x4   }
0xfd: {  	_ =	swait.ge [sflag:s17], $0xA00  }
0xfe: {  	[sflag:s17] =	ssyncset.done $0x0  }
0xff: {  	[sflag:s17] =	ssyncadd.s32 $0xFFFFF600  }
0x100: {  	[spmem:s20@s22], [sflag:s19] =	dma.strided [hbm:s14@s23], $0xA00, s21, $0x4   }
0x101: {  	_ =	swait.ge [sflag:s17], $0xA00  }
0x102: {  	[sflag:s17] =	ssyncset.done $0x0  }
0x103: {  	[sflag:s17] =	ssyncadd.s32 $0xFFFFF600  }
0x104: {  	[spmem:s1@s22], [sflag:s19] =	dma.strided [hbm:s14@s23], $0xA00, s21, $0x4   }
0x105: {  	_ =	swait.ge [sflag:s17], $0xA00  }
0x106: {  	[sflag:s17] =	ssyncset.done $0x0  }
0x107: {  	[sflag:s17] =	ssyncadd.s32 $0xFFFFF600  }
0x108: {  	[bflag:$0x0] =	sbarrier.arrive $0xFFFF  }
0x109: {  	[tilespmem:s25], [sflag:$0x1] =	stream.indirect.gather [spmem:s2], $0x20, s5, s24, $0xb8;
	[tilespmem:$0x11000] =	vst v63  }
0x10a: {  	_ =	swait.ge [sflag:s21], $0x1000  }
0x10b: {  	[sflag:s21] =	ssyncset.done $0x0  }
0x10c: {  	s6 =	simm.s32 $0x80;
	[sflag:s21] =	ssyncadd.s32 $0xFFFFF000  }
0x10d: {  	[tilespmem:s26], [sflag:$0x2] =	stream.indirect.gather [spmem:s2], $0x20, s6, s24, $0xb8;
	[tilespmem:$0x11000] =	vst v63  }
0x10e: {  	s18 =	simm.s32 $0x2800  }
0x10f: {  	[spmem:s3] =	stream.indirect.scatter.add.f32 [tilespmem:s25], [sflag:$0x3], $0x20, s18, s24, $0xb8;
	[tilespmem:$0x11000] =	vst v63  }
0x110: {  	_ =	swait.ge [sflag:s17], $0x1000  }
0x111: {  	[sflag:s17] =	ssyncset.done $0x0  }
0x112: {  	[sflag:s17] =	ssyncadd.s32 $0xFFFFF000  }
0x113: {  	_ =	swait.ge [sflag:s28], $0x1000  }
0x114: {  	[sflag:s28] =	ssyncset.done $0x0  }
0x115: {  	s6 =	simm.s32 $0x100;
	[sflag:s28] =	ssyncadd.s32 $0xFFFFF000  }
0x116: {  	[tilespmem:s25], [sflag:$0x1] =	stream.indirect.gather [spmem:s2], $0x20, s6, s24, $0xb8;
	[tilespmem:$0x11000] =	vst v63  }
0x117: {  	s18 =	simm.s32 $0x2880  }
0x118: {  	[spmem:s3] =	stream.indirect.scatter.add.f32 [tilespmem:s26], [sflag:$0x3], $0x20, s18, s24, $0xb8;
	[tilespmem:$0x11000] =	vst v63  }
0x119: {  	_ =	swait.ge [sflag:s17], $0x1000  }
0x11a: {  	s18 =	simm.s32 $0x400;
	[sflag:s17] =	ssyncset.done $0x0  }
.LBB2_8:
0x11b: {  	p0 =	sne.s32 s18, $0x9800  }
0x11c: {  	[sflag:s17] =	ssyncadd.s32 $0xFFFFF000;
	s5 =	smov.u32 s18;
	s18 =	sadd.s32 $0x400, s18  }
0x11d: {  	_ = 	snop  }
0x11e: {  	_ =	swait.ge [sflag:s21], $0x1000  }
0x11f: {  	s5 =	sshra.s32 s5, $0x2;
	[sflag:s21] =	ssyncset.done $0x0  }
0x120: {  	s6 =	sadd.s32 $0x80, s5;
	[sflag:s21] =	ssyncadd.s32 $0xFFFFF000  }
0x121: {  	[tilespmem:s26], [sflag:$0x2] =	stream.indirect.gather [spmem:s2], $0x20, s6, s24, $0xb8;
	[tilespmem:$0x11000] =	vst v63  }
0x122: {  	s6 =	sadd.s32 $0x2800, s5  }
0x123: {  	[spmem:s3] =	stream.indirect.scatter.add.f32 [tilespmem:s25], [sflag:$0x3], $0x20, s6, s24, $0xb8;
	[tilespmem:$0x11000] =	vst v63  }
0x124: {  	_ =	swait.ge [sflag:s17], $0x1000  }
0x125: {  	[sflag:s17] =	ssyncset.done $0x0  }
0x126: {  	[sflag:s17] =	ssyncadd.s32 $0xFFFFF000  }
0x127: {  	_ =	swait.ge [sflag:s28], $0x1000  }
0x128: {  	[sflag:s28] =	ssyncset.done $0x0  }
0x129: {  	s6 =	sadd.s32 $0x100, s5;
	[sflag:s28] =	ssyncadd.s32 $0xFFFFF000  }
0x12a: {  	[tilespmem:s25], [sflag:$0x1] =	stream.indirect.gather [spmem:s2], $0x20, s6, s24, $0xb8;
	[tilespmem:$0x11000] =	vst v63  }
.Ltmp3:
0x12b: {  	_ = 	snop;
	(pc) =	sbr.rel @p0 .LBB2_8-.Ltmp3, $4  }
0x12c: {  	s5 =	sadd.s32 $0x2880, s5  }
0x12d: {  	[spmem:s3] =	stream.indirect.scatter.add.f32 [tilespmem:s26], [sflag:$0x3], $0x20, s5, s24, $0xb8;
	[tilespmem:$0x11000] =	vst v63  }
0x12e: {  	_ =	swait.ge [sflag:s17], $0x1000  }
0x12f: {  	[sflag:s17] =	ssyncset.done $0x0  }
0x130: {  	[sflag:s17] =	ssyncadd.s32 $0xFFFFF000  }
0x131: {  	_ =	swait.ge [sflag:s21], $0x1000  }
0x132: {  	[sflag:s21] =	ssyncset.done $0x0  }
0x133: {  	[sflag:s21] =	ssyncadd.s32 $0xFFFFF000  }
0x134: {  	[tilespmem:s26], [sflag:$0x2] =	stream.indirect.gather [spmem:s2], $0x20, s29, s24, $0xb8;
	[tilespmem:$0x11000] =	vst v63  }
0x135: {  	_ = 	snop  }
0x136: {  	[spmem:s3] =	stream.indirect.scatter.add.f32 [tilespmem:s25], [sflag:$0x3], $0x20, s30, s24, $0xb8;
	[tilespmem:$0x11000] =	vst v63  }
0x137: {  	_ =	swait.ge [sflag:s17], $0x1000  }
0x138: {  	[sflag:s17] =	ssyncset.done $0x0  }
0x139: {  	[sflag:s17] =	ssyncadd.s32 $0xFFFFF000  }
0x13a: {  	_ =	swait.ge [sflag:s28], $0x1000  }
0x13b: {  	[sflag:s28] =	ssyncset.done $0x0  }
0x13c: {  	[sflag:s28] =	ssyncadd.s32 $0xFFFFF000  }
0x13d: {  	[tilespmem:s25], [sflag:$0x1] =	stream.indirect.gather [spmem:s2], $0x20, s4, s24, $0xb8;
	[tilespmem:$0x11000] =	vst v63  }
0x13e: {  	_ = 	snop  }
0x13f: {  	[spmem:s3] =	stream.indirect.scatter.add.f32 [tilespmem:s26], [sflag:$0x3], $0x20, s31, s24, $0xb8;
	[tilespmem:$0x11000] =	vst v63  }
0x140: {  	_ =	swait.ge [sflag:s17], $0x1000  }
0x141: {  	[sflag:s17] =	ssyncset.done $0x0  }
0x142: {  	[sflag:s17] =	ssyncadd.s32 $0xFFFFF000  }
0x143: {  	_ =	swait.ge [sflag:s21], $0x1000  }
0x144: {  	s0 =	sadd.s32 $0x1, s0;
	[sflag:s21] =	ssyncset.done $0x0  }
0x145: {  	p0 =	sne.s32 s0, s16;
	[sflag:s21] =	ssyncadd.s32 $0xFFFFF000  }
.Ltmp4:
0x146: {  	[bflag:$0x0] =	sbarrier.arrive $0xFFFF;
	(pc) =	sbr.rel @p0 .LBB2_1-.Ltmp4, $4  }
0x147: {  	[hbm:s15@s23], [sflag:s19] =	dma.strided [spmem:s1@s22], $0xA00, s21, $0x4   }
0x148: {  	_ =	swait.ge [sflag:s17], $0xA00  }
0x149: {  	[sflag:s17] =	ssyncset.done $0x0  }
0x14a: {  	[sflag:s17] =	ssyncadd.s32 $0xFFFFF600  }
0x14b: {  	_ =	sfence.sel $0x180000  }
0x14c: {  	[bflag:$0x0] =	sbarrier.arrive $0xFFFF  }
0x14d: {  	_ =	strace $0x9000004A  }
0x14e: {  	s0 =	stileid.u32;
	[bflag:$0x2] =	sbarrier.arrive $0xFFFF  }
0x14f: {  	p0 =	sne.s32 s0, $0x0;
	s0 =	rddreg [dreg:$0x4]  }
0x150: {  	s0 =	sadd.s32 @!p0 $0x100000, s0  }
0x151: {  	[sflag:s0] =	ssyncadd.tile.s32 @!p0 $0x1;
	_ =	shalt  }
.Lfunc_end2:
_tile_overlayer_lowered:
.L_overlay_start_2:
0x152: {  	(tag) =	ssettag $0x2  }
0x153: {  	s0 =	rddreg [dreg:$0x0];
	s2 =	stileid.u32  }
0x154: {  	s1 =	rddreg [dreg:$0x1];
	p0 =	sne.s32 s2, $0x0  }
0x155: {  	s3 =	rddreg [dreg:$0x2];
	[bflag:$0x3] =	sbarrier.arrive $0xFFFF;
	s2 =	simm.s32 @!p0 $0x1C03  }
0x156: {  	[timem:s3], [sflag:s2] =	dma.local @!p0 [hbm:s0], s1  }
0x157: {  	s0 =	simm.s32 @!p0 $0x3  }
0x158: {  	_ =	swait.ge @!p0 [sflag:s0], s1  }
0x159: {  	s1 =	ssub.s32 @!p0 $0x0, s1;
	[sflag:s0] =	ssyncset.done @!p0 $0x0  }
0x15a: {  	[sflag:s0] =	ssyncadd.s32 @!p0 s1  }
0x15b: {  	[bflag:$0x3] =	sbarrier.arrive $0xFFFF  }
0x15c: {  	_ =	shalt  }

// kernel: sc_edge_agg.7.cloned.1.call-start
scs
__scs_entry_jumppad:
0x0: {  	(pc) =	sbr.rel $0x88, $3  }
0x1: {  	(tag) =	ssettag $0x0;
	lr =	simm.s32 $0x1  }
0x2: {  	[smem:$0x3F99] =	sst lr;
	_ =	strace $0xD0000000  }
0x3: {  	_ = 	snop  }
0x4: {  	_ = 	snop  }
0x5: {  	_ = 	snop  }
0x6: {  	_ = 	snop  }
0x7: {  	_ = 	snop  }
__scs_overlays_trampoline_lowered:
0x8: {  	[smem:$0x3FA8] =	sst s0  }
0x9: {  	[smem:$0x3FA9] =	sst s1  }
0xa: {  	[smem:$0x3FAA] =	sst s2  }
0xb: {  	[smem:$0x3FAB] =	sst s3  }
0xc: {  	[smem:$0x3FAC] =	sst s4  }
0xd: {  	[smem:$0x3FAD] =	sst s5  }
0xe: {  	[smem:$0x3FAE] =	sst s6  }
0xf: {  	[smem:$0x3FAF] =	sst s7  }
0x10: {  	[smem:$0x3FB0] =	sst s8  }
0x11: {  	[smem:$0x3FB1] =	sst s9;
	s0 =	simm.s32 @!p0 $0x0  }
0x12: {  	s1 =	sld [smem:$0x3F97];
	s0 =	simm.s32 @p0 $0x1  }
0x13: {  	[smem:$0x3FB2] =	sst s0;
	s0 =	simm.s32 @!p1 $0x0  }
0x14: {  	s2 =	sld [smem:$0x3F96];
	s0 =	simm.s32 @p1 $0x1  }
0x15: {  	[smem:$0x3FB3] =	sst s0;
	s0 =	simm.s32 @!p2 $0x0  }
0x16: {  	s3 =	sld [smem:$0x3FDB];
	s0 =	simm.s32 @p2 $0x1  }
0x17: {  	s4 =	simm.s32 $0x1BF5;
	[smem:$0x3FB5] =	sst s0  }
0x18: {  	s0 =	sld [smem:$0x3F98];
	_ =	swait.ge [sflag:s4], $0x0  }
0x19: {  	s7 =	sld [smem:$0x3F99]  }
0x1a: {  	s8 =	sadd.s32 $0xFFFFE003, lr  }
0x1b: {  	s9 =	sadd.s32 $0xFFFFFEF7, lr;
	s5 =	simm.s32 $0xFFFFFFFF;
	p2 =	slt.u32 s8, $0xFFFFF086  }
0x1c: {  	p1 =	slt.u32 s9, $0xF7A;
	s5 =	simm.s32 @!p2 $0x0  }
0x1d: {  	s5 =	simm.s32 @p1 $0x1;
	p0 =	seq.s32 s7, s2  }
0x1e: {  	s7 =	smul.u32 @!p0 $0xF7A, s2;
	p2 =	seq.s32 @!p0 s5, $0x0  }
0x1f: {  	s9 =	smul.u32 $0xF7A, s1;
	s8 =	simm.s32 @!p0 $0x1BF5;
	p2 =	por !p2, p0  }
0x20: {  	[sflag:s8] =	ssyncset.s32 @!p0 $0xFFFFF086;
	s6 =	sadd.s32 @!p0 s3, s7;
	s7 =	simm.s32 @!p0 $0x108  }
0x21: {  	s3 =	sadd.s32 s3, s9;
	s6 =	sadd.s32 @!p0 $0x88, s6;
	s7 =	simm.s32 @p2 $0x1082  }
0x22: {  	[simem:s7], [sflag:s8] =	dma.local @!p0 [hbm:s6], $0xF7A  }
0x23: {  	s9 =	sor.u32 $0xD0000000, s2;
	s6 =	simm.s32 $0x108;
	_ =	swait.ge @!p0 [sflag:s8], $0x0  }
0x24: {  	s3 =	sadd.s32 $0x88, s3;
	s6 =	simm.s32 @!p1 $0x1082;
	[sflag:s4] =	ssyncset.s32 $0xFFFFF086  }
0x25: {  	[simem:s6], [sflag:s4] =	dma.local [hbm:s3], $0xF7A  }
0x26: {  	[smem:$0x3F99] =	sst s1;
	(tag) =	ssettag s2;
	_ =	strace s9  }
0x27: {  	s1 =	sld [smem:$0x3FA9]  }
0x28: {  	s2 =	sld [smem:$0x3FAA]  }
0x29: {  	s4 =	sld [smem:$0x3FAC]  }
0x2a: {  	p0 =	seq.s32 s5, $0x0;
	s5 =	sld [smem:$0x3FAD]  }
0x2b: {  	s6 =	sld [smem:$0x3FAE]  }
0x2c: {  	s7 =	sld [smem:$0x3FAF]  }
0x2d: {  	s3 =	simm.s32 $0x108;
	s8 =	sld [smem:$0x3FB0]  }
0x2e: {  	s3 =	simm.s32 @!p0 $0x1082;
	s9 =	sld [smem:$0x3FB1]  }
0x2f: {  	lr =	sadd.s32 s0, s3;
	s0 =	sld [smem:$0x3FA8]  }
0x30: {  	s3 =	sld [smem:$0x3FAB]  }
0x31: {  	[smem:$0x3FB4] =	sst s10  }
0x32: {  	s10 =	sld [smem:$0x3FB2];
	_ =	sdelay $0x3  }
0x33: {  	p0 =	seq.s32 s10, $0x1;
	s10 =	sld [smem:$0x3FB4];
	_ =	sdelay $0x3  }
0x34: {  	[smem:$0x3FB4] =	sst s10  }
0x35: {  	s10 =	sld [smem:$0x3FB3];
	_ =	sdelay $0x3  }
0x36: {  	p1 =	seq.s32 s10, $0x1;
	s10 =	sld [smem:$0x3FB4];
	_ =	sdelay $0x3  }
0x37: {  	[smem:$0x3FB4] =	sst s10  }
0x38: {  	s10 =	sld [smem:$0x3FB5]  }
0x39: {  	_ = 	snop;
	(pc) =	sbr.ind lr, $3  }
0x3a: {  	_ = 	snop  }
0x3b: {  	_ = 	snop  }
0x3c: {  	p2 =	seq.s32 s10, $0x1;
	s10 =	sld [smem:$0x3FB4]  }
0x3d: {  	_ =	shalt  }
0x3e: {  	_ =	shalt  }
0x3f: {  	_ =	shalt  }
0x40: {  	_ =	shalt  }
0x41: {  	_ =	shalt  }
0x42: {  	_ =	shalt  }
0x43: {  	_ =	shalt  }
0x44: {  	_ =	shalt  }
0x45: {  	_ =	shalt  }
0x46: {  	_ =	shalt  }
0x47: {  	_ =	shalt  }
0x48: {  	_ =	shalt  }
0x49: {  	_ =	shalt  }
0x4a: {  	_ =	shalt  }
0x4b: {  	_ =	shalt  }
0x4c: {  	_ =	shalt  }
0x4d: {  	_ =	shalt  }
0x4e: {  	_ =	shalt  }
0x4f: {  	_ =	shalt  }
0x50: {  	_ =	shalt  }
0x51: {  	_ =	shalt  }
0x52: {  	_ =	shalt  }
0x53: {  	_ =	shalt  }
0x54: {  	_ =	shalt  }
0x55: {  	_ =	shalt  }
0x56: {  	_ =	shalt  }
0x57: {  	_ =	shalt  }
0x58: {  	_ =	shalt  }
0x59: {  	_ =	shalt  }
0x5a: {  	_ =	shalt  }
0x5b: {  	_ =	shalt  }
0x5c: {  	_ =	shalt  }
0x5d: {  	_ =	shalt  }
0x5e: {  	_ =	shalt  }
0x5f: {  	_ =	shalt  }
0x60: {  	_ =	shalt  }
0x61: {  	_ =	shalt  }
0x62: {  	_ =	shalt  }
0x63: {  	_ =	shalt  }
0x64: {  	_ =	shalt  }
0x65: {  	_ =	shalt  }
0x66: {  	_ =	shalt  }
0x67: {  	_ =	shalt  }
0x68: {  	_ =	shalt  }
0x69: {  	_ =	shalt  }
0x6a: {  	_ =	shalt  }
0x6b: {  	_ =	shalt  }
0x6c: {  	_ =	shalt  }
0x6d: {  	_ =	shalt  }
0x6e: {  	_ =	shalt  }
0x6f: {  	_ =	shalt  }
0x70: {  	_ =	shalt  }
0x71: {  	_ =	shalt  }
0x72: {  	_ =	shalt  }
0x73: {  	_ =	shalt  }
0x74: {  	_ =	shalt  }
0x75: {  	_ =	shalt  }
0x76: {  	_ =	shalt  }
0x77: {  	_ =	shalt  }
0x78: {  	_ =	shalt  }
0x79: {  	_ =	shalt  }
0x7a: {  	_ =	shalt  }
0x7b: {  	_ =	shalt  }
0x7c: {  	_ =	shalt  }
0x7d: {  	_ =	shalt  }
0x7e: {  	_ =	shalt  }
0x7f: {  	_ =	shalt  }
0x80: {  	_ =	shalt  }
0x81: {  	_ =	shalt  }
0x82: {  	_ =	shalt  }
0x83: {  	_ =	shalt  }
0x84: {  	_ =	shalt  }
0x85: {  	_ =	shalt  }
0x86: {  	_ =	shalt  }
0x87: {  	_ =	shalt  }
.Lfunc_end0:
.L_simem_size_0:
called_computation.2_lowered:
.L_overlay_start_0:
0x88: {  	s2 =	sld [smem:$0x3FD9]  }
0x89: {  	s3 =	sld [smem:$0x3FFE];
	_ =	sdelay $0x1  }
0x8a: {  	s1 =	srdreg.scid  }
0x8b: {  	s0 =	sand.u32 $0x1, s1  }
0x8c: {  	s17 =	sshll.u32 s0, $0xA;
	s2 =	sadd.s32 s3, s2  }
0x8d: {  	s2 =	sadd.s32 s2, s17  }
0x8e: {  	[smem:$0x3FC0] =	sst s2  }
0x8f: {  	_ = 	snop  }
0x90: {  	s2 =	sld [smem:$0x3FD0];
	(tm) =	ssettm $0x1  }
0x91: {  	s18 =	sld [smem:$0x3FFB];
	_ =	sdelay $0x3  }
0x92: {  	_ =	strace s18  }
0x93: {  	s3 =	sld [smem:$0x3FFC];
	_ =	sdelay $0x3  }
0x94: {  	_ =	strace s3  }
0x95: {  	s3 =	sld [smem:$0x3FFD];
	_ =	sdelay $0x3  }
0x96: {  	_ =	strace s3  }
0x97: {  	_ =	strace $0x8FFFFFFF  }
0x98: {  	s19 =	sld [smem:$0x3FDB];
	_ =	sdelay $0x1  }
0x99: {  	s4 =	simm.s32 $_scs_section_size  }
0x9a: {  	s5 =	simm.s32 $_size__tile_overlayer_lowered;
	s6 =	simm.s32 $_tile_overlayer_lowered  }
0x9b: {  	s22 =	simm.s32 $0x1BFF;
	s21 =	sshll.u32 s6, $0x1;
	s3 =	sadd.s32 s4, s19  }
0x9c: {  	s7 =	simm.s32 $0x0;
	s20 =	sshll.u32 s5, $0x1;
	s5 =	sadd.s32 s21, s3  }
0x9d: {  	[timem:s7], [sflag:s22] =	dma.local [hbm:s5], s20  }
0x9e: {  	_ =	swait.ge [sflag:s22], s20  }
0x9f: {  	s4 =	ssub.s32 $0x0, s20;
	[sflag:s22] =	ssyncset.done $0x0  }
0xa0: {  	[sflag:s22] =	ssyncadd.s32 s4;
	_ =	sdelay $0x1  }
0xa1: {  	s23 =	simm.s32 $0x1B8B  }
0xa2: {  	_ =	swait.ge [sflag:s23], $0x1  }
0xa3: {  	[sflag:s23] =	ssyncset.done $0x0  }
0xa4: {  	s25 =	simm.s32 $0x1B8E;
	s24 =	sld [smem:$0x3FFE];
	[sflag:s23] =	ssyncadd.s32 $0xFFFFFFFF  }
0xa5: {  	s26 =	simm.s32 $execute0_lowered;
	[smem:$0x3FD2] =	sst s25  }
0xa6: {  	s5 =	sshll.u32 s26, $0x1;
	_ =	strace $0x8000004C;
	[dreg:$0x1] =	wrdreg $0xFFFFFFFF  }
0xa7: {  	s28 =	simm.s32 $_size_execute0_lowered;
	s3 =	sadd.s32 s3, s5;
	[dreg:$0x0] =	wrdreg $0x0  }
0xa8: {  	s5 =	sshll.u32 s28, $0x1;
	[dreg:$0x2] =	wrdreg s3  }
0xa9: {  	[dreg:$0x3] =	wrdreg s5  }
0xaa: {  	[dreg:$0x4] =	wrdreg $0xC0  }
0xab: {  	_ =	task [dreg:s7], $0x5FFFF  }
0xac: {  	[dreg:$0x1] =	wrdreg $0xFFFFFFFF  }
0xad: {  	[dreg:$0x0] =	wrdreg $0x60  }
0xae: {  	[dreg:$0x2] =	wrdreg s24  }
0xaf: {  	[dreg:$0x3] =	wrdreg s2  }
0xb0: {  	[dreg:$0x4] =	wrdreg $0x70000  }
0xb1: {  	[dreg:$0x5] =	wrdreg $0xC0000  }
0xb2: {  	[dreg:$0x6] =	wrdreg $0x9  }
0xb3: {  	_ =	task.clear_ibuf [dreg:s7], $0x7FFFF;
	_ =	strace $0x9000004C  }
0xb4: {  	s29 =	simm.s32 $0x9;
	_ =	strace $0x8000004E  }
0xb5: {  	_ =	swait.ge [sflag:s29], $0x1  }
0xb6: {  	[sflag:s29] =	ssyncadd.s32 $0xFFFFFFFF  }
0xb7: {  	_ =	strace $0x9000004E  }
0xb8: {  	_ =	sfence  }
0xb9: {  	s30 =	sld [smem:$0x0];
	_ =	sdelay $0x2  }
0xba: {  	s31 =	sshll.u32 s1, $0xD;
	s1 =	sshrl.u32 s1, $0x2  }
0xbb: {  	s3 =	sand.u32 $0x4000, s31;
	s1 =	sadd.s32 s1, s30  }
0xbc: {  	s0 =	sor.u32 s3, s0;
	s1 =	sshll.u32 s1, $0x11  }
0xbd: {  	s0 =	sor.u32 s1, s0  }
0xbe: {  	s0 =	sadd.s32 $0x8F2B, s0  }
0xbf: {  	[sflag:s0] =	ssyncadd.remote.s32 $0x1  }
0xc0: {  	_ =	sfence.sel $0xFFFF  }
0xc1: {  	[dreg:$0x0] =	wrdreg $0xFFFFFFFF;
	(pc) =	sbr.abs _section_cstart, $3  }
0xc2: {  	[dreg:$0x1] =	wrdreg $0xFFFFFFFF  }
0xc3: {  	_ =	task.clear_ibuf [dreg:s7], $0x2FFFF;
	_ =	strace $0x9FFFFFFF  }
0xc4: {  	(tm) =	ssettm $0x7FFFFFFF  }
0xc5: {  	_ =	shalt  }
tec
execute0_lowered:
.L_overlay_start_1:
0x0: {  	(tag) =	ssettag $0x1  }
0x1: {  	s0 =	rddreg [dreg:$0x0]  }
0x2: {  	s1 =	rddreg [dreg:$0x1]  }
0x3: {  	s2 =	rddreg [dreg:$0x2]  }
0x4: {  	s3 =	rddreg [dreg:$0x3]  }
0x5: {  	s17 =	stileid.u32;
	s4 =	srdreg.scid;
	s28 =	simm.s32 $0x2  }
0x6: {  	s29 =	simm.s32 $0x2780;
	s30 =	simm.s32 $0x4F00;
	s31 =	simm.s32 $0x4F80  }
0x7: {  	s5 =	smul.u32 $0x14000, s17;
	s6 =	sand.u32 $0x1, s4;
	s7 =	sshll.u32 s17, $0x1  }
0x8: {  	s4 =	simm.s32 $0x0;
	s23 =	smul.u32 $0x5000, s17;
	s26 =	sshll.u32 s17, $0x6  }
0x9: {  	s17 =	simm.s32 $0x3;
	s7 =	sor.u32 s6, s7;
	s8 =	smul.u32 $0x140000, s6  }
0xa: {  	[smem:$0x7FF] =	sst s4;
	s6 =	ssub.s32 $0x2, s6;
	s19 =	sor.u32 $0x1C03, s26  }
0xb: {  	s26 =	simm.s32 $0x6000;
	s9 =	sshrl.u32 s5, $0x3;
	s7 =	smul.u32 $0x500, s7  }
0xc: {  	_ =	strace $0x8000004D;
	s22 =	sshrl.u32 s6, $0x1;
	s25 =	sadd.s32 s23, s2  }
0xd: {  	s14 =	sadd.s32 s9, s0;
	s5 =	sadd.s32 s5, s8;
	s16 =	ssub.s32 s6, s22  }
0xe: {  	s8 =	sadd.s32 s23, s3;
	s20 =	sshrl.u32 s25, $0x3;
	s22 =	simm.s32 $0x4  }
0xf: {  	s23 =	simm.s32 $0x10;
	s25 =	simm.s32 $0x5000;
	s21 =	sadd.s32 s7, s0  }
0x10: {  	s5 =	sshrl.u32 s5, $0x3;
	s1 =	sadd.s32 s1, s7;
	s7 =	sadd.s32 $0x22E00, s14  }
0x11: {  	s10 =	sadd.s32 $0x22E04, s14;
	s12 =	sadd.s32 $0x22E08, s14;
	s14 =	sadd.s32 $0x22E0C, s14  }
0x12: {  	s16 =	smax.u32 s16, $0x1;
	s24 =	sadd.s32 $0x18E00, s21;
	[dreg:$0x6] =	wrdreg s1  }
0x13: {  	s0 =	sadd.s32 s5, s0;
	s21 =	simm.s32 $0x1;
	[dreg:$0x5] =	wrdreg s24  }
0x14: {  	s9 =	sadd.s32 $0x4AE00, s0;
	s11 =	sadd.s32 $0x4AE04, s0;
	s13 =	sadd.s32 $0x4AE08, s0  }
0x15: {  	s15 =	sadd.s32 $0x4AE0C, s0;
	s24 =	simm.s32 $0x80;
	s0 =	simm.s32 $0x0  }
.LBB2_1:
0x16: {  	s1 =	rddreg [dreg:$0x5]  }
0x17: {  	[tilespmem:s4], [sflag:$0x3] =	stream.linear.gather [hbm4b:s1+s4], $0x2800, $0x38;
	[tilespmem:$0x11000] =	vst v63  }
0x18: {  	_ =	swait.ge [sflag:s17], $0x2800  }
0x19: {  	[sflag:s17] =	ssyncset.done $0x0  }
0x1a: {  	s5 =	simm.s32 $0x2800;
	s18 =	rddreg [dreg:$0x6];
	[sflag:s17] =	ssyncadd.s32 $0xFFFFD800  }
0x1b: {  	[tilespmem:s5], [sflag:$0x3] =	stream.linear.gather [hbm4b:s18+s4], $0x2800, $0x38;
	[tilespmem:$0x11000] =	vst v63  }
0x1c: {  	_ =	swait.ge [sflag:s17], $0x2800  }
0x1d: {  	[sflag:s17] =	ssyncset.done $0x0  }
0x1e: {  	[sflag:s17] =	ssyncadd.s32 $0xFFFFD800  }
0x1f: {  	[spmem:s20@s22], [sflag:s19] =	dma.strided [hbm:s7@s23], $0xA00, s21, $0x4   }
0x20: {  	_ =	swait.ge [sflag:s17], $0xA00  }
0x21: {  	[sflag:s17] =	ssyncset.done $0x0  }
0x22: {  	s1 =	sshrl.u32 s8, $0x3;
	[sflag:s17] =	ssyncadd.s32 $0xFFFFF600  }
0x23: {  	[spmem:s1@s22], [sflag:s19] =	dma.strided [hbm:s7@s23], $0xA00, s21, $0x4   }
0x24: {  	_ =	swait.ge [sflag:s17], $0xA00  }
0x25: {  	[sflag:s17] =	ssyncset.done $0x0  }
0x26: {  	[sflag:s17] =	ssyncadd.s32 $0xFFFFF600  }
0x27: {  	[bflag:$0x0] =	sbarrier.arrive $0xFFFF  }
0x28: {  	[tilespmem:s25], [sflag:$0x1] =	stream.indirect.gather [spmem:s2], $0x20, s4, s24, $0xb8;
	[tilespmem:$0x11000] =	vst v63  }
0x29: {  	_ =	swait.ge [sflag:s21], $0x1000  }
0x2a: {  	[sflag:s21] =	ssyncset.done $0x0  }
0x2b: {  	s18 =	simm.s32 $0x80;
	[sflag:s21] =	ssyncadd.s32 $0xFFFFF000  }
0x2c: {  	[tilespmem:s26], [sflag:$0x2] =	stream.indirect.gather [spmem:s2], $0x20, s18, s24, $0xb8;
	[tilespmem:$0x11000] =	vst v63  }
0x2d: {  	s6 =	simm.s32 $0x2800  }
0x2e: {  	[spmem:s3] =	stream.indirect.scatter.add.f32 [tilespmem:s25], [sflag:$0x3], $0x20, s6, s24, $0xb8;
	[tilespmem:$0x11000] =	vst v63  }
0x2f: {  	_ =	swait.ge [sflag:s17], $0x1000  }
0x30: {  	[sflag:s17] =	ssyncset.done $0x0  }
0x31: {  	[sflag:s17] =	ssyncadd.s32 $0xFFFFF000  }
0x32: {  	_ =	swait.ge [sflag:s28], $0x1000  }
0x33: {  	[sflag:s28] =	ssyncset.done $0x0  }
0x34: {  	s5 =	simm.s32 $0x100;
	[sflag:s28] =	ssyncadd.s32 $0xFFFFF000  }
0x35: {  	[tilespmem:s25], [sflag:$0x1] =	stream.indirect.gather [spmem:s2], $0x20, s5, s24, $0xb8;
	[tilespmem:$0x11000] =	vst v63  }
0x36: {  	s6 =	simm.s32 $0x2880  }
0x37: {  	[spmem:s3] =	stream.indirect.scatter.add.f32 [tilespmem:s26], [sflag:$0x3], $0x20, s6, s24, $0xb8;
	[tilespmem:$0x11000] =	vst v63  }
0x38: {  	_ =	swait.ge [sflag:s17], $0x1000  }
0x39: {  	s18 =	simm.s32 $0x400;
	[sflag:s17] =	ssyncset.done $0x0  }
.LBB2_2:
0x3a: {  	p0 =	sne.s32 s18, $0x9800  }
0x3b: {  	[sflag:s17] =	ssyncadd.s32 $0xFFFFF000;
	s5 =	smov.u32 s18;
	s18 =	sadd.s32 $0x400, s18  }
0x3c: {  	_ = 	snop  }
0x3d: {  	_ =	swait.ge [sflag:s21], $0x1000  }
0x3e: {  	s5 =	sshra.s32 s5, $0x2;
	[sflag:s21] =	ssyncset.done $0x0  }
0x3f: {  	s6 =	sadd.s32 $0x80, s5;
	[sflag:s21] =	ssyncadd.s32 $0xFFFFF000  }
0x40: {  	[tilespmem:s26], [sflag:$0x2] =	stream.indirect.gather [spmem:s2], $0x20, s6, s24, $0xb8;
	[tilespmem:$0x11000] =	vst v63  }
0x41: {  	s6 =	sadd.s32 $0x2800, s5  }
0x42: {  	[spmem:s3] =	stream.indirect.scatter.add.f32 [tilespmem:s25], [sflag:$0x3], $0x20, s6, s24, $0xb8;
	[tilespmem:$0x11000] =	vst v63  }
0x43: {  	_ =	swait.ge [sflag:s17], $0x1000  }
0x44: {  	[sflag:s17] =	ssyncset.done $0x0  }
0x45: {  	[sflag:s17] =	ssyncadd.s32 $0xFFFFF000  }
0x46: {  	_ =	swait.ge [sflag:s28], $0x1000  }
0x47: {  	[sflag:s28] =	ssyncset.done $0x0  }
0x48: {  	s6 =	sadd.s32 $0x100, s5;
	[sflag:s28] =	ssyncadd.s32 $0xFFFFF000  }
0x49: {  	[tilespmem:s25], [sflag:$0x1] =	stream.indirect.gather [spmem:s2], $0x20, s6, s24, $0xb8;
	[tilespmem:$0x11000] =	vst v63  }
.Ltmp0:
0x4a: {  	_ = 	snop;
	(pc) =	sbr.rel @p0 .LBB2_2-.Ltmp0, $4  }
0x4b: {  	s5 =	sadd.s32 $0x2880, s5  }
0x4c: {  	[spmem:s3] =	stream.indirect.scatter.add.f32 [tilespmem:s26], [sflag:$0x3], $0x20, s5, s24, $0xb8;
	[tilespmem:$0x11000] =	vst v63  }
0x4d: {  	_ =	swait.ge [sflag:s17], $0x1000  }
0x4e: {  	[sflag:s17] =	ssyncset.done $0x0  }
0x4f: {  	[sflag:s17] =	ssyncadd.s32 $0xFFFFF000  }
0x50: {  	_ =	swait.ge [sflag:s21], $0x1000  }
0x51: {  	[sflag:s21] =	ssyncset.done $0x0  }
0x52: {  	[sflag:s21] =	ssyncadd.s32 $0xFFFFF000  }
0x53: {  	[tilespmem:s26], [sflag:$0x2] =	stream.indirect.gather [spmem:s2], $0x20, s29, s24, $0xb8;
	[tilespmem:$0x11000] =	vst v63  }
0x54: {  	_ = 	snop  }
0x55: {  	[spmem:s3] =	stream.indirect.scatter.add.f32 [tilespmem:s25], [sflag:$0x3], $0x20, s30, s24, $0xb8;
	[tilespmem:$0x11000] =	vst v63  }
0x56: {  	_ =	swait.ge [sflag:s17], $0x1000  }
0x57: {  	[sflag:s17] =	ssyncset.done $0x0  }
0x58: {  	[sflag:s17] =	ssyncadd.s32 $0xFFFFF000  }
0x59: {  	_ =	swait.ge [sflag:s28], $0x1000  }
0x5a: {  	[sflag:s28] =	ssyncset.done $0x0  }
0x5b: {  	s5 =	simm.s32 $0x0;
	[sflag:s28] =	ssyncadd.s32 $0xFFFFF000  }
0x5c: {  	[tilespmem:s25], [sflag:$0x1] =	stream.indirect.gather [spmem:s2], $0x20, s5, s24, $0xb8;
	[tilespmem:$0x11000] =	vst v63  }
0x5d: {  	_ = 	snop  }
0x5e: {  	[spmem:s3] =	stream.indirect.scatter.add.f32 [tilespmem:s26], [sflag:$0x3], $0x20, s31, s24, $0xb8;
	[tilespmem:$0x11000] =	vst v63  }
0x5f: {  	_ =	swait.ge [sflag:s17], $0x1000  }
0x60: {  	[sflag:s17] =	ssyncset.done $0x0  }
0x61: {  	[sflag:s17] =	ssyncadd.s32 $0xFFFFF000  }
0x62: {  	_ =	swait.ge [sflag:s21], $0x1000  }
0x63: {  	[sflag:s21] =	ssyncset.done $0x0  }
0x64: {  	[sflag:s21] =	ssyncadd.s32 $0xFFFFF000  }
0x65: {  	[bflag:$0x0] =	sbarrier.arrive $0xFFFF  }
0x66: {  	[hbm:s9@s23], [sflag:s19] =	dma.strided [spmem:s1@s22], $0xA00, s21, $0x4   }
0x67: {  	_ =	swait.ge [sflag:s17], $0xA00  }
0x68: {  	[sflag:s17] =	ssyncset.done $0x0  }
0x69: {  	[sflag:s17] =	ssyncadd.s32 $0xFFFFF600  }
0x6a: {  	[spmem:s20@s22], [sflag:s19] =	dma.strided [hbm:s10@s23], $0xA00, s21, $0x4   }
0x6b: {  	_ =	swait.ge [sflag:s17], $0xA00  }
0x6c: {  	[sflag:s17] =	ssyncset.done $0x0  }
0x6d: {  	[sflag:s17] =	ssyncadd.s32 $0xFFFFF600  }
0x6e: {  	[spmem:s1@s22], [sflag:s19] =	dma.strided [hbm:s10@s23], $0xA00, s21, $0x4   }
0x6f: {  	_ =	swait.ge [sflag:s17], $0xA00  }
0x70: {  	[sflag:s17] =	ssyncset.done $0x0  }
0x71: {  	[sflag:s17] =	ssyncadd.s32 $0xFFFFF600  }
0x72: {  	[bflag:$0x0] =	sbarrier.arrive $0xFFFF  }
0x73: {  	[tilespmem:s25], [sflag:$0x1] =	stream.indirect.gather [spmem:s2], $0x20, s5, s24, $0xb8;
	[tilespmem:$0x11000] =	vst v63  }
0x74: {  	_ =	swait.ge [sflag:s21], $0x1000  }
0x75: {  	[sflag:s21] =	ssyncset.done $0x0  }
0x76: {  	s6 =	simm.s32 $0x80;
	[sflag:s21] =	ssyncadd.s32 $0xFFFFF000  }
0x77: {  	[tilespmem:s26], [sflag:$0x2] =	stream.indirect.gather [spmem:s2], $0x20, s6, s24, $0xb8;
	[tilespmem:$0x11000] =	vst v63  }
0x78: {  	s18 =	simm.s32 $0x2800  }
0x79: {  	[spmem:s3] =	stream.indirect.scatter.add.f32 [tilespmem:s25], [sflag:$0x3], $0x20, s18, s24, $0xb8;
	[tilespmem:$0x11000] =	vst v63  }
0x7a: {  	_ =	swait.ge [sflag:s17], $0x1000  }
0x7b: {  	[sflag:s17] =	ssyncset.done $0x0  }
0x7c: {  	[sflag:s17] =	ssyncadd.s32 $0xFFFFF000  }
0x7d: {  	_ =	swait.ge [sflag:s28], $0x1000  }
0x7e: {  	[sflag:s28] =	ssyncset.done $0x0  }
0x7f: {  	s6 =	simm.s32 $0x100;
	[sflag:s28] =	ssyncadd.s32 $0xFFFFF000  }
0x80: {  	[tilespmem:s25], [sflag:$0x1] =	stream.indirect.gather [spmem:s2], $0x20, s6, s24, $0xb8;
	[tilespmem:$0x11000] =	vst v63  }
0x81: {  	s18 =	simm.s32 $0x2880  }
0x82: {  	[spmem:s3] =	stream.indirect.scatter.add.f32 [tilespmem:s26], [sflag:$0x3], $0x20, s18, s24, $0xb8;
	[tilespmem:$0x11000] =	vst v63  }
0x83: {  	_ =	swait.ge [sflag:s17], $0x1000  }
0x84: {  	s18 =	simm.s32 $0x400;
	[sflag:s17] =	ssyncset.done $0x0  }
.LBB2_4:
0x85: {  	p0 =	sne.s32 s18, $0x9800  }
0x86: {  	[sflag:s17] =	ssyncadd.s32 $0xFFFFF000;
	s5 =	smov.u32 s18;
	s18 =	sadd.s32 $0x400, s18  }
0x87: {  	_ = 	snop  }
0x88: {  	_ =	swait.ge [sflag:s21], $0x1000  }
0x89: {  	s5 =	sshra.s32 s5, $0x2;
	[sflag:s21] =	ssyncset.done $0x0  }
0x8a: {  	s6 =	sadd.s32 $0x80, s5;
	[sflag:s21] =	ssyncadd.s32 $0xFFFFF000  }
0x8b: {  	[tilespmem:s26], [sflag:$0x2] =	stream.indirect.gather [spmem:s2], $0x20, s6, s24, $0xb8;
	[tilespmem:$0x11000] =	vst v63  }
0x8c: {  	s6 =	sadd.s32 $0x2800, s5  }
0x8d: {  	[spmem:s3] =	stream.indirect.scatter.add.f32 [tilespmem:s25], [sflag:$0x3], $0x20, s6, s24, $0xb8;
	[tilespmem:$0x11000] =	vst v63  }
0x8e: {  	_ =	swait.ge [sflag:s17], $0x1000  }
0x8f: {  	[sflag:s17] =	ssyncset.done $0x0  }
0x90: {  	[sflag:s17] =	ssyncadd.s32 $0xFFFFF000  }
0x91: {  	_ =	swait.ge [sflag:s28], $0x1000  }
0x92: {  	[sflag:s28] =	ssyncset.done $0x0  }
0x93: {  	s6 =	sadd.s32 $0x100, s5;
	[sflag:s28] =	ssyncadd.s32 $0xFFFFF000  }
0x94: {  	[tilespmem:s25], [sflag:$0x1] =	stream.indirect.gather [spmem:s2], $0x20, s6, s24, $0xb8;
	[tilespmem:$0x11000] =	vst v63  }
.Ltmp1:
0x95: {  	_ = 	snop;
	(pc) =	sbr.rel @p0 .LBB2_4-.Ltmp1, $4  }
0x96: {  	s5 =	sadd.s32 $0x2880, s5  }
0x97: {  	[spmem:s3] =	stream.indirect.scatter.add.f32 [tilespmem:s26], [sflag:$0x3], $0x20, s5, s24, $0xb8;
	[tilespmem:$0x11000] =	vst v63  }
0x98: {  	_ =	swait.ge [sflag:s17], $0x1000  }
0x99: {  	[sflag:s17] =	ssyncset.done $0x0  }
0x9a: {  	[sflag:s17] =	ssyncadd.s32 $0xFFFFF000  }
0x9b: {  	_ =	swait.ge [sflag:s21], $0x1000  }
0x9c: {  	[sflag:s21] =	ssyncset.done $0x0  }
0x9d: {  	[sflag:s21] =	ssyncadd.s32 $0xFFFFF000  }
0x9e: {  	[tilespmem:s26], [sflag:$0x2] =	stream.indirect.gather [spmem:s2], $0x20, s29, s24, $0xb8;
	[tilespmem:$0x11000] =	vst v63  }
0x9f: {  	_ = 	snop  }
0xa0: {  	[spmem:s3] =	stream.indirect.scatter.add.f32 [tilespmem:s25], [sflag:$0x3], $0x20, s30, s24, $0xb8;
	[tilespmem:$0x11000] =	vst v63  }
0xa1: {  	_ =	swait.ge [sflag:s17], $0x1000  }
0xa2: {  	[sflag:s17] =	ssyncset.done $0x0  }
0xa3: {  	[sflag:s17] =	ssyncadd.s32 $0xFFFFF000  }
0xa4: {  	_ =	swait.ge [sflag:s28], $0x1000  }
0xa5: {  	[sflag:s28] =	ssyncset.done $0x0  }
0xa6: {  	s5 =	simm.s32 $0x0;
	[sflag:s28] =	ssyncadd.s32 $0xFFFFF000  }
0xa7: {  	[tilespmem:s25], [sflag:$0x1] =	stream.indirect.gather [spmem:s2], $0x20, s5, s24, $0xb8;
	[tilespmem:$0x11000] =	vst v63  }
0xa8: {  	_ = 	snop  }
0xa9: {  	[spmem:s3] =	stream.indirect.scatter.add.f32 [tilespmem:s26], [sflag:$0x3], $0x20, s31, s24, $0xb8;
	[tilespmem:$0x11000] =	vst v63  }
0xaa: {  	_ =	swait.ge [sflag:s17], $0x1000  }
0xab: {  	[sflag:s17] =	ssyncset.done $0x0  }
0xac: {  	[sflag:s17] =	ssyncadd.s32 $0xFFFFF000  }
0xad: {  	_ =	swait.ge [sflag:s21], $0x1000  }
0xae: {  	[sflag:s21] =	ssyncset.done $0x0  }
0xaf: {  	[sflag:s21] =	ssyncadd.s32 $0xFFFFF000  }
0xb0: {  	[bflag:$0x0] =	sbarrier.arrive $0xFFFF  }
0xb1: {  	[hbm:s11@s23], [sflag:s19] =	dma.strided [spmem:s1@s22], $0xA00, s21, $0x4   }
0xb2: {  	_ =	swait.ge [sflag:s17], $0xA00  }
0xb3: {  	[sflag:s17] =	ssyncset.done $0x0  }
0xb4: {  	[sflag:s17] =	ssyncadd.s32 $0xFFFFF600  }
0xb5: {  	[spmem:s20@s22], [sflag:s19] =	dma.strided [hbm:s12@s23], $0xA00, s21, $0x4   }
0xb6: {  	_ =	swait.ge [sflag:s17], $0xA00  }
0xb7: {  	[sflag:s17] =	ssyncset.done $0x0  }
0xb8: {  	[sflag:s17] =	ssyncadd.s32 $0xFFFFF600  }
0xb9: {  	[spmem:s1@s22], [sflag:s19] =	dma.strided [hbm:s12@s23], $0xA00, s21, $0x4   }
0xba: {  	_ =	swait.ge [sflag:s17], $0xA00  }
0xbb: {  	[sflag:s17] =	ssyncset.done $0x0  }
0xbc: {  	[sflag:s17] =	ssyncadd.s32 $0xFFFFF600  }
0xbd: {  	[bflag:$0x0] =	sbarrier.arrive $0xFFFF  }
0xbe: {  	[tilespmem:s25], [sflag:$0x1] =	stream.indirect.gather [spmem:s2], $0x20, s5, s24, $0xb8;
	[tilespmem:$0x11000] =	vst v63  }
0xbf: {  	_ =	swait.ge [sflag:s21], $0x1000  }
0xc0: {  	[sflag:s21] =	ssyncset.done $0x0  }
0xc1: {  	s6 =	simm.s32 $0x80;
	[sflag:s21] =	ssyncadd.s32 $0xFFFFF000  }
0xc2: {  	[tilespmem:s26], [sflag:$0x2] =	stream.indirect.gather [spmem:s2], $0x20, s6, s24, $0xb8;
	[tilespmem:$0x11000] =	vst v63  }
0xc3: {  	s18 =	simm.s32 $0x2800  }
0xc4: {  	[spmem:s3] =	stream.indirect.scatter.add.f32 [tilespmem:s25], [sflag:$0x3], $0x20, s18, s24, $0xb8;
	[tilespmem:$0x11000] =	vst v63  }
0xc5: {  	_ =	swait.ge [sflag:s17], $0x1000  }
0xc6: {  	[sflag:s17] =	ssyncset.done $0x0  }
0xc7: {  	[sflag:s17] =	ssyncadd.s32 $0xFFFFF000  }
0xc8: {  	_ =	swait.ge [sflag:s28], $0x1000  }
0xc9: {  	[sflag:s28] =	ssyncset.done $0x0  }
0xca: {  	s6 =	simm.s32 $0x100;
	[sflag:s28] =	ssyncadd.s32 $0xFFFFF000  }
0xcb: {  	[tilespmem:s25], [sflag:$0x1] =	stream.indirect.gather [spmem:s2], $0x20, s6, s24, $0xb8;
	[tilespmem:$0x11000] =	vst v63  }
0xcc: {  	s18 =	simm.s32 $0x2880  }
0xcd: {  	[spmem:s3] =	stream.indirect.scatter.add.f32 [tilespmem:s26], [sflag:$0x3], $0x20, s18, s24, $0xb8;
	[tilespmem:$0x11000] =	vst v63  }
0xce: {  	_ =	swait.ge [sflag:s17], $0x1000  }
0xcf: {  	s18 =	simm.s32 $0x400;
	[sflag:s17] =	ssyncset.done $0x0  }
.LBB2_6:
0xd0: {  	p0 =	sne.s32 s18, $0x9800  }
0xd1: {  	[sflag:s17] =	ssyncadd.s32 $0xFFFFF000;
	s5 =	smov.u32 s18;
	s18 =	sadd.s32 $0x400, s18  }
0xd2: {  	_ = 	snop  }
0xd3: {  	_ =	swait.ge [sflag:s21], $0x1000  }
0xd4: {  	s5 =	sshra.s32 s5, $0x2;
	[sflag:s21] =	ssyncset.done $0x0  }
0xd5: {  	s6 =	sadd.s32 $0x80, s5;
	[sflag:s21] =	ssyncadd.s32 $0xFFFFF000  }
0xd6: {  	[tilespmem:s26], [sflag:$0x2] =	stream.indirect.gather [spmem:s2], $0x20, s6, s24, $0xb8;
	[tilespmem:$0x11000] =	vst v63  }
0xd7: {  	s6 =	sadd.s32 $0x2800, s5  }
0xd8: {  	[spmem:s3] =	stream.indirect.scatter.add.f32 [tilespmem:s25], [sflag:$0x3], $0x20, s6, s24, $0xb8;
	[tilespmem:$0x11000] =	vst v63  }
0xd9: {  	_ =	swait.ge [sflag:s17], $0x1000  }
0xda: {  	[sflag:s17] =	ssyncset.done $0x0  }
0xdb: {  	[sflag:s17] =	ssyncadd.s32 $0xFFFFF000  }
0xdc: {  	_ =	swait.ge [sflag:s28], $0x1000  }
0xdd: {  	[sflag:s28] =	ssyncset.done $0x0  }
0xde: {  	s6 =	sadd.s32 $0x100, s5;
	[sflag:s28] =	ssyncadd.s32 $0xFFFFF000  }
0xdf: {  	[tilespmem:s25], [sflag:$0x1] =	stream.indirect.gather [spmem:s2], $0x20, s6, s24, $0xb8;
	[tilespmem:$0x11000] =	vst v63  }
.Ltmp2:
0xe0: {  	_ = 	snop;
	(pc) =	sbr.rel @p0 .LBB2_6-.Ltmp2, $4  }
0xe1: {  	s5 =	sadd.s32 $0x2880, s5  }
0xe2: {  	[spmem:s3] =	stream.indirect.scatter.add.f32 [tilespmem:s26], [sflag:$0x3], $0x20, s5, s24, $0xb8;
	[tilespmem:$0x11000] =	vst v63  }
0xe3: {  	_ =	swait.ge [sflag:s17], $0x1000  }
0xe4: {  	[sflag:s17] =	ssyncset.done $0x0  }
0xe5: {  	[sflag:s17] =	ssyncadd.s32 $0xFFFFF000  }
0xe6: {  	_ =	swait.ge [sflag:s21], $0x1000  }
0xe7: {  	[sflag:s21] =	ssyncset.done $0x0  }
0xe8: {  	[sflag:s21] =	ssyncadd.s32 $0xFFFFF000  }
0xe9: {  	[tilespmem:s26], [sflag:$0x2] =	stream.indirect.gather [spmem:s2], $0x20, s29, s24, $0xb8;
	[tilespmem:$0x11000] =	vst v63  }
0xea: {  	_ = 	snop  }
0xeb: {  	[spmem:s3] =	stream.indirect.scatter.add.f32 [tilespmem:s25], [sflag:$0x3], $0x20, s30, s24, $0xb8;
	[tilespmem:$0x11000] =	vst v63  }
0xec: {  	_ =	swait.ge [sflag:s17], $0x1000  }
0xed: {  	[sflag:s17] =	ssyncset.done $0x0  }
0xee: {  	[sflag:s17] =	ssyncadd.s32 $0xFFFFF000  }
0xef: {  	_ =	swait.ge [sflag:s28], $0x1000  }
0xf0: {  	[sflag:s28] =	ssyncset.done $0x0  }
0xf1: {  	s5 =	simm.s32 $0x0;
	[sflag:s28] =	ssyncadd.s32 $0xFFFFF000  }
0xf2: {  	[tilespmem:s25], [sflag:$0x1] =	stream.indirect.gather [spmem:s2], $0x20, s5, s24, $0xb8;
	[tilespmem:$0x11000] =	vst v63  }
0xf3: {  	_ = 	snop  }
0xf4: {  	[spmem:s3] =	stream.indirect.scatter.add.f32 [tilespmem:s26], [sflag:$0x3], $0x20, s31, s24, $0xb8;
	[tilespmem:$0x11000] =	vst v63  }
0xf5: {  	_ =	swait.ge [sflag:s17], $0x1000  }
0xf6: {  	[sflag:s17] =	ssyncset.done $0x0  }
0xf7: {  	[sflag:s17] =	ssyncadd.s32 $0xFFFFF000  }
0xf8: {  	_ =	swait.ge [sflag:s21], $0x1000  }
0xf9: {  	[sflag:s21] =	ssyncset.done $0x0  }
0xfa: {  	[sflag:s21] =	ssyncadd.s32 $0xFFFFF000  }
0xfb: {  	[bflag:$0x0] =	sbarrier.arrive $0xFFFF  }
0xfc: {  	[hbm:s13@s23], [sflag:s19] =	dma.strided [spmem:s1@s22], $0xA00, s21, $0x4   }
0xfd: {  	_ =	swait.ge [sflag:s17], $0xA00  }
0xfe: {  	[sflag:s17] =	ssyncset.done $0x0  }
0xff: {  	[sflag:s17] =	ssyncadd.s32 $0xFFFFF600  }
0x100: {  	[spmem:s20@s22], [sflag:s19] =	dma.strided [hbm:s14@s23], $0xA00, s21, $0x4   }
0x101: {  	_ =	swait.ge [sflag:s17], $0xA00  }
0x102: {  	[sflag:s17] =	ssyncset.done $0x0  }
0x103: {  	[sflag:s17] =	ssyncadd.s32 $0xFFFFF600  }
0x104: {  	[spmem:s1@s22], [sflag:s19] =	dma.strided [hbm:s14@s23], $0xA00, s21, $0x4   }
0x105: {  	_ =	swait.ge [sflag:s17], $0xA00  }
0x106: {  	[sflag:s17] =	ssyncset.done $0x0  }
0x107: {  	[sflag:s17] =	ssyncadd.s32 $0xFFFFF600  }
0x108: {  	[bflag:$0x0] =	sbarrier.arrive $0xFFFF  }
0x109: {  	[tilespmem:s25], [sflag:$0x1] =	stream.indirect.gather [spmem:s2], $0x20, s5, s24, $0xb8;
	[tilespmem:$0x11000] =	vst v63  }
0x10a: {  	_ =	swait.ge [sflag:s21], $0x1000  }
0x10b: {  	[sflag:s21] =	ssyncset.done $0x0  }
0x10c: {  	s6 =	simm.s32 $0x80;
	[sflag:s21] =	ssyncadd.s32 $0xFFFFF000  }
0x10d: {  	[tilespmem:s26], [sflag:$0x2] =	stream.indirect.gather [spmem:s2], $0x20, s6, s24, $0xb8;
	[tilespmem:$0x11000] =	vst v63  }
0x10e: {  	s18 =	simm.s32 $0x2800  }
0x10f: {  	[spmem:s3] =	stream.indirect.scatter.add.f32 [tilespmem:s25], [sflag:$0x3], $0x20, s18, s24, $0xb8;
	[tilespmem:$0x11000] =	vst v63  }
0x110: {  	_ =	swait.ge [sflag:s17], $0x1000  }
0x111: {  	[sflag:s17] =	ssyncset.done $0x0  }
0x112: {  	[sflag:s17] =	ssyncadd.s32 $0xFFFFF000  }
0x113: {  	_ =	swait.ge [sflag:s28], $0x1000  }
0x114: {  	[sflag:s28] =	ssyncset.done $0x0  }
0x115: {  	s6 =	simm.s32 $0x100;
	[sflag:s28] =	ssyncadd.s32 $0xFFFFF000  }
0x116: {  	[tilespmem:s25], [sflag:$0x1] =	stream.indirect.gather [spmem:s2], $0x20, s6, s24, $0xb8;
	[tilespmem:$0x11000] =	vst v63  }
0x117: {  	s18 =	simm.s32 $0x2880  }
0x118: {  	[spmem:s3] =	stream.indirect.scatter.add.f32 [tilespmem:s26], [sflag:$0x3], $0x20, s18, s24, $0xb8;
	[tilespmem:$0x11000] =	vst v63  }
0x119: {  	_ =	swait.ge [sflag:s17], $0x1000  }
0x11a: {  	s18 =	simm.s32 $0x400;
	[sflag:s17] =	ssyncset.done $0x0  }
.LBB2_8:
0x11b: {  	p0 =	sne.s32 s18, $0x9800  }
0x11c: {  	[sflag:s17] =	ssyncadd.s32 $0xFFFFF000;
	s5 =	smov.u32 s18;
	s18 =	sadd.s32 $0x400, s18  }
0x11d: {  	_ = 	snop  }
0x11e: {  	_ =	swait.ge [sflag:s21], $0x1000  }
0x11f: {  	s5 =	sshra.s32 s5, $0x2;
	[sflag:s21] =	ssyncset.done $0x0  }
0x120: {  	s6 =	sadd.s32 $0x80, s5;
	[sflag:s21] =	ssyncadd.s32 $0xFFFFF000  }
0x121: {  	[tilespmem:s26], [sflag:$0x2] =	stream.indirect.gather [spmem:s2], $0x20, s6, s24, $0xb8;
	[tilespmem:$0x11000] =	vst v63  }
0x122: {  	s6 =	sadd.s32 $0x2800, s5  }
0x123: {  	[spmem:s3] =	stream.indirect.scatter.add.f32 [tilespmem:s25], [sflag:$0x3], $0x20, s6, s24, $0xb8;
	[tilespmem:$0x11000] =	vst v63  }
0x124: {  	_ =	swait.ge [sflag:s17], $0x1000  }
0x125: {  	[sflag:s17] =	ssyncset.done $0x0  }
0x126: {  	[sflag:s17] =	ssyncadd.s32 $0xFFFFF000  }
0x127: {  	_ =	swait.ge [sflag:s28], $0x1000  }
0x128: {  	[sflag:s28] =	ssyncset.done $0x0  }
0x129: {  	s6 =	sadd.s32 $0x100, s5;
	[sflag:s28] =	ssyncadd.s32 $0xFFFFF000  }
0x12a: {  	[tilespmem:s25], [sflag:$0x1] =	stream.indirect.gather [spmem:s2], $0x20, s6, s24, $0xb8;
	[tilespmem:$0x11000] =	vst v63  }
.Ltmp3:
0x12b: {  	_ = 	snop;
	(pc) =	sbr.rel @p0 .LBB2_8-.Ltmp3, $4  }
0x12c: {  	s5 =	sadd.s32 $0x2880, s5  }
0x12d: {  	[spmem:s3] =	stream.indirect.scatter.add.f32 [tilespmem:s26], [sflag:$0x3], $0x20, s5, s24, $0xb8;
	[tilespmem:$0x11000] =	vst v63  }
0x12e: {  	_ =	swait.ge [sflag:s17], $0x1000  }
0x12f: {  	[sflag:s17] =	ssyncset.done $0x0  }
0x130: {  	[sflag:s17] =	ssyncadd.s32 $0xFFFFF000  }
0x131: {  	_ =	swait.ge [sflag:s21], $0x1000  }
0x132: {  	[sflag:s21] =	ssyncset.done $0x0  }
0x133: {  	[sflag:s21] =	ssyncadd.s32 $0xFFFFF000  }
0x134: {  	[tilespmem:s26], [sflag:$0x2] =	stream.indirect.gather [spmem:s2], $0x20, s29, s24, $0xb8;
	[tilespmem:$0x11000] =	vst v63  }
0x135: {  	_ = 	snop  }
0x136: {  	[spmem:s3] =	stream.indirect.scatter.add.f32 [tilespmem:s25], [sflag:$0x3], $0x20, s30, s24, $0xb8;
	[tilespmem:$0x11000] =	vst v63  }
0x137: {  	_ =	swait.ge [sflag:s17], $0x1000  }
0x138: {  	[sflag:s17] =	ssyncset.done $0x0  }
0x139: {  	[sflag:s17] =	ssyncadd.s32 $0xFFFFF000  }
0x13a: {  	_ =	swait.ge [sflag:s28], $0x1000  }
0x13b: {  	[sflag:s28] =	ssyncset.done $0x0  }
0x13c: {  	[sflag:s28] =	ssyncadd.s32 $0xFFFFF000  }
0x13d: {  	[tilespmem:s25], [sflag:$0x1] =	stream.indirect.gather [spmem:s2], $0x20, s4, s24, $0xb8;
	[tilespmem:$0x11000] =	vst v63  }
0x13e: {  	_ = 	snop  }
0x13f: {  	[spmem:s3] =	stream.indirect.scatter.add.f32 [tilespmem:s26], [sflag:$0x3], $0x20, s31, s24, $0xb8;
	[tilespmem:$0x11000] =	vst v63  }
0x140: {  	_ =	swait.ge [sflag:s17], $0x1000  }
0x141: {  	[sflag:s17] =	ssyncset.done $0x0  }
0x142: {  	[sflag:s17] =	ssyncadd.s32 $0xFFFFF000  }
0x143: {  	_ =	swait.ge [sflag:s21], $0x1000  }
0x144: {  	s0 =	sadd.s32 $0x1, s0;
	[sflag:s21] =	ssyncset.done $0x0  }
0x145: {  	p0 =	sne.s32 s0, s16;
	[sflag:s21] =	ssyncadd.s32 $0xFFFFF000  }
.Ltmp4:
0x146: {  	[bflag:$0x0] =	sbarrier.arrive $0xFFFF;
	(pc) =	sbr.rel @p0 .LBB2_1-.Ltmp4, $4  }
0x147: {  	[hbm:s15@s23], [sflag:s19] =	dma.strided [spmem:s1@s22], $0xA00, s21, $0x4   }
0x148: {  	_ =	swait.ge [sflag:s17], $0xA00  }
0x149: {  	[sflag:s17] =	ssyncset.done $0x0  }
0x14a: {  	[sflag:s17] =	ssyncadd.s32 $0xFFFFF600  }
0x14b: {  	_ =	sfence.sel $0x180000  }
0x14c: {  	[bflag:$0x0] =	sbarrier.arrive $0xFFFF  }
0x14d: {  	_ =	strace $0x9000004D  }
0x14e: {  	s0 =	stileid.u32;
	[bflag:$0x2] =	sbarrier.arrive $0xFFFF  }
0x14f: {  	p0 =	sne.s32 s0, $0x0;
	s0 =	rddreg [dreg:$0x4]  }
0x150: {  	s0 =	sadd.s32 @!p0 $0x100000, s0  }
0x151: {  	[sflag:s0] =	ssyncadd.tile.s32 @!p0 $0x1;
	_ =	shalt  }
.Lfunc_end2:
_tile_overlayer_lowered:
.L_overlay_start_2:
0x152: {  	(tag) =	ssettag $0x2  }
0x153: {  	s0 =	rddreg [dreg:$0x0];
	s2 =	stileid.u32  }
0x154: {  	s1 =	rddreg [dreg:$0x1];
	p0 =	sne.s32 s2, $0x0  }
0x155: {  	s3 =	rddreg [dreg:$0x2];
	[bflag:$0x3] =	sbarrier.arrive $0xFFFF;
	s2 =	simm.s32 @!p0 $0x1C03  }
0x156: {  	[timem:s3], [sflag:s2] =	dma.local @!p0 [hbm:s0], s1  }
0x157: {  	s0 =	simm.s32 @!p0 $0x3  }
0x158: {  	_ =	swait.ge @!p0 [sflag:s0], s1  }
0x159: {  	s1 =	ssub.s32 @!p0 $0x0, s1;
	[sflag:s0] =	ssyncset.done @!p0 $0x0  }
0x15a: {  	[sflag:s0] =	ssyncadd.s32 @!p0 s1  }
0x15b: {  	[bflag:$0x3] =	sbarrier.arrive $0xFFFF  }
0x15c: {  	_ =	shalt  }

</sc_bundles>
